<compile_context>
chip_gen: v7x
topology: tpu7x:2x2x1
jax: 0.10.2.dev20260603
libtpu: 0.0.44.dev20260713+nightly
codegen_flags: <defaults>
</compile_context>

<pallas_src>
import functools

import jax
import jax.numpy as jnp
from jax import lax
from jax.experimental import pallas as pl
from jax.experimental.pallas import tpu as pltpu
from jax.experimental.pallas import tpu_sc as plsc

LEAKY = 0.2
EPS = 1e-5
E_REAL = 10000
E_PAD = 10240
N_WORKERS = 32
E_PER_W = E_PAD // N_WORKERS
CHUNK = 32
N_CHUNKS = E_PER_W // CHUNK
E_TILE = 256


def _sc_gather(xT, idxR):
    C = xT.shape[1]
    n_gchunks = E_PAD // CHUNK
    mesh = plsc.VectorSubcoreMesh(core_axis_name="c", subcore_axis_name="s")

    @functools.partial(
        pl.kernel,
        mesh=mesh,
        out_type=jax.ShapeDtypeStruct((n_gchunks, 4 * CHUNK, C),
                                      jnp.float32),
        scratch_types=(
            [pltpu.VMEM((N_CHUNKS, 4 * CHUNK), jnp.int32)]
            + [pltpu.VMEM((4 * CHUNK, C), jnp.float32) for _ in range(2)]
            + [pltpu.SemaphoreType.DMA for _ in range(4)]
        ),
    )
    def k(x_hbm, idx_hbm, out,
          idx_v, b0, b1, g0, g1, w0, w1):
        bufs = (b0, b1)
        gsems = (g0, g1)
        wsems = (w0, w1)
        NB = 2
        wid = lax.axis_index("s") * 2 + lax.axis_index("c")
        gbase = wid * N_CHUNKS
        pltpu.sync_copy(idx_hbm.at[wid], idx_v)

        gcp = [None] * N_CHUNKS
        wcp = [None] * N_CHUNKS
        for c in range(NB - 1):
            gcp[c] = pltpu.async_copy(x_hbm.at[idx_v.at[c]],
                                      bufs[c % NB], gsems[c % NB])
        for c in range(N_CHUNKS):
            p = c % NB
            if c + NB - 1 < N_CHUNKS:
                q = (c + NB - 1) % NB
                if c >= 1:
                    wcp[c - 1].wait()
                gcp[c + NB - 1] = pltpu.async_copy(
                    x_hbm.at[idx_v.at[c + NB - 1]], bufs[q], gsems[q])
            gcp[c].wait()
            wcp[c] = pltpu.async_copy(bufs[p], out.at[gbase + c], wsems[p])
        for c in range(max(0, N_CHUNKS - NB), N_CHUNKS):
            wcp[c].wait()

    return k(xT, idxR)


def _tc_conv(x_own, gath, W5, b):
    C = x_own.shape[1]
    O = W5.shape[1]
    n_tiles = E_PAD // E_TILE
    cpt = E_TILE // CHUNK

    def body(x_ref, g1_ref, g2_ref, g3_ref, g4_ref, w_ref, b_ref,
             y_ref, st_ref):
        i = pl.program_id(0)

        @pl.when(i == 0)
        def _():
            st_ref[...] = jnp.zeros_like(st_ref)

        f0 = x_ref[...]
        a1 = g1_ref[...].reshape(E_TILE, C)
        a2 = g2_ref[...].reshape(E_TILE, C)
        a3 = g3_ref[...].reshape(E_TILE, C)
        a4 = g4_ref[...].reshape(E_TILE, C)
        G = jnp.concatenate(
            [f0, a1 + a3, a2 + a4, jnp.abs(a1 - a3), jnp.abs(a2 - a4)],
            axis=1)
        y = jnp.dot(G, w_ref[...], preferred_element_type=jnp.float32)
        y = y + b_ref[...]
        y = jnp.where(y >= 0.0, y, LEAKY * y)
        y_ref[...] = y

        row = i * E_TILE + lax.broadcasted_iota(jnp.int32, (E_TILE, 1), 0)
        ym = jnp.where(row < E_REAL, y, 0.0)
        s = jnp.sum(ym, axis=0, keepdims=True)
        q = jnp.sum(ym * ym, axis=0, keepdims=True)
        st_ref[0:1, :] += s
        st_ref[1:2, :] += q

    y, st = pl.pallas_call(
        body,
        grid=(n_tiles,),
        in_specs=[
            pl.BlockSpec((E_TILE, C), lambda i: (i, 0)),
            pl.BlockSpec((cpt, CHUNK, C), lambda i: (i, 0, 0)),
            pl.BlockSpec((cpt, CHUNK, C), lambda i: (i, 1, 0)),
            pl.BlockSpec((cpt, CHUNK, C), lambda i: (i, 2, 0)),
            pl.BlockSpec((cpt, CHUNK, C), lambda i: (i, 3, 0)),
            pl.BlockSpec((5 * C, O), lambda i: (0, 0)),
            pl.BlockSpec((1, O), lambda i: (0, 0)),
        ],
        out_specs=[
            pl.BlockSpec((E_TILE, O), lambda i: (i, 0)),
            pl.BlockSpec((8, O), lambda i: (0, 0)),
        ],
        out_shape=[
            jax.ShapeDtypeStruct((E_PAD, O), jnp.float32),
            jax.ShapeDtypeStruct((8, O), jnp.float32),
        ],
    )(x_own, gath, gath, gath, gath, W5, b)
    return y, st


def _tc_affine(y, scale, shift):
    O = y.shape[1]
    n_tiles = E_PAD // E_TILE

    def body(y_ref, sc_ref, sh_ref, o_ref):
        o_ref[...] = y_ref[...] * sc_ref[...] + sh_ref[...]

    return pl.pallas_call(
        body,
        grid=(n_tiles,),
        in_specs=[
            pl.BlockSpec((E_TILE, O), lambda i: (i, 0)),
            pl.BlockSpec((1, O), lambda i: (0, 0)),
            pl.BlockSpec((1, O), lambda i: (0, 0)),
        ],
        out_specs=pl.BlockSpec((E_TILE, O), lambda i: (i, 0)),
        out_shape=jax.ShapeDtypeStruct((E_PAD, O), jnp.float32),
    )(y, scale, shift)


def _norm_affine(st):
    s = st[0]
    q = st[1]
    m = s / E_REAL
    v = q / E_REAL - m * m
    inv = 1.0 / jnp.sqrt(v + EPS)
    S = (1.0 + 1.0 / jnp.sqrt(v / (v + EPS) + EPS)) * inv
    return S[None, :], (-m * S)[None, :]


def _w5(W):
    return jnp.transpose(W, (2, 1, 0)).reshape(-1, W.shape[0])


def kernel(in_x, gemm_edges, W1_0, b1_0, W2_0, b2_0, W1_1, b1_1, W2_1, b2_1):
    xT = jnp.transpose(in_x[0])
    xT = jnp.pad(xT, ((0, E_PAD - E_REAL), (0, 0)))
    idx = gemm_edges[0].astype(jnp.int32)
    idx4 = jnp.pad(jnp.transpose(idx), ((0, 0), (0, E_PAD - E_REAL)))
    idxR = jnp.transpose(
        idx4.reshape(4, N_WORKERS, N_CHUNKS, CHUNK),
        (1, 2, 0, 3)).reshape(N_WORKERS, N_CHUNKS, 4 * CHUNK)

    g0 = _sc_gather(xT, idxR)
    W5_0 = _w5(W1_0)
    y0, st0 = _tc_conv(xT, g0, W5_0, b1_0[None, :])
    S0, t0 = _norm_affine(st0)

    W1f = W1_1 * S0[0][None, :, None]
    bf = b1_1 + (W1_1[:, :, 0] + 2.0 * W1_1[:, :, 1]
                 + 2.0 * W1_1[:, :, 2]) @ t0[0]

    g1 = _sc_gather(y0, idxR)
    W5_1 = _w5(W1f)
    y1, st1 = _tc_conv(y0, g1, W5_1, bf[None, :])
    S1, t1 = _norm_affine(st1)

    out = _tc_affine(y1, S1, t1)
    return jnp.transpose(out[:E_REAL])[None]

# --- scband reference (transcript-rebuilt; emitter-appended) ---
"""Pipeline reference for scband-mesh-encoder-43353399886039 (READ-ONLY COPY).

The authoritative reference and input builder live on the scoring server;
editing this copy changes nothing except your own understanding.
"""

import jax, jax.numpy as jnp
import numpy as np

LEAKY = 0.2
EPS = 1e-5
RES_BLOCKS = 1


def _mesh_conv(x, gemm, W, b):
    # x: [B, C, E]; gemm: [B, E, 4] int; W: [O, C, 5]; b: [O]
    def gather_one(xb, gb):
        # xb: [C, E], gb: [E, 4]
        nb = xb[:, gb]            # [C, E, 4]
        f0 = xb[:, :, None]       # [C, E, 1]
        return jnp.concatenate([f0, nb], axis=2)  # [C, E, 5]
    f = jax.vmap(gather_one)(x, gemm)  # [B, C, E, 5]
    # symmetric GeMM features (MeshCNN create_GeMM)
    x1 = f[..., 1] + f[..., 3]
    x2 = f[..., 2] + f[..., 4]
    x3 = jnp.abs(f[..., 1] - f[..., 3])
    x4 = jnp.abs(f[..., 2] - f[..., 4])
    G = jnp.stack([f[..., 0], x1, x2, x3, x4], axis=3)  # [B, C, E, 5]
    # Conv2d with kernel (1,5) over the 5 GeMM positions
    out = jnp.einsum('bcek,ock->boe', G, W) + b[None, :, None]
    return out[..., None]  # [B, O, E, 1]


def _inorm(x):
    # nn.InstanceNorm2d, affine=False, biased variance over spatial dims
    mean = jnp.mean(x, axis=(2, 3), keepdims=True)
    var = jnp.var(x, axis=(2, 3), keepdims=True)
    return (x - mean) / jnp.sqrt(var + EPS)


def _down_conv(x, gemm, W1, b1, W2, b2):
    # x: [B, C, E]
    x = _mesh_conv(x, gemm, W1, b1)          # [B, O, E, 1]
    x = jax.nn.leaky_relu(x, LEAKY)
    x = _inorm(x)
    x2 = x
    for _ in range(RES_BLOCKS):
        # NOTE: faithful to original torch code: conv2 output is computed
        # but then overwritten by bn(x) (x2 = self.bn(x)), so conv2 is dead code.
        x2 = _mesh_conv(x[..., 0], gemm, W2, b2)
        x2 = jax.nn.leaky_relu(x2, LEAKY)
        x2 = _inorm(x)
        x2 = x2 + x
        x = x2
    return x2[..., 0]  # squeeze(3) -> [B, O, E]


def setup_inputs(seed: int = 0) -> dict:
    key = jax.random.key(seed)
    ks = jax.random.split(key, 8)
    B, E, C_in = 1, 10000, 128
    in_x = jax.random.normal(ks[0], (B, C_in, E), dtype=jnp.float32)
    gemm_edges = jax.random.randint(ks[1], (B, E, 4), 0, E, dtype=jnp.int64)

    def xavier(k, o, c):
        std = float(np.sqrt(2.0 / (c * 5 + o * 5)))
        return jax.random.normal(k, (o, c, 5), dtype=jnp.float32) * std

    W1_0 = xavier(ks[2], 256, 128)
    b1_0 = jnp.zeros((256,), jnp.float32)
    W2_0 = xavier(ks[3], 256, 256)
    b2_0 = jnp.zeros((256,), jnp.float32)
    W1_1 = xavier(ks[4], 256, 256)
    b1_1 = jnp.zeros((256,), jnp.float32)
    W2_1 = xavier(ks[5], 256, 256)
    b2_1 = jnp.zeros((256,), jnp.float32)
    return {"in_x": in_x, "gemm_edges": gemm_edges,
            "W1_0": W1_0, "b1_0": b1_0, "W2_0": W2_0, "b2_0": b2_0,
            "W1_1": W1_1, "b1_1": b1_1, "W2_1": W2_1, "b2_1": b2_1}


def reference(in_x, gemm_edges, W1_0, b1_0, W2_0, b2_0, W1_1, b1_1, W2_1, b2_1):
    # MeshEncoder with down_convs=[128,256,256], pool=[] (no pooling), res_blocks=1
    x = _down_conv(in_x, gemm_edges, W1_0, b1_0, W2_0, b2_0)   # [B, 256, E]
    x = _down_conv(x, gemm_edges, W1_1, b1_1, W2_1, b2_1)      # [B, 256, E]
    # torch returns (x, [None, None]) since pooling is disabled; we return x
    return x

if __name__ == "__main__":
    import jax
    _d = setup_inputs()
    print(jax.jit(kernel)(*tuple(_d.values())))

</pallas_src>

<mosaic_0001>
#map = affine_map<(d0, d1) -> (0, 0)>
#map1 = affine_map<(d0, d1) -> (0, 0, 0)>
module attributes {stable_mosaic.version = 14 : i64} {
  func.func @k(%arg0: i32, %arg1: i32, %arg2: memref<10240x128xf32, #tpu.memory_space<hbm>>, %arg3: memref<32x10x128xi32, #tpu.memory_space<hbm>>, %arg4: memref<320x128x128xf32, #tpu.memory_space<hbm>>, %arg5: memref<10x128xi32, #tpu.memory_space<vmem>>, %arg6: memref<128x128xf32, #tpu.memory_space<vmem>>, %arg7: memref<128x128xf32, #tpu.memory_space<vmem>>, %arg8: memref<!tpu.dma_semaphore, #tpu.memory_space<semaphore_mem>>, %arg9: memref<!tpu.dma_semaphore, #tpu.memory_space<semaphore_mem>>, %arg10: memref<!tpu.dma_semaphore, #tpu.memory_space<semaphore_mem>>, %arg11: memref<!tpu.dma_semaphore, #tpu.memory_space<semaphore_mem>>) attributes {dimension_semantics = [#tpu.dimension_semantics<core_parallel>, #tpu.dimension_semantics<subcore_parallel>], iteration_bounds = array<i64: 2, 16>, scalar_prefetch = 0 : i64, scratch_operands = 7 : i64, tpu.core_type = #tpu.core_type<sc_vector_subcore>, window_params = [{transform_indices = #map}, {transform_indices = #map1}, {transform_indices = #map1}]} {
    %mul3A = arith.constant 2 : i32
    %mul3A_0 = arith.muli %arg1, %mul3A : i32
    %add3A = arith.addi %mul3A_0, %arg0 : i32
    %mul3A_1 = arith.constant 10 : i32
    %mul3A_2 = arith.muli %add3A, %mul3A_1 : i32
    "tpu.region"() ({
      %run_scoped3A = tpu.sem_alloc : memref<!tpu.dma_semaphore, #tpu.memory_space<semaphore_mem>>
      %dma_start3A_321 = arith.constant 0 : i32
      %dma_start3A_322 = arith.constant 0 : i32
      %dma_start3A_323 = tpu.memref_slice %arg3[%add3A, %dma_start3A_321, %dma_start3A_322] : memref<32x10x128xi32, #tpu.memory_space<hbm>> -> memref<1x10x128xi32, #tpu.memory_space<hbm>>
      %dma_start3A_324 = tpu.memref_squeeze %dma_start3A_323 : memref<1x10x128xi32, #tpu.memory_space<hbm>> -> memref<10x128xi32, #tpu.memory_space<hbm>>
      %dma_start3A_325 = arith.constant 0 : i32
      %dma_start3A_326 = arith.constant 0 : i32
      %dma_start3A_327 = tpu.memref_slice %arg3[%add3A, %dma_start3A_325, %dma_start3A_326] : memref<32x10x128xi32, #tpu.memory_space<hbm>> -> memref<1x10x128xi32, #tpu.memory_space<hbm>>
      %dma_start3A_328 = tpu.memref_squeeze %dma_start3A_327 : memref<1x10x128xi32, #tpu.memory_space<hbm>> -> memref<10x128xi32, #tpu.memory_space<hbm>>
      tpu.enqueue_dma source(%dma_start3A_328 : memref<10x128xi32, #tpu.memory_space<hbm>>) target(%arg5 : memref<10x128xi32, #tpu.memory_space<vmem>>) target_semaphore(%run_scoped3A : memref<!tpu.dma_semaphore, #tpu.memory_space<semaphore_mem>>)
      %dma_wait3A_329 = arith.constant 0 : i32
      %dma_wait3A_330 = arith.constant 0 : i32
      %dma_wait3A_331 = tpu.memref_slice %arg3[%add3A, %dma_wait3A_329, %dma_wait3A_330] : memref<32x10x128xi32, #tpu.memory_space<hbm>> -> memref<1x10x128xi32, #tpu.memory_space<hbm>>
      %dma_wait3A_332 = tpu.memref_squeeze %dma_wait3A_331 : memref<1x10x128xi32, #tpu.memory_space<hbm>> -> memref<10x128xi32, #tpu.memory_space<hbm>>
      %dma_wait3A_333 = arith.constant 0 : i32
      %dma_wait3A_334 = arith.constant 0 : i32
      %dma_wait3A_335 = tpu.memref_slice %arg3[%add3A, %dma_wait3A_333, %dma_wait3A_334] : memref<32x10x128xi32, #tpu.memory_space<hbm>> -> memref<1x10x128xi32, #tpu.memory_space<hbm>>
      %dma_wait3A_336 = tpu.memref_squeeze %dma_wait3A_335 : memref<1x10x128xi32, #tpu.memory_space<hbm>> -> memref<10x128xi32, #tpu.memory_space<hbm>>
      tpu.wait_dma2 semaphore(%run_scoped3A : memref<!tpu.dma_semaphore, #tpu.memory_space<semaphore_mem>>) src(%dma_wait3A_336 : memref<10x128xi32, #tpu.memory_space<hbm>>) dst(%arg5 : memref<10x128xi32, #tpu.memory_space<vmem>>)
      tpu.yield
    }) : () -> ()
    %dma_start3A = arith.constant 0 : i32
    %dma_start3A_3 = arith.constant 0 : i32
    %dma_start3A_4 = tpu.memref_slice %arg5[%dma_start3A, %dma_start3A_3] : memref<10x128xi32, #tpu.memory_space<vmem>> -> memref<1x128xi32, #tpu.memory_space<vmem>>
    %dma_start3A_5 = tpu.memref_squeeze %dma_start3A_4 : memref<1x128xi32, #tpu.memory_space<vmem>> -> memref<128xi32, #tpu.memory_space<vmem>>
    %dma_start3A_6 = arith.constant 0 : i32
    %dma_start3A_7 = arith.constant 0 : i32
    %dma_start3A_8 = tpu.memref_slice %arg2[%dma_start3A_6, %dma_start3A_7] : memref<10240x128xf32, #tpu.memory_space<hbm>> -> memref<10240x128xf32, #tpu.memory_space<hbm>>
    tpu.enqueue_indirect_dma source(%dma_start3A_8 : memref<10240x128xf32, #tpu.memory_space<hbm>>) target(%arg6 : memref<128x128xf32, #tpu.memory_space<vmem>>) offsets(%dma_start3A_5 : memref<128xi32, #tpu.memory_space<vmem>>) semaphore(%arg8 : memref<!tpu.dma_semaphore, #tpu.memory_space<semaphore_mem>>)
    %dma_start3A_9 = arith.constant 1 : i32
    %dma_start3A_10 = arith.constant 0 : i32
    %dma_start3A_11 = tpu.memref_slice %arg5[%dma_start3A_9, %dma_start3A_10] : memref<10x128xi32, #tpu.memory_space<vmem>> -> memref<1x128xi32, #tpu.memory_space<vmem>>
    %dma_start3A_12 = tpu.memref_squeeze %dma_start3A_11 : memref<1x128xi32, #tpu.memory_space<vmem>> -> memref<128xi32, #tpu.memory_space<vmem>>
    %dma_start3A_13 = arith.constant 0 : i32
    %dma_start3A_14 = arith.constant 0 : i32
    %dma_start3A_15 = tpu.memref_slice %arg2[%dma_start3A_13, %dma_start3A_14] : memref<10240x128xf32, #tpu.memory_space<hbm>> -> memref<10240x128xf32, #tpu.memory_space<hbm>>
    tpu.enqueue_indirect_dma source(%dma_start3A_15 : memref<10240x128xf32, #tpu.memory_space<hbm>>) target(%arg7 : memref<128x128xf32, #tpu.memory_space<vmem>>) offsets(%dma_start3A_12 : memref<128xi32, #tpu.memory_space<vmem>>) semaphore(%arg9 : memref<!tpu.dma_semaphore, #tpu.memory_space<semaphore_mem>>)
    %dma_wait3A = arith.constant 0 : i32
    %dma_wait3A_16 = arith.constant 0 : i32
    %dma_wait3A_17 = tpu.memref_slice %arg5[%dma_wait3A, %dma_wait3A_16] : memref<10x128xi32, #tpu.memory_space<vmem>> -> memref<1x128xi32, #tpu.memory_space<vmem>>
    %dma_wait3A_18 = tpu.memref_squeeze %dma_wait3A_17 : memref<1x128xi32, #tpu.memory_space<vmem>> -> memref<128xi32, #tpu.memory_space<vmem>>
    %dma_wait3A_19 = arith.constant 0 : i32
    %dma_wait3A_20 = arith.constant 0 : i32
    %dma_wait3A_21 = tpu.memref_slice %arg2[%dma_wait3A_19, %dma_wait3A_20] : memref<10240x128xf32, #tpu.memory_space<hbm>> -> memref<10240x128xf32, #tpu.memory_space<hbm>>
    tpu.wait_indirect_dma semaphore(%arg8 : memref<!tpu.dma_semaphore, #tpu.memory_space<semaphore_mem>>) src(%dma_wait3A_21 : memref<10240x128xf32, #tpu.memory_space<hbm>>) dst(%arg6 : memref<128x128xf32, #tpu.memory_space<vmem>>)
    %add3A_22 = arith.constant 0 : i32
    %add3A_23 = arith.addi %mul3A_2, %add3A_22 : i32
    %dma_start3A_24 = arith.constant 0 : i32
    %dma_start3A_25 = arith.constant 0 : i32
    %dma_start3A_26 = tpu.memref_slice %arg4[%add3A_23, %dma_start3A_24, %dma_start3A_25] : memref<320x128x128xf32, #tpu.memory_space<hbm>> -> memref<1x128x128xf32, #tpu.memory_space<hbm>>
    %dma_start3A_27 = tpu.memref_squeeze %dma_start3A_26 : memref<1x128x128xf32, #tpu.memory_space<hbm>> -> memref<128x128xf32, #tpu.memory_space<hbm>>
    %dma_start3A_28 = arith.constant 0 : i32
    %dma_start3A_29 = arith.constant 0 : i32
    %dma_start3A_30 = tpu.memref_slice %arg4[%add3A_23, %dma_start3A_28, %dma_start3A_29] : memref<320x128x128xf32, #tpu.memory_space<hbm>> -> memref<1x128x128xf32, #tpu.memory_space<hbm>>
    %dma_start3A_31 = tpu.memref_squeeze %dma_start3A_30 : memref<1x128x128xf32, #tpu.memory_space<hbm>> -> memref<128x128xf32, #tpu.memory_space<hbm>>
    tpu.enqueue_dma source(%arg6 : memref<128x128xf32, #tpu.memory_space<vmem>>) target(%dma_start3A_31 : memref<128x128xf32, #tpu.memory_space<hbm>>) target_semaphore(%arg10 : memref<!tpu.dma_semaphore, #tpu.memory_space<semaphore_mem>>)
    %dma_wait3A_32 = arith.constant 0 : i32
    %dma_wait3A_33 = arith.constant 0 : i32
    %dma_wait3A_34 = tpu.memref_slice %arg4[%add3A_23, %dma_wait3A_32, %dma_wait3A_33] : memref<320x128x128xf32, #tpu.memory_space<hbm>> -> memref<1x128x128xf32, #tpu.memory_space<hbm>>
    %dma_wait3A_35 = tpu.memref_squeeze %dma_wait3A_34 : memref<1x128x128xf32, #tpu.memory_space<hbm>> -> memref<128x128xf32, #tpu.memory_space<hbm>>
    %dma_wait3A_36 = arith.constant 0 : i32
    %dma_wait3A_37 = arith.constant 0 : i32
    %dma_wait3A_38 = tpu.memref_slice %arg4[%add3A_23, %dma_wait3A_36, %dma_wait3A_37] : memref<320x128x128xf32, #tpu.memory_space<hbm>> -> memref<1x128x128xf32, #tpu.memory_space<hbm>>
    %dma_wait3A_39 = tpu.memref_squeeze %dma_wait3A_38 : memref<1x128x128xf32, #tpu.memory_space<hbm>> -> memref<128x128xf32, #tpu.memory_space<hbm>>
    tpu.wait_dma2 semaphore(%arg10 : memref<!tpu.dma_semaphore, #tpu.memory_space<semaphore_mem>>) src(%arg6 : memref<128x128xf32, #tpu.memory_space<vmem>>) dst(%dma_wait3A_39 : memref<128x128xf32, #tpu.memory_space<hbm>>)
    %dma_start3A_40 = arith.constant 2 : i32
    %dma_start3A_41 = arith.constant 0 : i32
    %dma_start3A_42 = tpu.memref_slice %arg5[%dma_start3A_40, %dma_start3A_41] : memref<10x128xi32, #tpu.memory_space<vmem>> -> memref<1x128xi32, #tpu.memory_space<vmem>>
    %dma_start3A_43 = tpu.memref_squeeze %dma_start3A_42 : memref<1x128xi32, #tpu.memory_space<vmem>> -> memref<128xi32, #tpu.memory_space<vmem>>
    %dma_start3A_44 = arith.constant 0 : i32
    %dma_start3A_45 = arith.constant 0 : i32
    %dma_start3A_46 = tpu.memref_slice %arg2[%dma_start3A_44, %dma_start3A_45] : memref<10240x128xf32, #tpu.memory_space<hbm>> -> memref<10240x128xf32, #tpu.memory_space<hbm>>
    tpu.enqueue_indirect_dma source(%dma_start3A_46 : memref<10240x128xf32, #tpu.memory_space<hbm>>) target(%arg6 : memref<128x128xf32, #tpu.memory_space<vmem>>) offsets(%dma_start3A_43 : memref<128xi32, #tpu.memory_space<vmem>>) semaphore(%arg8 : memref<!tpu.dma_semaphore, #tpu.memory_space<semaphore_mem>>)
    %dma_wait3A_47 = arith.constant 1 : i32
    %dma_wait3A_48 = arith.constant 0 : i32
    %dma_wait3A_49 = tpu.memref_slice %arg5[%dma_wait3A_47, %dma_wait3A_48] : memref<10x128xi32, #tpu.memory_space<vmem>> -> memref<1x128xi32, #tpu.memory_space<vmem>>
    %dma_wait3A_50 = tpu.memref_squeeze %dma_wait3A_49 : memref<1x128xi32, #tpu.memory_space<vmem>> -> memref<128xi32, #tpu.memory_space<vmem>>
    %dma_wait3A_51 = arith.constant 0 : i32
    %dma_wait3A_52 = arith.constant 0 : i32
    %dma_wait3A_53 = tpu.memref_slice %arg2[%dma_wait3A_51, %dma_wait3A_52] : memref<10240x128xf32, #tpu.memory_space<hbm>> -> memref<10240x128xf32, #tpu.memory_space<hbm>>
    tpu.wait_indirect_dma semaphore(%arg9 : memref<!tpu.dma_semaphore, #tpu.memory_space<semaphore_mem>>) src(%dma_wait3A_53 : memref<10240x128xf32, #tpu.memory_space<hbm>>) dst(%arg7 : memref<128x128xf32, #tpu.memory_space<vmem>>)
    %add3A_54 = arith.constant 1 : i32
    %add3A_55 = arith.addi %mul3A_2, %add3A_54 : i32
    %dma_start3A_56 = arith.constant 0 : i32
    %dma_start3A_57 = arith.constant 0 : i32
    %dma_start3A_58 = tpu.memref_slice %arg4[%add3A_55, %dma_start3A_56, %dma_start3A_57] : memref<320x128x128xf32, #tpu.memory_space<hbm>> -> memref<1x128x128xf32, #tpu.memory_space<hbm>>
    %dma_start3A_59 = tpu.memref_squeeze %dma_start3A_58 : memref<1x128x128xf32, #tpu.memory_space<hbm>> -> memref<128x128xf32, #tpu.memory_space<hbm>>
    %dma_start3A_60 = arith.constant 0 : i32
    %dma_start3A_61 = arith.constant 0 : i32
    %dma_start3A_62 = tpu.memref_slice %arg4[%add3A_55, %dma_start3A_60, %dma_start3A_61] : memref<320x128x128xf32, #tpu.memory_space<hbm>> -> memref<1x128x128xf32, #tpu.memory_space<hbm>>
    %dma_start3A_63 = tpu.memref_squeeze %dma_start3A_62 : memref<1x128x128xf32, #tpu.memory_space<hbm>> -> memref<128x128xf32, #tpu.memory_space<hbm>>
    tpu.enqueue_dma source(%arg7 : memref<128x128xf32, #tpu.memory_space<vmem>>) target(%dma_start3A_63 : memref<128x128xf32, #tpu.memory_space<hbm>>) target_semaphore(%arg11 : memref<!tpu.dma_semaphore, #tpu.memory_space<semaphore_mem>>)
    %dma_wait3A_64 = arith.constant 0 : i32
    %dma_wait3A_65 = arith.constant 0 : i32
    %dma_wait3A_66 = tpu.memref_slice %arg4[%add3A_55, %dma_wait3A_64, %dma_wait3A_65] : memref<320x128x128xf32, #tpu.memory_space<hbm>> -> memref<1x128x128xf32, #tpu.memory_space<hbm>>
    %dma_wait3A_67 = tpu.memref_squeeze %dma_wait3A_66 : memref<1x128x128xf32, #tpu.memory_space<hbm>> -> memref<128x128xf32, #tpu.memory_space<hbm>>
    %dma_wait3A_68 = arith.constant 0 : i32
    %dma_wait3A_69 = arith.constant 0 : i32
    %dma_wait3A_70 = tpu.memref_slice %arg4[%add3A_55, %dma_wait3A_68, %dma_wait3A_69] : memref<320x128x128xf32, #tpu.memory_space<hbm>> -> memref<1x128x128xf32, #tpu.memory_space<hbm>>
    %dma_wait3A_71 = tpu.memref_squeeze %dma_wait3A_70 : memref<1x128x128xf32, #tpu.memory_space<hbm>> -> memref<128x128xf32, #tpu.memory_space<hbm>>
    tpu.wait_dma2 semaphore(%arg11 : memref<!tpu.dma_semaphore, #tpu.memory_space<semaphore_mem>>) src(%arg7 : memref<128x128xf32, #tpu.memory_space<vmem>>) dst(%dma_wait3A_71 : memref<128x128xf32, #tpu.memory_space<hbm>>)
    %dma_start3A_72 = arith.constant 3 : i32
    %dma_start3A_73 = arith.constant 0 : i32
    %dma_start3A_74 = tpu.memref_slice %arg5[%dma_start3A_72, %dma_start3A_73] : memref<10x128xi32, #tpu.memory_space<vmem>> -> memref<1x128xi32, #tpu.memory_space<vmem>>
    %dma_start3A_75 = tpu.memref_squeeze %dma_start3A_74 : memref<1x128xi32, #tpu.memory_space<vmem>> -> memref<128xi32, #tpu.memory_space<vmem>>
    %dma_start3A_76 = arith.constant 0 : i32
    %dma_start3A_77 = arith.constant 0 : i32
    %dma_start3A_78 = tpu.memref_slice %arg2[%dma_start3A_76, %dma_start3A_77] : memref<10240x128xf32, #tpu.memory_space<hbm>> -> memref<10240x128xf32, #tpu.memory_space<hbm>>
    tpu.enqueue_indirect_dma source(%dma_start3A_78 : memref<10240x128xf32, #tpu.memory_space<hbm>>) target(%arg7 : memref<128x128xf32, #tpu.memory_space<vmem>>) offsets(%dma_start3A_75 : memref<128xi32, #tpu.memory_space<vmem>>) semaphore(%arg9 : memref<!tpu.dma_semaphore, #tpu.memory_space<semaphore_mem>>)
    %dma_wait3A_79 = arith.constant 2 : i32
    %dma_wait3A_80 = arith.constant 0 : i32
    %dma_wait3A_81 = tpu.memref_slice %arg5[%dma_wait3A_79, %dma_wait3A_80] : memref<10x128xi32, #tpu.memory_space<vmem>> -> memref<1x128xi32, #tpu.memory_space<vmem>>
    %dma_wait3A_82 = tpu.memref_squeeze %dma_wait3A_81 : memref<1x128xi32, #tpu.memory_space<vmem>> -> memref<128xi32, #tpu.memory_space<vmem>>
    %dma_wait3A_83 = arith.constant 0 : i32
    %dma_wait3A_84 = arith.constant 0 : i32
    %dma_wait3A_85 = tpu.memref_slice %arg2[%dma_wait3A_83, %dma_wait3A_84] : memref<10240x128xf32, #tpu.memory_space<hbm>> -> memref<10240x128xf32, #tpu.memory_space<hbm>>
    tpu.wait_indirect_dma semaphore(%arg8 : memref<!tpu.dma_semaphore, #tpu.memory_space<semaphore_mem>>) src(%dma_wait3A_85 : memref<10240x128xf32, #tpu.memory_space<hbm>>) dst(%arg6 : memref<128x128xf32, #tpu.memory_space<vmem>>)
    %add3A_86 = arith.constant 2 : i32
    %add3A_87 = arith.addi %mul3A_2, %add3A_86 : i32
    %dma_start3A_88 = arith.constant 0 : i32
    %dma_start3A_89 = arith.constant 0 : i32
    %dma_start3A_90 = tpu.memref_slice %arg4[%add3A_87, %dma_start3A_88, %dma_start3A_89] : memref<320x128x128xf32, #tpu.memory_space<hbm>> -> memref<1x128x128xf32, #tpu.memory_space<hbm>>
    %dma_start3A_91 = tpu.memref_squeeze %dma_start3A_90 : memref<1x128x128xf32, #tpu.memory_space<hbm>> -> memref<128x128xf32, #tpu.memory_space<hbm>>
    %dma_start3A_92 = arith.constant 0 : i32
    %dma_start3A_93 = arith.constant 0 : i32
    %dma_start3A_94 = tpu.memref_slice %arg4[%add3A_87, %dma_start3A_92, %dma_start3A_93] : memref<320x128x128xf32, #tpu.memory_space<hbm>> -> memref<1x128x128xf32, #tpu.memory_space<hbm>>
    %dma_start3A_95 = tpu.memref_squeeze %dma_start3A_94 : memref<1x128x128xf32, #tpu.memory_space<hbm>> -> memref<128x128xf32, #tpu.memory_space<hbm>>
    tpu.enqueue_dma source(%arg6 : memref<128x128xf32, #tpu.memory_space<vmem>>) target(%dma_start3A_95 : memref<128x128xf32, #tpu.memory_space<hbm>>) target_semaphore(%arg10 : memref<!tpu.dma_semaphore, #tpu.memory_space<semaphore_mem>>)
    %dma_wait3A_96 = arith.constant 0 : i32
    %dma_wait3A_97 = arith.constant 0 : i32
    %dma_wait3A_98 = tpu.memref_slice %arg4[%add3A_87, %dma_wait3A_96, %dma_wait3A_97] : memref<320x128x128xf32, #tpu.memory_space<hbm>> -> memref<1x128x128xf32, #tpu.memory_space<hbm>>
    %dma_wait3A_99 = tpu.memref_squeeze %dma_wait3A_98 : memref<1x128x128xf32, #tpu.memory_space<hbm>> -> memref<128x128xf32, #tpu.memory_space<hbm>>
    %dma_wait3A_100 = arith.constant 0 : i32
    %dma_wait3A_101 = arith.constant 0 : i32
    %dma_wait3A_102 = tpu.memref_slice %arg4[%add3A_87, %dma_wait3A_100, %dma_wait3A_101] : memref<320x128x128xf32, #tpu.memory_space<hbm>> -> memref<1x128x128xf32, #tpu.memory_space<hbm>>
    %dma_wait3A_103 = tpu.memref_squeeze %dma_wait3A_102 : memref<1x128x128xf32, #tpu.memory_space<hbm>> -> memref<128x128xf32, #tpu.memory_space<hbm>>
    tpu.wait_dma2 semaphore(%arg10 : memref<!tpu.dma_semaphore, #tpu.memory_space<semaphore_mem>>) src(%arg6 : memref<128x128xf32, #tpu.memory_space<vmem>>) dst(%dma_wait3A_103 : memref<128x128xf32, #tpu.memory_space<hbm>>)
    %dma_start3A_104 = arith.constant 4 : i32
    %dma_start3A_105 = arith.constant 0 : i32
    %dma_start3A_106 = tpu.memref_slice %arg5[%dma_start3A_104, %dma_start3A_105] : memref<10x128xi32, #tpu.memory_space<vmem>> -> memref<1x128xi32, #tpu.memory_space<vmem>>
    %dma_start3A_107 = tpu.memref_squeeze %dma_start3A_106 : memref<1x128xi32, #tpu.memory_space<vmem>> -> memref<128xi32, #tpu.memory_space<vmem>>
    %dma_start3A_108 = arith.constant 0 : i32
    %dma_start3A_109 = arith.constant 0 : i32
    %dma_start3A_110 = tpu.memref_slice %arg2[%dma_start3A_108, %dma_start3A_109] : memref<10240x128xf32, #tpu.memory_space<hbm>> -> memref<10240x128xf32, #tpu.memory_space<hbm>>
    tpu.enqueue_indirect_dma source(%dma_start3A_110 : memref<10240x128xf32, #tpu.memory_space<hbm>>) target(%arg6 : memref<128x128xf32, #tpu.memory_space<vmem>>) offsets(%dma_start3A_107 : memref<128xi32, #tpu.memory_space<vmem>>) semaphore(%arg8 : memref<!tpu.dma_semaphore, #tpu.memory_space<semaphore_mem>>)
    %dma_wait3A_111 = arith.constant 3 : i32
    %dma_wait3A_112 = arith.constant 0 : i32
    %dma_wait3A_113 = tpu.memref_slice %arg5[%dma_wait3A_111, %dma_wait3A_112] : memref<10x128xi32, #tpu.memory_space<vmem>> -> memref<1x128xi32, #tpu.memory_space<vmem>>
    %dma_wait3A_114 = tpu.memref_squeeze %dma_wait3A_113 : memref<1x128xi32, #tpu.memory_space<vmem>> -> memref<128xi32, #tpu.memory_space<vmem>>
    %dma_wait3A_115 = arith.constant 0 : i32
    %dma_wait3A_116 = arith.constant 0 : i32
    %dma_wait3A_117 = tpu.memref_slice %arg2[%dma_wait3A_115, %dma_wait3A_116] : memref<10240x128xf32, #tpu.memory_space<hbm>> -> memref<10240x128xf32, #tpu.memory_space<hbm>>
    tpu.wait_indirect_dma semaphore(%arg9 : memref<!tpu.dma_semaphore, #tpu.memory_space<semaphore_mem>>) src(%dma_wait3A_117 : memref<10240x128xf32, #tpu.memory_space<hbm>>) dst(%arg7 : memref<128x128xf32, #tpu.memory_space<vmem>>)
    %add3A_118 = arith.constant 3 : i32
    %add3A_119 = arith.addi %mul3A_2, %add3A_118 : i32
    %dma_start3A_120 = arith.constant 0 : i32
    %dma_start3A_121 = arith.constant 0 : i32
    %dma_start3A_122 = tpu.memref_slice %arg4[%add3A_119, %dma_start3A_120, %dma_start3A_121] : memref<320x128x128xf32, #tpu.memory_space<hbm>> -> memref<1x128x128xf32, #tpu.memory_space<hbm>>
    %dma_start3A_123 = tpu.memref_squeeze %dma_start3A_122 : memref<1x128x128xf32, #tpu.memory_space<hbm>> -> memref<128x128xf32, #tpu.memory_space<hbm>>
    %dma_start3A_124 = arith.constant 0 : i32
    %dma_start3A_125 = arith.constant 0 : i32
    %dma_start3A_126 = tpu.memref_slice %arg4[%add3A_119, %dma_start3A_124, %dma_start3A_125] : memref<320x128x128xf32, #tpu.memory_space<hbm>> -> memref<1x128x128xf32, #tpu.memory_space<hbm>>
    %dma_start3A_127 = tpu.memref_squeeze %dma_start3A_126 : memref<1x128x128xf32, #tpu.memory_space<hbm>> -> memref<128x128xf32, #tpu.memory_space<hbm>>
    tpu.enqueue_dma source(%arg7 : memref<128x128xf32, #tpu.memory_space<vmem>>) target(%dma_start3A_127 : memref<128x128xf32, #tpu.memory_space<hbm>>) target_semaphore(%arg11 : memref<!tpu.dma_semaphore, #tpu.memory_space<semaphore_mem>>)
    %dma_wait3A_128 = arith.constant 0 : i32
    %dma_wait3A_129 = arith.constant 0 : i32
    %dma_wait3A_130 = tpu.memref_slice %arg4[%add3A_119, %dma_wait3A_128, %dma_wait3A_129] : memref<320x128x128xf32, #tpu.memory_space<hbm>> -> memref<1x128x128xf32, #tpu.memory_space<hbm>>
    %dma_wait3A_131 = tpu.memref_squeeze %dma_wait3A_130 : memref<1x128x128xf32, #tpu.memory_space<hbm>> -> memref<128x128xf32, #tpu.memory_space<hbm>>
    %dma_wait3A_132 = arith.constant 0 : i32
    %dma_wait3A_133 = arith.constant 0 : i32
    %dma_wait3A_134 = tpu.memref_slice %arg4[%add3A_119, %dma_wait3A_132, %dma_wait3A_133] : memref<320x128x128xf32, #tpu.memory_space<hbm>> -> memref<1x128x128xf32, #tpu.memory_space<hbm>>
    %dma_wait3A_135 = tpu.memref_squeeze %dma_wait3A_134 : memref<1x128x128xf32, #tpu.memory_space<hbm>> -> memref<128x128xf32, #tpu.memory_space<hbm>>
    tpu.wait_dma2 semaphore(%arg11 : memref<!tpu.dma_semaphore, #tpu.memory_space<semaphore_mem>>) src(%arg7 : memref<128x128xf32, #tpu.memory_space<vmem>>) dst(%dma_wait3A_135 : memref<128x128xf32, #tpu.memory_space<hbm>>)
    %dma_start3A_136 = arith.constant 5 : i32
    %dma_start3A_137 = arith.constant 0 : i32
    %dma_start3A_138 = tpu.memref_slice %arg5[%dma_start3A_136, %dma_start3A_137] : memref<10x128xi32, #tpu.memory_space<vmem>> -> memref<1x128xi32, #tpu.memory_space<vmem>>
    %dma_start3A_139 = tpu.memref_squeeze %dma_start3A_138 : memref<1x128xi32, #tpu.memory_space<vmem>> -> memref<128xi32, #tpu.memory_space<vmem>>
    %dma_start3A_140 = arith.constant 0 : i32
    %dma_start3A_141 = arith.constant 0 : i32
    %dma_start3A_142 = tpu.memref_slice %arg2[%dma_start3A_140, %dma_start3A_141] : memref<10240x128xf32, #tpu.memory_space<hbm>> -> memref<10240x128xf32, #tpu.memory_space<hbm>>
    tpu.enqueue_indirect_dma source(%dma_start3A_142 : memref<10240x128xf32, #tpu.memory_space<hbm>>) target(%arg7 : memref<128x128xf32, #tpu.memory_space<vmem>>) offsets(%dma_start3A_139 : memref<128xi32, #tpu.memory_space<vmem>>) semaphore(%arg9 : memref<!tpu.dma_semaphore, #tpu.memory_space<semaphore_mem>>)
    %dma_wait3A_143 = arith.constant 4 : i32
    %dma_wait3A_144 = arith.constant 0 : i32
    %dma_wait3A_145 = tpu.memref_slice %arg5[%dma_wait3A_143, %dma_wait3A_144] : memref<10x128xi32, #tpu.memory_space<vmem>> -> memref<1x128xi32, #tpu.memory_space<vmem>>
    %dma_wait3A_146 = tpu.memref_squeeze %dma_wait3A_145 : memref<1x128xi32, #tpu.memory_space<vmem>> -> memref<128xi32, #tpu.memory_space<vmem>>
    %dma_wait3A_147 = arith.constant 0 : i32
    %dma_wait3A_148 = arith.constant 0 : i32
    %dma_wait3A_149 = tpu.memref_slice %arg2[%dma_wait3A_147, %dma_wait3A_148] : memref<10240x128xf32, #tpu.memory_space<hbm>> -> memref<10240x128xf32, #tpu.memory_space<hbm>>
    tpu.wait_indirect_dma semaphore(%arg8 : memref<!tpu.dma_semaphore, #tpu.memory_space<semaphore_mem>>) src(%dma_wait3A_149 : memref<10240x128xf32, #tpu.memory_space<hbm>>) dst(%arg6 : memref<128x128xf32, #tpu.memory_space<vmem>>)
    %add3A_150 = arith.constant 4 : i32
    %add3A_151 = arith.addi %mul3A_2, %add3A_150 : i32
    %dma_start3A_152 = arith.constant 0 : i32
    %dma_start3A_153 = arith.constant 0 : i32
    %dma_start3A_154 = tpu.memref_slice %arg4[%add3A_151, %dma_start3A_152, %dma_start3A_153] : memref<320x128x128xf32, #tpu.memory_space<hbm>> -> memref<1x128x128xf32, #tpu.memory_space<hbm>>
    %dma_start3A_155 = tpu.memref_squeeze %dma_start3A_154 : memref<1x128x128xf32, #tpu.memory_space<hbm>> -> memref<128x128xf32, #tpu.memory_space<hbm>>
    %dma_start3A_156 = arith.constant 0 : i32
    %dma_start3A_157 = arith.constant 0 : i32
    %dma_start3A_158 = tpu.memref_slice %arg4[%add3A_151, %dma_start3A_156, %dma_start3A_157] : memref<320x128x128xf32, #tpu.memory_space<hbm>> -> memref<1x128x128xf32, #tpu.memory_space<hbm>>
    %dma_start3A_159 = tpu.memref_squeeze %dma_start3A_158 : memref<1x128x128xf32, #tpu.memory_space<hbm>> -> memref<128x128xf32, #tpu.memory_space<hbm>>
    tpu.enqueue_dma source(%arg6 : memref<128x128xf32, #tpu.memory_space<vmem>>) target(%dma_start3A_159 : memref<128x128xf32, #tpu.memory_space<hbm>>) target_semaphore(%arg10 : memref<!tpu.dma_semaphore, #tpu.memory_space<semaphore_mem>>)
    %dma_wait3A_160 = arith.constant 0 : i32
    %dma_wait3A_161 = arith.constant 0 : i32
    %dma_wait3A_162 = tpu.memref_slice %arg4[%add3A_151, %dma_wait3A_160, %dma_wait3A_161] : memref<320x128x128xf32, #tpu.memory_space<hbm>> -> memref<1x128x128xf32, #tpu.memory_space<hbm>>
    %dma_wait3A_163 = tpu.memref_squeeze %dma_wait3A_162 : memref<1x128x128xf32, #tpu.memory_space<hbm>> -> memref<128x128xf32, #tpu.memory_space<hbm>>
    %dma_wait3A_164 = arith.constant 0 : i32
    %dma_wait3A_165 = arith.constant 0 : i32
    %dma_wait3A_166 = tpu.memref_slice %arg4[%add3A_151, %dma_wait3A_164, %dma_wait3A_165] : memref<320x128x128xf32, #tpu.memory_space<hbm>> -> memref<1x128x128xf32, #tpu.memory_space<hbm>>
    %dma_wait3A_167 = tpu.memref_squeeze %dma_wait3A_166 : memref<1x128x128xf32, #tpu.memory_space<hbm>> -> memref<128x128xf32, #tpu.memory_space<hbm>>
    tpu.wait_dma2 semaphore(%arg10 : memref<!tpu.dma_semaphore, #tpu.memory_space<semaphore_mem>>) src(%arg6 : memref<128x128xf32, #tpu.memory_space<vmem>>) dst(%dma_wait3A_167 : memref<128x128xf32, #tpu.memory_space<hbm>>)
    %dma_start3A_168 = arith.constant 6 : i32
    %dma_start3A_169 = arith.constant 0 : i32
    %dma_start3A_170 = tpu.memref_slice %arg5[%dma_start3A_168, %dma_start3A_169] : memref<10x128xi32, #tpu.memory_space<vmem>> -> memref<1x128xi32, #tpu.memory_space<vmem>>
    %dma_start3A_171 = tpu.memref_squeeze %dma_start3A_170 : memref<1x128xi32, #tpu.memory_space<vmem>> -> memref<128xi32, #tpu.memory_space<vmem>>
    %dma_start3A_172 = arith.constant 0 : i32
    %dma_start3A_173 = arith.constant 0 : i32
    %dma_start3A_174 = tpu.memref_slice %arg2[%dma_start3A_172, %dma_start3A_173] : memref<10240x128xf32, #tpu.memory_space<hbm>> -> memref<10240x128xf32, #tpu.memory_space<hbm>>
    tpu.enqueue_indirect_dma source(%dma_start3A_174 : memref<10240x128xf32, #tpu.memory_space<hbm>>) target(%arg6 : memref<128x128xf32, #tpu.memory_space<vmem>>) offsets(%dma_start3A_171 : memref<128xi32, #tpu.memory_space<vmem>>) semaphore(%arg8 : memref<!tpu.dma_semaphore, #tpu.memory_space<semaphore_mem>>)
    %dma_wait3A_175 = arith.constant 5 : i32
    %dma_wait3A_176 = arith.constant 0 : i32
    %dma_wait3A_177 = tpu.memref_slice %arg5[%dma_wait3A_175, %dma_wait3A_176] : memref<10x128xi32, #tpu.memory_space<vmem>> -> memref<1x128xi32, #tpu.memory_space<vmem>>
    %dma_wait3A_178 = tpu.memref_squeeze %dma_wait3A_177 : memref<1x128xi32, #tpu.memory_space<vmem>> -> memref<128xi32, #tpu.memory_space<vmem>>
    %dma_wait3A_179 = arith.constant 0 : i32
    %dma_wait3A_180 = arith.constant 0 : i32
    %dma_wait3A_181 = tpu.memref_slice %arg2[%dma_wait3A_179, %dma_wait3A_180] : memref<10240x128xf32, #tpu.memory_space<hbm>> -> memref<10240x128xf32, #tpu.memory_space<hbm>>
    tpu.wait_indirect_dma semaphore(%arg9 : memref<!tpu.dma_semaphore, #tpu.memory_space<semaphore_mem>>) src(%dma_wait3A_181 : memref<10240x128xf32, #tpu.memory_space<hbm>>) dst(%arg7 : memref<128x128xf32, #tpu.memory_space<vmem>>)
    %add3A_182 = arith.constant 5 : i32
    %add3A_183 = arith.addi %mul3A_2, %add3A_182 : i32
    %dma_start3A_184 = arith.constant 0 : i32
    %dma_start3A_185 = arith.constant 0 : i32
    %dma_start3A_186 = tpu.memref_slice %arg4[%add3A_183, %dma_start3A_184, %dma_start3A_185] : memref<320x128x128xf32, #tpu.memory_space<hbm>> -> memref<1x128x128xf32, #tpu.memory_space<hbm>>
    %dma_start3A_187 = tpu.memref_squeeze %dma_start3A_186 : memref<1x128x128xf32, #tpu.memory_space<hbm>> -> memref<128x128xf32, #tpu.memory_space<hbm>>
    %dma_start3A_188 = arith.constant 0 : i32
    %dma_start3A_189 = arith.constant 0 : i32
    %dma_start3A_190 = tpu.memref_slice %arg4[%add3A_183, %dma_start3A_188, %dma_start3A_189] : memref<320x128x128xf32, #tpu.memory_space<hbm>> -> memref<1x128x128xf32, #tpu.memory_space<hbm>>
    %dma_start3A_191 = tpu.memref_squeeze %dma_start3A_190 : memref<1x128x128xf32, #tpu.memory_space<hbm>> -> memref<128x128xf32, #tpu.memory_space<hbm>>
    tpu.enqueue_dma source(%arg7 : memref<128x128xf32, #tpu.memory_space<vmem>>) target(%dma_start3A_191 : memref<128x128xf32, #tpu.memory_space<hbm>>) target_semaphore(%arg11 : memref<!tpu.dma_semaphore, #tpu.memory_space<semaphore_mem>>)
    %dma_wait3A_192 = arith.constant 0 : i32
    %dma_wait3A_193 = arith.constant 0 : i32
    %dma_wait3A_194 = tpu.memref_slice %arg4[%add3A_183, %dma_wait3A_192, %dma_wait3A_193] : memref<320x128x128xf32, #tpu.memory_space<hbm>> -> memref<1x128x128xf32, #tpu.memory_space<hbm>>
    %dma_wait3A_195 = tpu.memref_squeeze %dma_wait3A_194 : memref<1x128x128xf32, #tpu.memory_space<hbm>> -> memref<128x128xf32, #tpu.memory_space<hbm>>
    %dma_wait3A_196 = arith.constant 0 : i32
    %dma_wait3A_197 = arith.constant 0 : i32
    %dma_wait3A_198 = tpu.memref_slice %arg4[%add3A_183, %dma_wait3A_196, %dma_wait3A_197] : memref<320x128x128xf32, #tpu.memory_space<hbm>> -> memref<1x128x128xf32, #tpu.memory_space<hbm>>
    %dma_wait3A_199 = tpu.memref_squeeze %dma_wait3A_198 : memref<1x128x128xf32, #tpu.memory_space<hbm>> -> memref<128x128xf32, #tpu.memory_space<hbm>>
    tpu.wait_dma2 semaphore(%arg11 : memref<!tpu.dma_semaphore, #tpu.memory_space<semaphore_mem>>) src(%arg7 : memref<128x128xf32, #tpu.memory_space<vmem>>) dst(%dma_wait3A_199 : memref<128x128xf32, #tpu.memory_space<hbm>>)
    %dma_start3A_200 = arith.constant 7 : i32
    %dma_start3A_201 = arith.constant 0 : i32
    %dma_start3A_202 = tpu.memref_slice %arg5[%dma_start3A_200, %dma_start3A_201] : memref<10x128xi32, #tpu.memory_space<vmem>> -> memref<1x128xi32, #tpu.memory_space<vmem>>
    %dma_start3A_203 = tpu.memref_squeeze %dma_start3A_202 : memref<1x128xi32, #tpu.memory_space<vmem>> -> memref<128xi32, #tpu.memory_space<vmem>>
    %dma_start3A_204 = arith.constant 0 : i32
    %dma_start3A_205 = arith.constant 0 : i32
    %dma_start3A_206 = tpu.memref_slice %arg2[%dma_start3A_204, %dma_start3A_205] : memref<10240x128xf32, #tpu.memory_space<hbm>> -> memref<10240x128xf32, #tpu.memory_space<hbm>>
    tpu.enqueue_indirect_dma source(%dma_start3A_206 : memref<10240x128xf32, #tpu.memory_space<hbm>>) target(%arg7 : memref<128x128xf32, #tpu.memory_space<vmem>>) offsets(%dma_start3A_203 : memref<128xi32, #tpu.memory_space<vmem>>) semaphore(%arg9 : memref<!tpu.dma_semaphore, #tpu.memory_space<semaphore_mem>>)
    %dma_wait3A_207 = arith.constant 6 : i32
    %dma_wait3A_208 = arith.constant 0 : i32
    %dma_wait3A_209 = tpu.memref_slice %arg5[%dma_wait3A_207, %dma_wait3A_208] : memref<10x128xi32, #tpu.memory_space<vmem>> -> memref<1x128xi32, #tpu.memory_space<vmem>>
    %dma_wait3A_210 = tpu.memref_squeeze %dma_wait3A_209 : memref<1x128xi32, #tpu.memory_space<vmem>> -> memref<128xi32, #tpu.memory_space<vmem>>
    %dma_wait3A_211 = arith.constant 0 : i32
    %dma_wait3A_212 = arith.constant 0 : i32
    %dma_wait3A_213 = tpu.memref_slice %arg2[%dma_wait3A_211, %dma_wait3A_212] : memref<10240x128xf32, #tpu.memory_space<hbm>> -> memref<10240x128xf32, #tpu.memory_space<hbm>>
    tpu.wait_indirect_dma semaphore(%arg8 : memref<!tpu.dma_semaphore, #tpu.memory_space<semaphore_mem>>) src(%dma_wait3A_213 : memref<10240x128xf32, #tpu.memory_space<hbm>>) dst(%arg6 : memref<128x128xf32, #tpu.memory_space<vmem>>)
    %add3A_214 = arith.constant 6 : i32
    %add3A_215 = arith.addi %mul3A_2, %add3A_214 : i32
    %dma_start3A_216 = arith.constant 0 : i32
    %dma_start3A_217 = arith.constant 0 : i32
    %dma_start3A_218 = tpu.memref_slice %arg4[%add3A_215, %dma_start3A_216, %dma_start3A_217] : memref<320x128x128xf32, #tpu.memory_space<hbm>> -> memref<1x128x128xf32, #tpu.memory_space<hbm>>
    %dma_start3A_219 = tpu.memref_squeeze %dma_start3A_218 : memref<1x128x128xf32, #tpu.memory_space<hbm>> -> memref<128x128xf32, #tpu.memory_space<hbm>>
    %dma_start3A_220 = arith.constant 0 : i32
    %dma_start3A_221 = arith.constant 0 : i32
    %dma_start3A_222 = tpu.memref_slice %arg4[%add3A_215, %dma_start3A_220, %dma_start3A_221] : memref<320x128x128xf32, #tpu.memory_space<hbm>> -> memref<1x128x128xf32, #tpu.memory_space<hbm>>
    %dma_start3A_223 = tpu.memref_squeeze %dma_start3A_222 : memref<1x128x128xf32, #tpu.memory_space<hbm>> -> memref<128x128xf32, #tpu.memory_space<hbm>>
    tpu.enqueue_dma source(%arg6 : memref<128x128xf32, #tpu.memory_space<vmem>>) target(%dma_start3A_223 : memref<128x128xf32, #tpu.memory_space<hbm>>) target_semaphore(%arg10 : memref<!tpu.dma_semaphore, #tpu.memory_space<semaphore_mem>>)
    %dma_wait3A_224 = arith.constant 0 : i32
    %dma_wait3A_225 = arith.constant 0 : i32
    %dma_wait3A_226 = tpu.memref_slice %arg4[%add3A_215, %dma_wait3A_224, %dma_wait3A_225] : memref<320x128x128xf32, #tpu.memory_space<hbm>> -> memref<1x128x128xf32, #tpu.memory_space<hbm>>
    %dma_wait3A_227 = tpu.memref_squeeze %dma_wait3A_226 : memref<1x128x128xf32, #tpu.memory_space<hbm>> -> memref<128x128xf32, #tpu.memory_space<hbm>>
    %dma_wait3A_228 = arith.constant 0 : i32
    %dma_wait3A_229 = arith.constant 0 : i32
    %dma_wait3A_230 = tpu.memref_slice %arg4[%add3A_215, %dma_wait3A_228, %dma_wait3A_229] : memref<320x128x128xf32, #tpu.memory_space<hbm>> -> memref<1x128x128xf32, #tpu.memory_space<hbm>>
    %dma_wait3A_231 = tpu.memref_squeeze %dma_wait3A_230 : memref<1x128x128xf32, #tpu.memory_space<hbm>> -> memref<128x128xf32, #tpu.memory_space<hbm>>
    tpu.wait_dma2 semaphore(%arg10 : memref<!tpu.dma_semaphore, #tpu.memory_space<semaphore_mem>>) src(%arg6 : memref<128x128xf32, #tpu.memory_space<vmem>>) dst(%dma_wait3A_231 : memref<128x128xf32, #tpu.memory_space<hbm>>)
    %dma_start3A_232 = arith.constant 8 : i32
    %dma_start3A_233 = arith.constant 0 : i32
    %dma_start3A_234 = tpu.memref_slice %arg5[%dma_start3A_232, %dma_start3A_233] : memref<10x128xi32, #tpu.memory_space<vmem>> -> memref<1x128xi32, #tpu.memory_space<vmem>>
    %dma_start3A_235 = tpu.memref_squeeze %dma_start3A_234 : memref<1x128xi32, #tpu.memory_space<vmem>> -> memref<128xi32, #tpu.memory_space<vmem>>
    %dma_start3A_236 = arith.constant 0 : i32
    %dma_start3A_237 = arith.constant 0 : i32
    %dma_start3A_238 = tpu.memref_slice %arg2[%dma_start3A_236, %dma_start3A_237] : memref<10240x128xf32, #tpu.memory_space<hbm>> -> memref<10240x128xf32, #tpu.memory_space<hbm>>
    tpu.enqueue_indirect_dma source(%dma_start3A_238 : memref<10240x128xf32, #tpu.memory_space<hbm>>) target(%arg6 : memref<128x128xf32, #tpu.memory_space<vmem>>) offsets(%dma_start3A_235 : memref<128xi32, #tpu.memory_space<vmem>>) semaphore(%arg8 : memref<!tpu.dma_semaphore, #tpu.memory_space<semaphore_mem>>)
    %dma_wait3A_239 = arith.constant 7 : i32
    %dma_wait3A_240 = arith.constant 0 : i32
    %dma_wait3A_241 = tpu.memref_slice %arg5[%dma_wait3A_239, %dma_wait3A_240] : memref<10x128xi32, #tpu.memory_space<vmem>> -> memref<1x128xi32, #tpu.memory_space<vmem>>
    %dma_wait3A_242 = tpu.memref_squeeze %dma_wait3A_241 : memref<1x128xi32, #tpu.memory_space<vmem>> -> memref<128xi32, #tpu.memory_space<vmem>>
    %dma_wait3A_243 = arith.constant 0 : i32
    %dma_wait3A_244 = arith.constant 0 : i32
    %dma_wait3A_245 = tpu.memref_slice %arg2[%dma_wait3A_243, %dma_wait3A_244] : memref<10240x128xf32, #tpu.memory_space<hbm>> -> memref<10240x128xf32, #tpu.memory_space<hbm>>
    tpu.wait_indirect_dma semaphore(%arg9 : memref<!tpu.dma_semaphore, #tpu.memory_space<semaphore_mem>>) src(%dma_wait3A_245 : memref<10240x128xf32, #tpu.memory_space<hbm>>) dst(%arg7 : memref<128x128xf32, #tpu.memory_space<vmem>>)
    %add3A_246 = arith.constant 7 : i32
    %add3A_247 = arith.addi %mul3A_2, %add3A_246 : i32
    %dma_start3A_248 = arith.constant 0 : i32
    %dma_start3A_249 = arith.constant 0 : i32
    %dma_start3A_250 = tpu.memref_slice %arg4[%add3A_247, %dma_start3A_248, %dma_start3A_249] : memref<320x128x128xf32, #tpu.memory_space<hbm>> -> memref<1x128x128xf32, #tpu.memory_space<hbm>>
    %dma_start3A_251 = tpu.memref_squeeze %dma_start3A_250 : memref<1x128x128xf32, #tpu.memory_space<hbm>> -> memref<128x128xf32, #tpu.memory_space<hbm>>
    %dma_start3A_252 = arith.constant 0 : i32
    %dma_start3A_253 = arith.constant 0 : i32
    %dma_start3A_254 = tpu.memref_slice %arg4[%add3A_247, %dma_start3A_252, %dma_start3A_253] : memref<320x128x128xf32, #tpu.memory_space<hbm>> -> memref<1x128x128xf32, #tpu.memory_space<hbm>>
    %dma_start3A_255 = tpu.memref_squeeze %dma_start3A_254 : memref<1x128x128xf32, #tpu.memory_space<hbm>> -> memref<128x128xf32, #tpu.memory_space<hbm>>
    tpu.enqueue_dma source(%arg7 : memref<128x128xf32, #tpu.memory_space<vmem>>) target(%dma_start3A_255 : memref<128x128xf32, #tpu.memory_space<hbm>>) target_semaphore(%arg11 : memref<!tpu.dma_semaphore, #tpu.memory_space<semaphore_mem>>)
    %dma_wait3A_256 = arith.constant 0 : i32
    %dma_wait3A_257 = arith.constant 0 : i32
    %dma_wait3A_258 = tpu.memref_slice %arg4[%add3A_247, %dma_wait3A_256, %dma_wait3A_257] : memref<320x128x128xf32, #tpu.memory_space<hbm>> -> memref<1x128x128xf32, #tpu.memory_space<hbm>>
    %dma_wait3A_259 = tpu.memref_squeeze %dma_wait3A_258 : memref<1x128x128xf32, #tpu.memory_space<hbm>> -> memref<128x128xf32, #tpu.memory_space<hbm>>
    %dma_wait3A_260 = arith.constant 0 : i32
    %dma_wait3A_261 = arith.constant 0 : i32
    %dma_wait3A_262 = tpu.memref_slice %arg4[%add3A_247, %dma_wait3A_260, %dma_wait3A_261] : memref<320x128x128xf32, #tpu.memory_space<hbm>> -> memref<1x128x128xf32, #tpu.memory_space<hbm>>
    %dma_wait3A_263 = tpu.memref_squeeze %dma_wait3A_262 : memref<1x128x128xf32, #tpu.memory_space<hbm>> -> memref<128x128xf32, #tpu.memory_space<hbm>>
    tpu.wait_dma2 semaphore(%arg11 : memref<!tpu.dma_semaphore, #tpu.memory_space<semaphore_mem>>) src(%arg7 : memref<128x128xf32, #tpu.memory_space<vmem>>) dst(%dma_wait3A_263 : memref<128x128xf32, #tpu.memory_space<hbm>>)
    %dma_start3A_264 = arith.constant 9 : i32
    %dma_start3A_265 = arith.constant 0 : i32
    %dma_start3A_266 = tpu.memref_slice %arg5[%dma_start3A_264, %dma_start3A_265] : memref<10x128xi32, #tpu.memory_space<vmem>> -> memref<1x128xi32, #tpu.memory_space<vmem>>
    %dma_start3A_267 = tpu.memref_squeeze %dma_start3A_266 : memref<1x128xi32, #tpu.memory_space<vmem>> -> memref<128xi32, #tpu.memory_space<vmem>>
    %dma_start3A_268 = arith.constant 0 : i32
    %dma_start3A_269 = arith.constant 0 : i32
    %dma_start3A_270 = tpu.memref_slice %arg2[%dma_start3A_268, %dma_start3A_269] : memref<10240x128xf32, #tpu.memory_space<hbm>> -> memref<10240x128xf32, #tpu.memory_space<hbm>>
    tpu.enqueue_indirect_dma source(%dma_start3A_270 : memref<10240x128xf32, #tpu.memory_space<hbm>>) target(%arg7 : memref<128x128xf32, #tpu.memory_space<vmem>>) offsets(%dma_start3A_267 : memref<128xi32, #tpu.memory_space<vmem>>) semaphore(%arg9 : memref<!tpu.dma_semaphore, #tpu.memory_space<semaphore_mem>>)
    %dma_wait3A_271 = arith.constant 8 : i32
    %dma_wait3A_272 = arith.constant 0 : i32
    %dma_wait3A_273 = tpu.memref_slice %arg5[%dma_wait3A_271, %dma_wait3A_272] : memref<10x128xi32, #tpu.memory_space<vmem>> -> memref<1x128xi32, #tpu.memory_space<vmem>>
    %dma_wait3A_274 = tpu.memref_squeeze %dma_wait3A_273 : memref<1x128xi32, #tpu.memory_space<vmem>> -> memref<128xi32, #tpu.memory_space<vmem>>
    %dma_wait3A_275 = arith.constant 0 : i32
    %dma_wait3A_276 = arith.constant 0 : i32
    %dma_wait3A_277 = tpu.memref_slice %arg2[%dma_wait3A_275, %dma_wait3A_276] : memref<10240x128xf32, #tpu.memory_space<hbm>> -> memref<10240x128xf32, #tpu.memory_space<hbm>>
    tpu.wait_indirect_dma semaphore(%arg8 : memref<!tpu.dma_semaphore, #tpu.memory_space<semaphore_mem>>) src(%dma_wait3A_277 : memref<10240x128xf32, #tpu.memory_space<hbm>>) dst(%arg6 : memref<128x128xf32, #tpu.memory_space<vmem>>)
    %add3A_278 = arith.constant 8 : i32
    %add3A_279 = arith.addi %mul3A_2, %add3A_278 : i32
    %dma_start3A_280 = arith.constant 0 : i32
    %dma_start3A_281 = arith.constant 0 : i32
    %dma_start3A_282 = tpu.memref_slice %arg4[%add3A_279, %dma_start3A_280, %dma_start3A_281] : memref<320x128x128xf32, #tpu.memory_space<hbm>> -> memref<1x128x128xf32, #tpu.memory_space<hbm>>
    %dma_start3A_283 = tpu.memref_squeeze %dma_start3A_282 : memref<1x128x128xf32, #tpu.memory_space<hbm>> -> memref<128x128xf32, #tpu.memory_space<hbm>>
    %dma_start3A_284 = arith.constant 0 : i32
    %dma_start3A_285 = arith.constant 0 : i32
    %dma_start3A_286 = tpu.memref_slice %arg4[%add3A_279, %dma_start3A_284, %dma_start3A_285] : memref<320x128x128xf32, #tpu.memory_space<hbm>> -> memref<1x128x128xf32, #tpu.memory_space<hbm>>
    %dma_start3A_287 = tpu.memref_squeeze %dma_start3A_286 : memref<1x128x128xf32, #tpu.memory_space<hbm>> -> memref<128x128xf32, #tpu.memory_space<hbm>>
    tpu.enqueue_dma source(%arg6 : memref<128x128xf32, #tpu.memory_space<vmem>>) target(%dma_start3A_287 : memref<128x128xf32, #tpu.memory_space<hbm>>) target_semaphore(%arg10 : memref<!tpu.dma_semaphore, #tpu.memory_space<semaphore_mem>>)
    %dma_wait3A_288 = arith.constant 9 : i32
    %dma_wait3A_289 = arith.constant 0 : i32
    %dma_wait3A_290 = tpu.memref_slice %arg5[%dma_wait3A_288, %dma_wait3A_289] : memref<10x128xi32, #tpu.memory_space<vmem>> -> memref<1x128xi32, #tpu.memory_space<vmem>>
    %dma_wait3A_291 = tpu.memref_squeeze %dma_wait3A_290 : memref<1x128xi32, #tpu.memory_space<vmem>> -> memref<128xi32, #tpu.memory_space<vmem>>
    %dma_wait3A_292 = arith.constant 0 : i32
    %dma_wait3A_293 = arith.constant 0 : i32
    %dma_wait3A_294 = tpu.memref_slice %arg2[%dma_wait3A_292, %dma_wait3A_293] : memref<10240x128xf32, #tpu.memory_space<hbm>> -> memref<10240x128xf32, #tpu.memory_space<hbm>>
    tpu.wait_indirect_dma semaphore(%arg9 : memref<!tpu.dma_semaphore, #tpu.memory_space<semaphore_mem>>) src(%dma_wait3A_294 : memref<10240x128xf32, #tpu.memory_space<hbm>>) dst(%arg7 : memref<128x128xf32, #tpu.memory_space<vmem>>)
    %add3A_295 = arith.constant 9 : i32
    %add3A_296 = arith.addi %mul3A_2, %add3A_295 : i32
    %dma_start3A_297 = arith.constant 0 : i32
    %dma_start3A_298 = arith.constant 0 : i32
    %dma_start3A_299 = tpu.memref_slice %arg4[%add3A_296, %dma_start3A_297, %dma_start3A_298] : memref<320x128x128xf32, #tpu.memory_space<hbm>> -> memref<1x128x128xf32, #tpu.memory_space<hbm>>
    %dma_start3A_300 = tpu.memref_squeeze %dma_start3A_299 : memref<1x128x128xf32, #tpu.memory_space<hbm>> -> memref<128x128xf32, #tpu.memory_space<hbm>>
    %dma_start3A_301 = arith.constant 0 : i32
    %dma_start3A_302 = arith.constant 0 : i32
    %dma_start3A_303 = tpu.memref_slice %arg4[%add3A_296, %dma_start3A_301, %dma_start3A_302] : memref<320x128x128xf32, #tpu.memory_space<hbm>> -> memref<1x128x128xf32, #tpu.memory_space<hbm>>
    %dma_start3A_304 = tpu.memref_squeeze %dma_start3A_303 : memref<1x128x128xf32, #tpu.memory_space<hbm>> -> memref<128x128xf32, #tpu.memory_space<hbm>>
    tpu.enqueue_dma source(%arg7 : memref<128x128xf32, #tpu.memory_space<vmem>>) target(%dma_start3A_304 : memref<128x128xf32, #tpu.memory_space<hbm>>) target_semaphore(%arg11 : memref<!tpu.dma_semaphore, #tpu.memory_space<semaphore_mem>>)
    %dma_wait3A_305 = arith.constant 0 : i32
    %dma_wait3A_306 = arith.constant 0 : i32
    %dma_wait3A_307 = tpu.memref_slice %arg4[%add3A_279, %dma_wait3A_305, %dma_wait3A_306] : memref<320x128x128xf32, #tpu.memory_space<hbm>> -> memref<1x128x128xf32, #tpu.memory_space<hbm>>
    %dma_wait3A_308 = tpu.memref_squeeze %dma_wait3A_307 : memref<1x128x128xf32, #tpu.memory_space<hbm>> -> memref<128x128xf32, #tpu.memory_space<hbm>>
    %dma_wait3A_309 = arith.constant 0 : i32
    %dma_wait3A_310 = arith.constant 0 : i32
    %dma_wait3A_311 = tpu.memref_slice %arg4[%add3A_279, %dma_wait3A_309, %dma_wait3A_310] : memref<320x128x128xf32, #tpu.memory_space<hbm>> -> memref<1x128x128xf32, #tpu.memory_space<hbm>>
    %dma_wait3A_312 = tpu.memref_squeeze %dma_wait3A_311 : memref<1x128x128xf32, #tpu.memory_space<hbm>> -> memref<128x128xf32, #tpu.memory_space<hbm>>
    tpu.wait_dma2 semaphore(%arg10 : memref<!tpu.dma_semaphore, #tpu.memory_space<semaphore_mem>>) src(%arg6 : memref<128x128xf32, #tpu.memory_space<vmem>>) dst(%dma_wait3A_312 : memref<128x128xf32, #tpu.memory_space<hbm>>)
    %dma_wait3A_313 = arith.constant 0 : i32
    %dma_wait3A_314 = arith.constant 0 : i32
    %dma_wait3A_315 = tpu.memref_slice %arg4[%add3A_296, %dma_wait3A_313, %dma_wait3A_314] : memref<320x128x128xf32, #tpu.memory_space<hbm>> -> memref<1x128x128xf32, #tpu.memory_space<hbm>>
    %dma_wait3A_316 = tpu.memref_squeeze %dma_wait3A_315 : memref<1x128x128xf32, #tpu.memory_space<hbm>> -> memref<128x128xf32, #tpu.memory_space<hbm>>
    %dma_wait3A_317 = arith.constant 0 : i32
    %dma_wait3A_318 = arith.constant 0 : i32
    %dma_wait3A_319 = tpu.memref_slice %arg4[%add3A_296, %dma_wait3A_317, %dma_wait3A_318] : memref<320x128x128xf32, #tpu.memory_space<hbm>> -> memref<1x128x128xf32, #tpu.memory_space<hbm>>
    %dma_wait3A_320 = tpu.memref_squeeze %dma_wait3A_319 : memref<1x128x128xf32, #tpu.memory_space<hbm>> -> memref<128x128xf32, #tpu.memory_space<hbm>>
    tpu.wait_dma2 semaphore(%arg11 : memref<!tpu.dma_semaphore, #tpu.memory_space<semaphore_mem>>) src(%arg7 : memref<128x128xf32, #tpu.memory_space<vmem>>) dst(%dma_wait3A_320 : memref<128x128xf32, #tpu.memory_space<hbm>>)
    return
  }
}

#map = affine_map<(d0, d1) -> (0, 0)>
#map1 = affine_map<(d0, d1) -> (0, 0, 0)>
module attributes {stable_mosaic.version = 14 : i64} {
  func.func @k(%arg0: i32, %arg1: i32, %arg2: memref<10240x256xf32, #tpu.memory_space<hbm>>, %arg3: memref<32x10x128xi32, #tpu.memory_space<hbm>>, %arg4: memref<320x128x256xf32, #tpu.memory_space<hbm>>, %arg5: memref<10x128xi32, #tpu.memory_space<vmem>>, %arg6: memref<128x256xf32, #tpu.memory_space<vmem>>, %arg7: memref<128x256xf32, #tpu.memory_space<vmem>>, %arg8: memref<!tpu.dma_semaphore, #tpu.memory_space<semaphore_mem>>, %arg9: memref<!tpu.dma_semaphore, #tpu.memory_space<semaphore_mem>>, %arg10: memref<!tpu.dma_semaphore, #tpu.memory_space<semaphore_mem>>, %arg11: memref<!tpu.dma_semaphore, #tpu.memory_space<semaphore_mem>>) attributes {dimension_semantics = [#tpu.dimension_semantics<core_parallel>, #tpu.dimension_semantics<subcore_parallel>], iteration_bounds = array<i64: 2, 16>, scalar_prefetch = 0 : i64, scratch_operands = 7 : i64, tpu.core_type = #tpu.core_type<sc_vector_subcore>, window_params = [{transform_indices = #map}, {transform_indices = #map1}, {transform_indices = #map1}]} {
    %mul3A = arith.constant 2 : i32
    %mul3A_0 = arith.muli %arg1, %mul3A : i32
    %add3A = arith.addi %mul3A_0, %arg0 : i32
    %mul3A_1 = arith.constant 10 : i32
    %mul3A_2 = arith.muli %add3A, %mul3A_1 : i32
    "tpu.region"() ({
      %run_scoped3A = tpu.sem_alloc : memref<!tpu.dma_semaphore, #tpu.memory_space<semaphore_mem>>
      %dma_start3A_321 = arith.constant 0 : i32
      %dma_start3A_322 = arith.constant 0 : i32
      %dma_start3A_323 = tpu.memref_slice %arg3[%add3A, %dma_start3A_321, %dma_start3A_322] : memref<32x10x128xi32, #tpu.memory_space<hbm>> -> memref<1x10x128xi32, #tpu.memory_space<hbm>>
      %dma_start3A_324 = tpu.memref_squeeze %dma_start3A_323 : memref<1x10x128xi32, #tpu.memory_space<hbm>> -> memref<10x128xi32, #tpu.memory_space<hbm>>
      %dma_start3A_325 = arith.constant 0 : i32
      %dma_start3A_326 = arith.constant 0 : i32
      %dma_start3A_327 = tpu.memref_slice %arg3[%add3A, %dma_start3A_325, %dma_start3A_326] : memref<32x10x128xi32, #tpu.memory_space<hbm>> -> memref<1x10x128xi32, #tpu.memory_space<hbm>>
      %dma_start3A_328 = tpu.memref_squeeze %dma_start3A_327 : memref<1x10x128xi32, #tpu.memory_space<hbm>> -> memref<10x128xi32, #tpu.memory_space<hbm>>
      tpu.enqueue_dma source(%dma_start3A_328 : memref<10x128xi32, #tpu.memory_space<hbm>>) target(%arg5 : memref<10x128xi32, #tpu.memory_space<vmem>>) target_semaphore(%run_scoped3A : memref<!tpu.dma_semaphore, #tpu.memory_space<semaphore_mem>>)
      %dma_wait3A_329 = arith.constant 0 : i32
      %dma_wait3A_330 = arith.constant 0 : i32
      %dma_wait3A_331 = tpu.memref_slice %arg3[%add3A, %dma_wait3A_329, %dma_wait3A_330] : memref<32x10x128xi32, #tpu.memory_space<hbm>> -> memref<1x10x128xi32, #tpu.memory_space<hbm>>
      %dma_wait3A_332 = tpu.memref_squeeze %dma_wait3A_331 : memref<1x10x128xi32, #tpu.memory_space<hbm>> -> memref<10x128xi32, #tpu.memory_space<hbm>>
      %dma_wait3A_333 = arith.constant 0 : i32
      %dma_wait3A_334 = arith.constant 0 : i32
      %dma_wait3A_335 = tpu.memref_slice %arg3[%add3A, %dma_wait3A_333, %dma_wait3A_334] : memref<32x10x128xi32, #tpu.memory_space<hbm>> -> memref<1x10x128xi32, #tpu.memory_space<hbm>>
      %dma_wait3A_336 = tpu.memref_squeeze %dma_wait3A_335 : memref<1x10x128xi32, #tpu.memory_space<hbm>> -> memref<10x128xi32, #tpu.memory_space<hbm>>
      tpu.wait_dma2 semaphore(%run_scoped3A : memref<!tpu.dma_semaphore, #tpu.memory_space<semaphore_mem>>) src(%dma_wait3A_336 : memref<10x128xi32, #tpu.memory_space<hbm>>) dst(%arg5 : memref<10x128xi32, #tpu.memory_space<vmem>>)
      tpu.yield
    }) : () -> ()
    %dma_start3A = arith.constant 0 : i32
    %dma_start3A_3 = arith.constant 0 : i32
    %dma_start3A_4 = tpu.memref_slice %arg5[%dma_start3A, %dma_start3A_3] : memref<10x128xi32, #tpu.memory_space<vmem>> -> memref<1x128xi32, #tpu.memory_space<vmem>>
    %dma_start3A_5 = tpu.memref_squeeze %dma_start3A_4 : memref<1x128xi32, #tpu.memory_space<vmem>> -> memref<128xi32, #tpu.memory_space<vmem>>
    %dma_start3A_6 = arith.constant 0 : i32
    %dma_start3A_7 = arith.constant 0 : i32
    %dma_start3A_8 = tpu.memref_slice %arg2[%dma_start3A_6, %dma_start3A_7] : memref<10240x256xf32, #tpu.memory_space<hbm>> -> memref<10240x256xf32, #tpu.memory_space<hbm>>
    tpu.enqueue_indirect_dma source(%dma_start3A_8 : memref<10240x256xf32, #tpu.memory_space<hbm>>) target(%arg6 : memref<128x256xf32, #tpu.memory_space<vmem>>) offsets(%dma_start3A_5 : memref<128xi32, #tpu.memory_space<vmem>>) semaphore(%arg8 : memref<!tpu.dma_semaphore, #tpu.memory_space<semaphore_mem>>)
    %dma_start3A_9 = arith.constant 1 : i32
    %dma_start3A_10 = arith.constant 0 : i32
    %dma_start3A_11 = tpu.memref_slice %arg5[%dma_start3A_9, %dma_start3A_10] : memref<10x128xi32, #tpu.memory_space<vmem>> -> memref<1x128xi32, #tpu.memory_space<vmem>>
    %dma_start3A_12 = tpu.memref_squeeze %dma_start3A_11 : memref<1x128xi32, #tpu.memory_space<vmem>> -> memref<128xi32, #tpu.memory_space<vmem>>
    %dma_start3A_13 = arith.constant 0 : i32
    %dma_start3A_14 = arith.constant 0 : i32
    %dma_start3A_15 = tpu.memref_slice %arg2[%dma_start3A_13, %dma_start3A_14] : memref<10240x256xf32, #tpu.memory_space<hbm>> -> memref<10240x256xf32, #tpu.memory_space<hbm>>
    tpu.enqueue_indirect_dma source(%dma_start3A_15 : memref<10240x256xf32, #tpu.memory_space<hbm>>) target(%arg7 : memref<128x256xf32, #tpu.memory_space<vmem>>) offsets(%dma_start3A_12 : memref<128xi32, #tpu.memory_space<vmem>>) semaphore(%arg9 : memref<!tpu.dma_semaphore, #tpu.memory_space<semaphore_mem>>)
    %dma_wait3A = arith.constant 0 : i32
    %dma_wait3A_16 = arith.constant 0 : i32
    %dma_wait3A_17 = tpu.memref_slice %arg5[%dma_wait3A, %dma_wait3A_16] : memref<10x128xi32, #tpu.memory_space<vmem>> -> memref<1x128xi32, #tpu.memory_space<vmem>>
    %dma_wait3A_18 = tpu.memref_squeeze %dma_wait3A_17 : memref<1x128xi32, #tpu.memory_space<vmem>> -> memref<128xi32, #tpu.memory_space<vmem>>
    %dma_wait3A_19 = arith.constant 0 : i32
    %dma_wait3A_20 = arith.constant 0 : i32
    %dma_wait3A_21 = tpu.memref_slice %arg2[%dma_wait3A_19, %dma_wait3A_20] : memref<10240x256xf32, #tpu.memory_space<hbm>> -> memref<10240x256xf32, #tpu.memory_space<hbm>>
    tpu.wait_indirect_dma semaphore(%arg8 : memref<!tpu.dma_semaphore, #tpu.memory_space<semaphore_mem>>) src(%dma_wait3A_21 : memref<10240x256xf32, #tpu.memory_space<hbm>>) dst(%arg6 : memref<128x256xf32, #tpu.memory_space<vmem>>)
    %add3A_22 = arith.constant 0 : i32
    %add3A_23 = arith.addi %mul3A_2, %add3A_22 : i32
    %dma_start3A_24 = arith.constant 0 : i32
    %dma_start3A_25 = arith.constant 0 : i32
    %dma_start3A_26 = tpu.memref_slice %arg4[%add3A_23, %dma_start3A_24, %dma_start3A_25] : memref<320x128x256xf32, #tpu.memory_space<hbm>> -> memref<1x128x256xf32, #tpu.memory_space<hbm>>
    %dma_start3A_27 = tpu.memref_squeeze %dma_start3A_26 : memref<1x128x256xf32, #tpu.memory_space<hbm>> -> memref<128x256xf32, #tpu.memory_space<hbm>>
    %dma_start3A_28 = arith.constant 0 : i32
    %dma_start3A_29 = arith.constant 0 : i32
    %dma_start3A_30 = tpu.memref_slice %arg4[%add3A_23, %dma_start3A_28, %dma_start3A_29] : memref<320x128x256xf32, #tpu.memory_space<hbm>> -> memref<1x128x256xf32, #tpu.memory_space<hbm>>
    %dma_start3A_31 = tpu.memref_squeeze %dma_start3A_30 : memref<1x128x256xf32, #tpu.memory_space<hbm>> -> memref<128x256xf32, #tpu.memory_space<hbm>>
    tpu.enqueue_dma source(%arg6 : memref<128x256xf32, #tpu.memory_space<vmem>>) target(%dma_start3A_31 : memref<128x256xf32, #tpu.memory_space<hbm>>) target_semaphore(%arg10 : memref<!tpu.dma_semaphore, #tpu.memory_space<semaphore_mem>>)
    %dma_wait3A_32 = arith.constant 0 : i32
    %dma_wait3A_33 = arith.constant 0 : i32
    %dma_wait3A_34 = tpu.memref_slice %arg4[%add3A_23, %dma_wait3A_32, %dma_wait3A_33] : memref<320x128x256xf32, #tpu.memory_space<hbm>> -> memref<1x128x256xf32, #tpu.memory_space<hbm>>
    %dma_wait3A_35 = tpu.memref_squeeze %dma_wait3A_34 : memref<1x128x256xf32, #tpu.memory_space<hbm>> -> memref<128x256xf32, #tpu.memory_space<hbm>>
    %dma_wait3A_36 = arith.constant 0 : i32
    %dma_wait3A_37 = arith.constant 0 : i32
    %dma_wait3A_38 = tpu.memref_slice %arg4[%add3A_23, %dma_wait3A_36, %dma_wait3A_37] : memref<320x128x256xf32, #tpu.memory_space<hbm>> -> memref<1x128x256xf32, #tpu.memory_space<hbm>>
    %dma_wait3A_39 = tpu.memref_squeeze %dma_wait3A_38 : memref<1x128x256xf32, #tpu.memory_space<hbm>> -> memref<128x256xf32, #tpu.memory_space<hbm>>
    tpu.wait_dma2 semaphore(%arg10 : memref<!tpu.dma_semaphore, #tpu.memory_space<semaphore_mem>>) src(%arg6 : memref<128x256xf32, #tpu.memory_space<vmem>>) dst(%dma_wait3A_39 : memref<128x256xf32, #tpu.memory_space<hbm>>)
    %dma_start3A_40 = arith.constant 2 : i32
    %dma_start3A_41 = arith.constant 0 : i32
    %dma_start3A_42 = tpu.memref_slice %arg5[%dma_start3A_40, %dma_start3A_41] : memref<10x128xi32, #tpu.memory_space<vmem>> -> memref<1x128xi32, #tpu.memory_space<vmem>>
    %dma_start3A_43 = tpu.memref_squeeze %dma_start3A_42 : memref<1x128xi32, #tpu.memory_space<vmem>> -> memref<128xi32, #tpu.memory_space<vmem>>
    %dma_start3A_44 = arith.constant 0 : i32
    %dma_start3A_45 = arith.constant 0 : i32
    %dma_start3A_46 = tpu.memref_slice %arg2[%dma_start3A_44, %dma_start3A_45] : memref<10240x256xf32, #tpu.memory_space<hbm>> -> memref<10240x256xf32, #tpu.memory_space<hbm>>
    tpu.enqueue_indirect_dma source(%dma_start3A_46 : memref<10240x256xf32, #tpu.memory_space<hbm>>) target(%arg6 : memref<128x256xf32, #tpu.memory_space<vmem>>) offsets(%dma_start3A_43 : memref<128xi32, #tpu.memory_space<vmem>>) semaphore(%arg8 : memref<!tpu.dma_semaphore, #tpu.memory_space<semaphore_mem>>)
    %dma_wait3A_47 = arith.constant 1 : i32
    %dma_wait3A_48 = arith.constant 0 : i32
    %dma_wait3A_49 = tpu.memref_slice %arg5[%dma_wait3A_47, %dma_wait3A_48] : memref<10x128xi32, #tpu.memory_space<vmem>> -> memref<1x128xi32, #tpu.memory_space<vmem>>
    %dma_wait3A_50 = tpu.memref_squeeze %dma_wait3A_49 : memref<1x128xi32, #tpu.memory_space<vmem>> -> memref<128xi32, #tpu.memory_space<vmem>>
    %dma_wait3A_51 = arith.constant 0 : i32
    %dma_wait3A_52 = arith.constant 0 : i32
    %dma_wait3A_53 = tpu.memref_slice %arg2[%dma_wait3A_51, %dma_wait3A_52] : memref<10240x256xf32, #tpu.memory_space<hbm>> -> memref<10240x256xf32, #tpu.memory_space<hbm>>
    tpu.wait_indirect_dma semaphore(%arg9 : memref<!tpu.dma_semaphore, #tpu.memory_space<semaphore_mem>>) src(%dma_wait3A_53 : memref<10240x256xf32, #tpu.memory_space<hbm>>) dst(%arg7 : memref<128x256xf32, #tpu.memory_space<vmem>>)
    %add3A_54 = arith.constant 1 : i32
    %add3A_55 = arith.addi %mul3A_2, %add3A_54 : i32
    %dma_start3A_56 = arith.constant 0 : i32
    %dma_start3A_57 = arith.constant 0 : i32
    %dma_start3A_58 = tpu.memref_slice %arg4[%add3A_55, %dma_start3A_56, %dma_start3A_57] : memref<320x128x256xf32, #tpu.memory_space<hbm>> -> memref<1x128x256xf32, #tpu.memory_space<hbm>>
    %dma_start3A_59 = tpu.memref_squeeze %dma_start3A_58 : memref<1x128x256xf32, #tpu.memory_space<hbm>> -> memref<128x256xf32, #tpu.memory_space<hbm>>
    %dma_start3A_60 = arith.constant 0 : i32
    %dma_start3A_61 = arith.constant 0 : i32
    %dma_start3A_62 = tpu.memref_slice %arg4[%add3A_55, %dma_start3A_60, %dma_start3A_61] : memref<320x128x256xf32, #tpu.memory_space<hbm>> -> memref<1x128x256xf32, #tpu.memory_space<hbm>>
    %dma_start3A_63 = tpu.memref_squeeze %dma_start3A_62 : memref<1x128x256xf32, #tpu.memory_space<hbm>> -> memref<128x256xf32, #tpu.memory_space<hbm>>
    tpu.enqueue_dma source(%arg7 : memref<128x256xf32, #tpu.memory_space<vmem>>) target(%dma_start3A_63 : memref<128x256xf32, #tpu.memory_space<hbm>>) target_semaphore(%arg11 : memref<!tpu.dma_semaphore, #tpu.memory_space<semaphore_mem>>)
    %dma_wait3A_64 = arith.constant 0 : i32
    %dma_wait3A_65 = arith.constant 0 : i32
    %dma_wait3A_66 = tpu.memref_slice %arg4[%add3A_55, %dma_wait3A_64, %dma_wait3A_65] : memref<320x128x256xf32, #tpu.memory_space<hbm>> -> memref<1x128x256xf32, #tpu.memory_space<hbm>>
    %dma_wait3A_67 = tpu.memref_squeeze %dma_wait3A_66 : memref<1x128x256xf32, #tpu.memory_space<hbm>> -> memref<128x256xf32, #tpu.memory_space<hbm>>
    %dma_wait3A_68 = arith.constant 0 : i32
    %dma_wait3A_69 = arith.constant 0 : i32
    %dma_wait3A_70 = tpu.memref_slice %arg4[%add3A_55, %dma_wait3A_68, %dma_wait3A_69] : memref<320x128x256xf32, #tpu.memory_space<hbm>> -> memref<1x128x256xf32, #tpu.memory_space<hbm>>
    %dma_wait3A_71 = tpu.memref_squeeze %dma_wait3A_70 : memref<1x128x256xf32, #tpu.memory_space<hbm>> -> memref<128x256xf32, #tpu.memory_space<hbm>>
    tpu.wait_dma2 semaphore(%arg11 : memref<!tpu.dma_semaphore, #tpu.memory_space<semaphore_mem>>) src(%arg7 : memref<128x256xf32, #tpu.memory_space<vmem>>) dst(%dma_wait3A_71 : memref<128x256xf32, #tpu.memory_space<hbm>>)
    %dma_start3A_72 = arith.constant 3 : i32
    %dma_start3A_73 = arith.constant 0 : i32
    %dma_start3A_74 = tpu.memref_slice %arg5[%dma_start3A_72, %dma_start3A_73] : memref<10x128xi32, #tpu.memory_space<vmem>> -> memref<1x128xi32, #tpu.memory_space<vmem>>
    %dma_start3A_75 = tpu.memref_squeeze %dma_start3A_74 : memref<1x128xi32, #tpu.memory_space<vmem>> -> memref<128xi32, #tpu.memory_space<vmem>>
    %dma_start3A_76 = arith.constant 0 : i32
    %dma_start3A_77 = arith.constant 0 : i32
    %dma_start3A_78 = tpu.memref_slice %arg2[%dma_start3A_76, %dma_start3A_77] : memref<10240x256xf32, #tpu.memory_space<hbm>> -> memref<10240x256xf32, #tpu.memory_space<hbm>>
    tpu.enqueue_indirect_dma source(%dma_start3A_78 : memref<10240x256xf32, #tpu.memory_space<hbm>>) target(%arg7 : memref<128x256xf32, #tpu.memory_space<vmem>>) offsets(%dma_start3A_75 : memref<128xi32, #tpu.memory_space<vmem>>) semaphore(%arg9 : memref<!tpu.dma_semaphore, #tpu.memory_space<semaphore_mem>>)
    %dma_wait3A_79 = arith.constant 2 : i32
    %dma_wait3A_80 = arith.constant 0 : i32
    %dma_wait3A_81 = tpu.memref_slice %arg5[%dma_wait3A_79, %dma_wait3A_80] : memref<10x128xi32, #tpu.memory_space<vmem>> -> memref<1x128xi32, #tpu.memory_space<vmem>>
    %dma_wait3A_82 = tpu.memref_squeeze %dma_wait3A_81 : memref<1x128xi32, #tpu.memory_space<vmem>> -> memref<128xi32, #tpu.memory_space<vmem>>
    %dma_wait3A_83 = arith.constant 0 : i32
    %dma_wait3A_84 = arith.constant 0 : i32
    %dma_wait3A_85 = tpu.memref_slice %arg2[%dma_wait3A_83, %dma_wait3A_84] : memref<10240x256xf32, #tpu.memory_space<hbm>> -> memref<10240x256xf32, #tpu.memory_space<hbm>>
    tpu.wait_indirect_dma semaphore(%arg8 : memref<!tpu.dma_semaphore, #tpu.memory_space<semaphore_mem>>) src(%dma_wait3A_85 : memref<10240x256xf32, #tpu.memory_space<hbm>>) dst(%arg6 : memref<128x256xf32, #tpu.memory_space<vmem>>)
    %add3A_86 = arith.constant 2 : i32
    %add3A_87 = arith.addi %mul3A_2, %add3A_86 : i32
    %dma_start3A_88 = arith.constant 0 : i32
    %dma_start3A_89 = arith.constant 0 : i32
    %dma_start3A_90 = tpu.memref_slice %arg4[%add3A_87, %dma_start3A_88, %dma_start3A_89] : memref<320x128x256xf32, #tpu.memory_space<hbm>> -> memref<1x128x256xf32, #tpu.memory_space<hbm>>
    %dma_start3A_91 = tpu.memref_squeeze %dma_start3A_90 : memref<1x128x256xf32, #tpu.memory_space<hbm>> -> memref<128x256xf32, #tpu.memory_space<hbm>>
    %dma_start3A_92 = arith.constant 0 : i32
    %dma_start3A_93 = arith.constant 0 : i32
    %dma_start3A_94 = tpu.memref_slice %arg4[%add3A_87, %dma_start3A_92, %dma_start3A_93] : memref<320x128x256xf32, #tpu.memory_space<hbm>> -> memref<1x128x256xf32, #tpu.memory_space<hbm>>
    %dma_start3A_95 = tpu.memref_squeeze %dma_start3A_94 : memref<1x128x256xf32, #tpu.memory_space<hbm>> -> memref<128x256xf32, #tpu.memory_space<hbm>>
    tpu.enqueue_dma source(%arg6 : memref<128x256xf32, #tpu.memory_space<vmem>>) target(%dma_start3A_95 : memref<128x256xf32, #tpu.memory_space<hbm>>) target_semaphore(%arg10 : memref<!tpu.dma_semaphore, #tpu.memory_space<semaphore_mem>>)
    %dma_wait3A_96 = arith.constant 0 : i32
    %dma_wait3A_97 = arith.constant 0 : i32
    %dma_wait3A_98 = tpu.memref_slice %arg4[%add3A_87, %dma_wait3A_96, %dma_wait3A_97] : memref<320x128x256xf32, #tpu.memory_space<hbm>> -> memref<1x128x256xf32, #tpu.memory_space<hbm>>
    %dma_wait3A_99 = tpu.memref_squeeze %dma_wait3A_98 : memref<1x128x256xf32, #tpu.memory_space<hbm>> -> memref<128x256xf32, #tpu.memory_space<hbm>>
    %dma_wait3A_100 = arith.constant 0 : i32
    %dma_wait3A_101 = arith.constant 0 : i32
    %dma_wait3A_102 = tpu.memref_slice %arg4[%add3A_87, %dma_wait3A_100, %dma_wait3A_101] : memref<320x128x256xf32, #tpu.memory_space<hbm>> -> memref<1x128x256xf32, #tpu.memory_space<hbm>>
    %dma_wait3A_103 = tpu.memref_squeeze %dma_wait3A_102 : memref<1x128x256xf32, #tpu.memory_space<hbm>> -> memref<128x256xf32, #tpu.memory_space<hbm>>
    tpu.wait_dma2 semaphore(%arg10 : memref<!tpu.dma_semaphore, #tpu.memory_space<semaphore_mem>>) src(%arg6 : memref<128x256xf32, #tpu.memory_space<vmem>>) dst(%dma_wait3A_103 : memref<128x256xf32, #tpu.memory_space<hbm>>)
    %dma_start3A_104 = arith.constant 4 : i32
    %dma_start3A_105 = arith.constant 0 : i32
    %dma_start3A_106 = tpu.memref_slice %arg5[%dma_start3A_104, %dma_start3A_105] : memref<10x128xi32, #tpu.memory_space<vmem>> -> memref<1x128xi32, #tpu.memory_space<vmem>>
    %dma_start3A_107 = tpu.memref_squeeze %dma_start3A_106 : memref<1x128xi32, #tpu.memory_space<vmem>> -> memref<128xi32, #tpu.memory_space<vmem>>
    %dma_start3A_108 = arith.constant 0 : i32
    %dma_start3A_109 = arith.constant 0 : i32
    %dma_start3A_110 = tpu.memref_slice %arg2[%dma_start3A_108, %dma_start3A_109] : memref<10240x256xf32, #tpu.memory_space<hbm>> -> memref<10240x256xf32, #tpu.memory_space<hbm>>
    tpu.enqueue_indirect_dma source(%dma_start3A_110 : memref<10240x256xf32, #tpu.memory_space<hbm>>) target(%arg6 : memref<128x256xf32, #tpu.memory_space<vmem>>) offsets(%dma_start3A_107 : memref<128xi32, #tpu.memory_space<vmem>>) semaphore(%arg8 : memref<!tpu.dma_semaphore, #tpu.memory_space<semaphore_mem>>)
    %dma_wait3A_111 = arith.constant 3 : i32
    %dma_wait3A_112 = arith.constant 0 : i32
    %dma_wait3A_113 = tpu.memref_slice %arg5[%dma_wait3A_111, %dma_wait3A_112] : memref<10x128xi32, #tpu.memory_space<vmem>> -> memref<1x128xi32, #tpu.memory_space<vmem>>
    %dma_wait3A_114 = tpu.memref_squeeze %dma_wait3A_113 : memref<1x128xi32, #tpu.memory_space<vmem>> -> memref<128xi32, #tpu.memory_space<vmem>>
    %dma_wait3A_115 = arith.constant 0 : i32
    %dma_wait3A_116 = arith.constant 0 : i32
    %dma_wait3A_117 = tpu.memref_slice %arg2[%dma_wait3A_115, %dma_wait3A_116] : memref<10240x256xf32, #tpu.memory_space<hbm>> -> memref<10240x256xf32, #tpu.memory_space<hbm>>
    tpu.wait_indirect_dma semaphore(%arg9 : memref<!tpu.dma_semaphore, #tpu.memory_space<semaphore_mem>>) src(%dma_wait3A_117 : memref<10240x256xf32, #tpu.memory_space<hbm>>) dst(%arg7 : memref<128x256xf32, #tpu.memory_space<vmem>>)
    %add3A_118 = arith.constant 3 : i32
    %add3A_119 = arith.addi %mul3A_2, %add3A_118 : i32
    %dma_start3A_120 = arith.constant 0 : i32
    %dma_start3A_121 = arith.constant 0 : i32
    %dma_start3A_122 = tpu.memref_slice %arg4[%add3A_119, %dma_start3A_120, %dma_start3A_121] : memref<320x128x256xf32, #tpu.memory_space<hbm>> -> memref<1x128x256xf32, #tpu.memory_space<hbm>>
    %dma_start3A_123 = tpu.memref_squeeze %dma_start3A_122 : memref<1x128x256xf32, #tpu.memory_space<hbm>> -> memref<128x256xf32, #tpu.memory_space<hbm>>
    %dma_start3A_124 = arith.constant 0 : i32
    %dma_start3A_125 = arith.constant 0 : i32
    %dma_start3A_126 = tpu.memref_slice %arg4[%add3A_119, %dma_start3A_124, %dma_start3A_125] : memref<320x128x256xf32, #tpu.memory_space<hbm>> -> memref<1x128x256xf32, #tpu.memory_space<hbm>>
    %dma_start3A_127 = tpu.memref_squeeze %dma_start3A_126 : memref<1x128x256xf32, #tpu.memory_space<hbm>> -> memref<128x256xf32, #tpu.memory_space<hbm>>
    tpu.enqueue_dma source(%arg7 : memref<128x256xf32, #tpu.memory_space<vmem>>) target(%dma_start3A_127 : memref<128x256xf32, #tpu.memory_space<hbm>>) target_semaphore(%arg11 : memref<!tpu.dma_semaphore, #tpu.memory_space<semaphore_mem>>)
    %dma_wait3A_128 = arith.constant 0 : i32
    %dma_wait3A_129 = arith.constant 0 : i32
    %dma_wait3A_130 = tpu.memref_slice %arg4[%add3A_119, %dma_wait3A_128, %dma_wait3A_129] : memref<320x128x256xf32, #tpu.memory_space<hbm>> -> memref<1x128x256xf32, #tpu.memory_space<hbm>>
    %dma_wait3A_131 = tpu.memref_squeeze %dma_wait3A_130 : memref<1x128x256xf32, #tpu.memory_space<hbm>> -> memref<128x256xf32, #tpu.memory_space<hbm>>
    %dma_wait3A_132 = arith.constant 0 : i32
    %dma_wait3A_133 = arith.constant 0 : i32
    %dma_wait3A_134 = tpu.memref_slice %arg4[%add3A_119, %dma_wait3A_132, %dma_wait3A_133] : memref<320x128x256xf32, #tpu.memory_space<hbm>> -> memref<1x128x256xf32, #tpu.memory_space<hbm>>
    %dma_wait3A_135 = tpu.memref_squeeze %dma_wait3A_134 : memref<1x128x256xf32, #tpu.memory_space<hbm>> -> memref<128x256xf32, #tpu.memory_space<hbm>>
    tpu.wait_dma2 semaphore(%arg11 : memref<!tpu.dma_semaphore, #tpu.memory_space<semaphore_mem>>) src(%arg7 : memref<128x256xf32, #tpu.memory_space<vmem>>) dst(%dma_wait3A_135 : memref<128x256xf32, #tpu.memory_space<hbm>>)
    %dma_start3A_136 = arith.constant 5 : i32
    %dma_start3A_137 = arith.constant 0 : i32
    %dma_start3A_138 = tpu.memref_slice %arg5[%dma_start3A_136, %dma_start3A_137] : memref<10x128xi32, #tpu.memory_space<vmem>> -> memref<1x128xi32, #tpu.memory_space<vmem>>
    %dma_start3A_139 = tpu.memref_squeeze %dma_start3A_138 : memref<1x128xi32, #tpu.memory_space<vmem>> -> memref<128xi32, #tpu.memory_space<vmem>>
    %dma_start3A_140 = arith.constant 0 : i32
    %dma_start3A_141 = arith.constant 0 : i32
    %dma_start3A_142 = tpu.memref_slice %arg2[%dma_start3A_140, %dma_start3A_141] : memref<10240x256xf32, #tpu.memory_space<hbm>> -> memref<10240x256xf32, #tpu.memory_space<hbm>>
    tpu.enqueue_indirect_dma source(%dma_start3A_142 : memref<10240x256xf32, #tpu.memory_space<hbm>>) target(%arg7 : memref<128x256xf32, #tpu.memory_space<vmem>>) offsets(%dma_start3A_139 : memref<128xi32, #tpu.memory_space<vmem>>) semaphore(%arg9 : memref<!tpu.dma_semaphore, #tpu.memory_space<semaphore_mem>>)
    %dma_wait3A_143 = arith.constant 4 : i32
    %dma_wait3A_144 = arith.constant 0 : i32
    %dma_wait3A_145 = tpu.memref_slice %arg5[%dma_wait3A_143, %dma_wait3A_144] : memref<10x128xi32, #tpu.memory_space<vmem>> -> memref<1x128xi32, #tpu.memory_space<vmem>>
    %dma_wait3A_146 = tpu.memref_squeeze %dma_wait3A_145 : memref<1x128xi32, #tpu.memory_space<vmem>> -> memref<128xi32, #tpu.memory_space<vmem>>
    %dma_wait3A_147 = arith.constant 0 : i32
    %dma_wait3A_148 = arith.constant 0 : i32
    %dma_wait3A_149 = tpu.memref_slice %arg2[%dma_wait3A_147, %dma_wait3A_148] : memref<10240x256xf32, #tpu.memory_space<hbm>> -> memref<10240x256xf32, #tpu.memory_space<hbm>>
    tpu.wait_indirect_dma semaphore(%arg8 : memref<!tpu.dma_semaphore, #tpu.memory_space<semaphore_mem>>) src(%dma_wait3A_149 : memref<10240x256xf32, #tpu.memory_space<hbm>>) dst(%arg6 : memref<128x256xf32, #tpu.memory_space<vmem>>)
    %add3A_150 = arith.constant 4 : i32
    %add3A_151 = arith.addi %mul3A_2, %add3A_150 : i32
    %dma_start3A_152 = arith.constant 0 : i32
    %dma_start3A_153 = arith.constant 0 : i32
    %dma_start3A_154 = tpu.memref_slice %arg4[%add3A_151, %dma_start3A_152, %dma_start3A_153] : memref<320x128x256xf32, #tpu.memory_space<hbm>> -> memref<1x128x256xf32, #tpu.memory_space<hbm>>
    %dma_start3A_155 = tpu.memref_squeeze %dma_start3A_154 : memref<1x128x256xf32, #tpu.memory_space<hbm>> -> memref<128x256xf32, #tpu.memory_space<hbm>>
    %dma_start3A_156 = arith.constant 0 : i32
    %dma_start3A_157 = arith.constant 0 : i32
    %dma_start3A_158 = tpu.memref_slice %arg4[%add3A_151, %dma_start3A_156, %dma_start3A_157] : memref<320x128x256xf32, #tpu.memory_space<hbm>> -> memref<1x128x256xf32, #tpu.memory_space<hbm>>
    %dma_start3A_159 = tpu.memref_squeeze %dma_start3A_158 : memref<1x128x256xf32, #tpu.memory_space<hbm>> -> memref<128x256xf32, #tpu.memory_space<hbm>>
    tpu.enqueue_dma source(%arg6 : memref<128x256xf32, #tpu.memory_space<vmem>>) target(%dma_start3A_159 : memref<128x256xf32, #tpu.memory_space<hbm>>) target_semaphore(%arg10 : memref<!tpu.dma_semaphore, #tpu.memory_space<semaphore_mem>>)
    %dma_wait3A_160 = arith.constant 0 : i32
    %dma_wait3A_161 = arith.constant 0 : i32
    %dma_wait3A_162 = tpu.memref_slice %arg4[%add3A_151, %dma_wait3A_160, %dma_wait3A_161] : memref<320x128x256xf32, #tpu.memory_space<hbm>> -> memref<1x128x256xf32, #tpu.memory_space<hbm>>
    %dma_wait3A_163 = tpu.memref_squeeze %dma_wait3A_162 : memref<1x128x256xf32, #tpu.memory_space<hbm>> -> memref<128x256xf32, #tpu.memory_space<hbm>>
    %dma_wait3A_164 = arith.constant 0 : i32
    %dma_wait3A_165 = arith.constant 0 : i32
    %dma_wait3A_166 = tpu.memref_slice %arg4[%add3A_151, %dma_wait3A_164, %dma_wait3A_165] : memref<320x128x256xf32, #tpu.memory_space<hbm>> -> memref<1x128x256xf32, #tpu.memory_space<hbm>>
    %dma_wait3A_167 = tpu.memref_squeeze %dma_wait3A_166 : memref<1x128x256xf32, #tpu.memory_space<hbm>> -> memref<128x256xf32, #tpu.memory_space<hbm>>
    tpu.wait_dma2 semaphore(%arg10 : memref<!tpu.dma_semaphore, #tpu.memory_space<semaphore_mem>>) src(%arg6 : memref<128x256xf32, #tpu.memory_space<vmem>>) dst(%dma_wait3A_167 : memref<128x256xf32, #tpu.memory_space<hbm>>)
    %dma_start3A_168 = arith.constant 6 : i32
    %dma_start3A_169 = arith.constant 0 : i32
    %dma_start3A_170 = tpu.memref_slice %arg5[%dma_start3A_168, %dma_start3A_169] : memref<10x128xi32, #tpu.memory_space<vmem>> -> memref<1x128xi32, #tpu.memory_space<vmem>>
    %dma_start3A_171 = tpu.memref_squeeze %dma_start3A_170 : memref<1x128xi32, #tpu.memory_space<vmem>> -> memref<128xi32, #tpu.memory_space<vmem>>
    %dma_start3A_172 = arith.constant 0 : i32
    %dma_start3A_173 = arith.constant 0 : i32
    %dma_start3A_174 = tpu.memref_slice %arg2[%dma_start3A_172, %dma_start3A_173] : memref<10240x256xf32, #tpu.memory_space<hbm>> -> memref<10240x256xf32, #tpu.memory_space<hbm>>
    tpu.enqueue_indirect_dma source(%dma_start3A_174 : memref<10240x256xf32, #tpu.memory_space<hbm>>) target(%arg6 : memref<128x256xf32, #tpu.memory_space<vmem>>) offsets(%dma_start3A_171 : memref<128xi32, #tpu.memory_space<vmem>>) semaphore(%arg8 : memref<!tpu.dma_semaphore, #tpu.memory_space<semaphore_mem>>)
    %dma_wait3A_175 = arith.constant 5 : i32
    %dma_wait3A_176 = arith.constant 0 : i32
    %dma_wait3A_177 = tpu.memref_slice %arg5[%dma_wait3A_175, %dma_wait3A_176] : memref<10x128xi32, #tpu.memory_space<vmem>> -> memref<1x128xi32, #tpu.memory_space<vmem>>
    %dma_wait3A_178 = tpu.memref_squeeze %dma_wait3A_177 : memref<1x128xi32, #tpu.memory_space<vmem>> -> memref<128xi32, #tpu.memory_space<vmem>>
    %dma_wait3A_179 = arith.constant 0 : i32
    %dma_wait3A_180 = arith.constant 0 : i32
    %dma_wait3A_181 = tpu.memref_slice %arg2[%dma_wait3A_179, %dma_wait3A_180] : memref<10240x256xf32, #tpu.memory_space<hbm>> -> memref<10240x256xf32, #tpu.memory_space<hbm>>
    tpu.wait_indirect_dma semaphore(%arg9 : memref<!tpu.dma_semaphore, #tpu.memory_space<semaphore_mem>>) src(%dma_wait3A_181 : memref<10240x256xf32, #tpu.memory_space<hbm>>) dst(%arg7 : memref<128x256xf32, #tpu.memory_space<vmem>>)
    %add3A_182 = arith.constant 5 : i32
    %add3A_183 = arith.addi %mul3A_2, %add3A_182 : i32
    %dma_start3A_184 = arith.constant 0 : i32
    %dma_start3A_185 = arith.constant 0 : i32
    %dma_start3A_186 = tpu.memref_slice %arg4[%add3A_183, %dma_start3A_184, %dma_start3A_185] : memref<320x128x256xf32, #tpu.memory_space<hbm>> -> memref<1x128x256xf32, #tpu.memory_space<hbm>>
    %dma_start3A_187 = tpu.memref_squeeze %dma_start3A_186 : memref<1x128x256xf32, #tpu.memory_space<hbm>> -> memref<128x256xf32, #tpu.memory_space<hbm>>
    %dma_start3A_188 = arith.constant 0 : i32
    %dma_start3A_189 = arith.constant 0 : i32
    %dma_start3A_190 = tpu.memref_slice %arg4[%add3A_183, %dma_start3A_188, %dma_start3A_189] : memref<320x128x256xf32, #tpu.memory_space<hbm>> -> memref<1x128x256xf32, #tpu.memory_space<hbm>>
    %dma_start3A_191 = tpu.memref_squeeze %dma_start3A_190 : memref<1x128x256xf32, #tpu.memory_space<hbm>> -> memref<128x256xf32, #tpu.memory_space<hbm>>
    tpu.enqueue_dma source(%arg7 : memref<128x256xf32, #tpu.memory_space<vmem>>) target(%dma_start3A_191 : memref<128x256xf32, #tpu.memory_space<hbm>>) target_semaphore(%arg11 : memref<!tpu.dma_semaphore, #tpu.memory_space<semaphore_mem>>)
    %dma_wait3A_192 = arith.constant 0 : i32
    %dma_wait3A_193 = arith.constant 0 : i32
    %dma_wait3A_194 = tpu.memref_slice %arg4[%add3A_183, %dma_wait3A_192, %dma_wait3A_193] : memref<320x128x256xf32, #tpu.memory_space<hbm>> -> memref<1x128x256xf32, #tpu.memory_space<hbm>>
    %dma_wait3A_195 = tpu.memref_squeeze %dma_wait3A_194 : memref<1x128x256xf32, #tpu.memory_space<hbm>> -> memref<128x256xf32, #tpu.memory_space<hbm>>
    %dma_wait3A_196 = arith.constant 0 : i32
    %dma_wait3A_197 = arith.constant 0 : i32
    %dma_wait3A_198 = tpu.memref_slice %arg4[%add3A_183, %dma_wait3A_196, %dma_wait3A_197] : memref<320x128x256xf32, #tpu.memory_space<hbm>> -> memref<1x128x256xf32, #tpu.memory_space<hbm>>
    %dma_wait3A_199 = tpu.memref_squeeze %dma_wait3A_198 : memref<1x128x256xf32, #tpu.memory_space<hbm>> -> memref<128x256xf32, #tpu.memory_space<hbm>>
    tpu.wait_dma2 semaphore(%arg11 : memref<!tpu.dma_semaphore, #tpu.memory_space<semaphore_mem>>) src(%arg7 : memref<128x256xf32, #tpu.memory_space<vmem>>) dst(%dma_wait3A_199 : memref<128x256xf32, #tpu.memory_space<hbm>>)
    %dma_start3A_200 = arith.constant 7 : i32
    %dma_start3A_201 = arith.constant 0 : i32
    %dma_start3A_202 = tpu.memref_slice %arg5[%dma_start3A_200, %dma_start3A_201] : memref<10x128xi32, #tpu.memory_space<vmem>> -> memref<1x128xi32, #tpu.memory_space<vmem>>
    %dma_start3A_203 = tpu.memref_squeeze %dma_start3A_202 : memref<1x128xi32, #tpu.memory_space<vmem>> -> memref<128xi32, #tpu.memory_space<vmem>>
    %dma_start3A_204 = arith.constant 0 : i32
    %dma_start3A_205 = arith.constant 0 : i32
    %dma_start3A_206 = tpu.memref_slice %arg2[%dma_start3A_204, %dma_start3A_205] : memref<10240x256xf32, #tpu.memory_space<hbm>> -> memref<10240x256xf32, #tpu.memory_space<hbm>>
    tpu.enqueue_indirect_dma source(%dma_start3A_206 : memref<10240x256xf32, #tpu.memory_space<hbm>>) target(%arg7 : memref<128x256xf32, #tpu.memory_space<vmem>>) offsets(%dma_start3A_203 : memref<128xi32, #tpu.memory_space<vmem>>) semaphore(%arg9 : memref<!tpu.dma_semaphore, #tpu.memory_space<semaphore_mem>>)
    %dma_wait3A_207 = arith.constant 6 : i32
    %dma_wait3A_208 = arith.constant 0 : i32
    %dma_wait3A_209 = tpu.memref_slice %arg5[%dma_wait3A_207, %dma_wait3A_208] : memref<10x128xi32, #tpu.memory_space<vmem>> -> memref<1x128xi32, #tpu.memory_space<vmem>>
    %dma_wait3A_210 = tpu.memref_squeeze %dma_wait3A_209 : memref<1x128xi32, #tpu.memory_space<vmem>> -> memref<128xi32, #tpu.memory_space<vmem>>
    %dma_wait3A_211 = arith.constant 0 : i32
    %dma_wait3A_212 = arith.constant 0 : i32
    %dma_wait3A_213 = tpu.memref_slice %arg2[%dma_wait3A_211, %dma_wait3A_212] : memref<10240x256xf32, #tpu.memory_space<hbm>> -> memref<10240x256xf32, #tpu.memory_space<hbm>>
    tpu.wait_indirect_dma semaphore(%arg8 : memref<!tpu.dma_semaphore, #tpu.memory_space<semaphore_mem>>) src(%dma_wait3A_213 : memref<10240x256xf32, #tpu.memory_space<hbm>>) dst(%arg6 : memref<128x256xf32, #tpu.memory_space<vmem>>)
    %add3A_214 = arith.constant 6 : i32
    %add3A_215 = arith.addi %mul3A_2, %add3A_214 : i32
    %dma_start3A_216 = arith.constant 0 : i32
    %dma_start3A_217 = arith.constant 0 : i32
    %dma_start3A_218 = tpu.memref_slice %arg4[%add3A_215, %dma_start3A_216, %dma_start3A_217] : memref<320x128x256xf32, #tpu.memory_space<hbm>> -> memref<1x128x256xf32, #tpu.memory_space<hbm>>
    %dma_start3A_219 = tpu.memref_squeeze %dma_start3A_218 : memref<1x128x256xf32, #tpu.memory_space<hbm>> -> memref<128x256xf32, #tpu.memory_space<hbm>>
    %dma_start3A_220 = arith.constant 0 : i32
    %dma_start3A_221 = arith.constant 0 : i32
    %dma_start3A_222 = tpu.memref_slice %arg4[%add3A_215, %dma_start3A_220, %dma_start3A_221] : memref<320x128x256xf32, #tpu.memory_space<hbm>> -> memref<1x128x256xf32, #tpu.memory_space<hbm>>
    %dma_start3A_223 = tpu.memref_squeeze %dma_start3A_222 : memref<1x128x256xf32, #tpu.memory_space<hbm>> -> memref<128x256xf32, #tpu.memory_space<hbm>>
    tpu.enqueue_dma source(%arg6 : memref<128x256xf32, #tpu.memory_space<vmem>>) target(%dma_start3A_223 : memref<128x256xf32, #tpu.memory_space<hbm>>) target_semaphore(%arg10 : memref<!tpu.dma_semaphore, #tpu.memory_space<semaphore_mem>>)
    %dma_wait3A_224 = arith.constant 0 : i32
    %dma_wait3A_225 = arith.constant 0 : i32
    %dma_wait3A_226 = tpu.memref_slice %arg4[%add3A_215, %dma_wait3A_224, %dma_wait3A_225] : memref<320x128x256xf32, #tpu.memory_space<hbm>> -> memref<1x128x256xf32, #tpu.memory_space<hbm>>
    %dma_wait3A_227 = tpu.memref_squeeze %dma_wait3A_226 : memref<1x128x256xf32, #tpu.memory_space<hbm>> -> memref<128x256xf32, #tpu.memory_space<hbm>>
    %dma_wait3A_228 = arith.constant 0 : i32
    %dma_wait3A_229 = arith.constant 0 : i32
    %dma_wait3A_230 = tpu.memref_slice %arg4[%add3A_215, %dma_wait3A_228, %dma_wait3A_229] : memref<320x128x256xf32, #tpu.memory_space<hbm>> -> memref<1x128x256xf32, #tpu.memory_space<hbm>>
    %dma_wait3A_231 = tpu.memref_squeeze %dma_wait3A_230 : memref<1x128x256xf32, #tpu.memory_space<hbm>> -> memref<128x256xf32, #tpu.memory_space<hbm>>
    tpu.wait_dma2 semaphore(%arg10 : memref<!tpu.dma_semaphore, #tpu.memory_space<semaphore_mem>>) src(%arg6 : memref<128x256xf32, #tpu.memory_space<vmem>>) dst(%dma_wait3A_231 : memref<128x256xf32, #tpu.memory_space<hbm>>)
    %dma_start3A_232 = arith.constant 8 : i32
    %dma_start3A_233 = arith.constant 0 : i32
    %dma_start3A_234 = tpu.memref_slice %arg5[%dma_start3A_232, %dma_start3A_233] : memref<10x128xi32, #tpu.memory_space<vmem>> -> memref<1x128xi32, #tpu.memory_space<vmem>>
    %dma_start3A_235 = tpu.memref_squeeze %dma_start3A_234 : memref<1x128xi32, #tpu.memory_space<vmem>> -> memref<128xi32, #tpu.memory_space<vmem>>
    %dma_start3A_236 = arith.constant 0 : i32
    %dma_start3A_237 = arith.constant 0 : i32
    %dma_start3A_238 = tpu.memref_slice %arg2[%dma_start3A_236, %dma_start3A_237] : memref<10240x256xf32, #tpu.memory_space<hbm>> -> memref<10240x256xf32, #tpu.memory_space<hbm>>
    tpu.enqueue_indirect_dma source(%dma_start3A_238 : memref<10240x256xf32, #tpu.memory_space<hbm>>) target(%arg6 : memref<128x256xf32, #tpu.memory_space<vmem>>) offsets(%dma_start3A_235 : memref<128xi32, #tpu.memory_space<vmem>>) semaphore(%arg8 : memref<!tpu.dma_semaphore, #tpu.memory_space<semaphore_mem>>)
    %dma_wait3A_239 = arith.constant 7 : i32
    %dma_wait3A_240 = arith.constant 0 : i32
    %dma_wait3A_241 = tpu.memref_slice %arg5[%dma_wait3A_239, %dma_wait3A_240] : memref<10x128xi32, #tpu.memory_space<vmem>> -> memref<1x128xi32, #tpu.memory_space<vmem>>
    %dma_wait3A_242 = tpu.memref_squeeze %dma_wait3A_241 : memref<1x128xi32, #tpu.memory_space<vmem>> -> memref<128xi32, #tpu.memory_space<vmem>>
    %dma_wait3A_243 = arith.constant 0 : i32
    %dma_wait3A_244 = arith.constant 0 : i32
    %dma_wait3A_245 = tpu.memref_slice %arg2[%dma_wait3A_243, %dma_wait3A_244] : memref<10240x256xf32, #tpu.memory_space<hbm>> -> memref<10240x256xf32, #tpu.memory_space<hbm>>
    tpu.wait_indirect_dma semaphore(%arg9 : memref<!tpu.dma_semaphore, #tpu.memory_space<semaphore_mem>>) src(%dma_wait3A_245 : memref<10240x256xf32, #tpu.memory_space<hbm>>) dst(%arg7 : memref<128x256xf32, #tpu.memory_space<vmem>>)
    %add3A_246 = arith.constant 7 : i32
    %add3A_247 = arith.addi %mul3A_2, %add3A_246 : i32
    %dma_start3A_248 = arith.constant 0 : i32
    %dma_start3A_249 = arith.constant 0 : i32
    %dma_start3A_250 = tpu.memref_slice %arg4[%add3A_247, %dma_start3A_248, %dma_start3A_249] : memref<320x128x256xf32, #tpu.memory_space<hbm>> -> memref<1x128x256xf32, #tpu.memory_space<hbm>>
    %dma_start3A_251 = tpu.memref_squeeze %dma_start3A_250 : memref<1x128x256xf32, #tpu.memory_space<hbm>> -> memref<128x256xf32, #tpu.memory_space<hbm>>
    %dma_start3A_252 = arith.constant 0 : i32
    %dma_start3A_253 = arith.constant 0 : i32
    %dma_start3A_254 = tpu.memref_slice %arg4[%add3A_247, %dma_start3A_252, %dma_start3A_253] : memref<320x128x256xf32, #tpu.memory_space<hbm>> -> memref<1x128x256xf32, #tpu.memory_space<hbm>>
    %dma_start3A_255 = tpu.memref_squeeze %dma_start3A_254 : memref<1x128x256xf32, #tpu.memory_space<hbm>> -> memref<128x256xf32, #tpu.memory_space<hbm>>
    tpu.enqueue_dma source(%arg7 : memref<128x256xf32, #tpu.memory_space<vmem>>) target(%dma_start3A_255 : memref<128x256xf32, #tpu.memory_space<hbm>>) target_semaphore(%arg11 : memref<!tpu.dma_semaphore, #tpu.memory_space<semaphore_mem>>)
    %dma_wait3A_256 = arith.constant 0 : i32
    %dma_wait3A_257 = arith.constant 0 : i32
    %dma_wait3A_258 = tpu.memref_slice %arg4[%add3A_247, %dma_wait3A_256, %dma_wait3A_257] : memref<320x128x256xf32, #tpu.memory_space<hbm>> -> memref<1x128x256xf32, #tpu.memory_space<hbm>>
    %dma_wait3A_259 = tpu.memref_squeeze %dma_wait3A_258 : memref<1x128x256xf32, #tpu.memory_space<hbm>> -> memref<128x256xf32, #tpu.memory_space<hbm>>
    %dma_wait3A_260 = arith.constant 0 : i32
    %dma_wait3A_261 = arith.constant 0 : i32
    %dma_wait3A_262 = tpu.memref_slice %arg4[%add3A_247, %dma_wait3A_260, %dma_wait3A_261] : memref<320x128x256xf32, #tpu.memory_space<hbm>> -> memref<1x128x256xf32, #tpu.memory_space<hbm>>
    %dma_wait3A_263 = tpu.memref_squeeze %dma_wait3A_262 : memref<1x128x256xf32, #tpu.memory_space<hbm>> -> memref<128x256xf32, #tpu.memory_space<hbm>>
    tpu.wait_dma2 semaphore(%arg11 : memref<!tpu.dma_semaphore, #tpu.memory_space<semaphore_mem>>) src(%arg7 : memref<128x256xf32, #tpu.memory_space<vmem>>) dst(%dma_wait3A_263 : memref<128x256xf32, #tpu.memory_space<hbm>>)
    %dma_start3A_264 = arith.constant 9 : i32
    %dma_start3A_265 = arith.constant 0 : i32
    %dma_start3A_266 = tpu.memref_slice %arg5[%dma_start3A_264, %dma_start3A_265] : memref<10x128xi32, #tpu.memory_space<vmem>> -> memref<1x128xi32, #tpu.memory_space<vmem>>
    %dma_start3A_267 = tpu.memref_squeeze %dma_start3A_266 : memref<1x128xi32, #tpu.memory_space<vmem>> -> memref<128xi32, #tpu.memory_space<vmem>>
    %dma_start3A_268 = arith.constant 0 : i32
    %dma_start3A_269 = arith.constant 0 : i32
    %dma_start3A_270 = tpu.memref_slice %arg2[%dma_start3A_268, %dma_start3A_269] : memref<10240x256xf32, #tpu.memory_space<hbm>> -> memref<10240x256xf32, #tpu.memory_space<hbm>>
    tpu.enqueue_indirect_dma source(%dma_start3A_270 : memref<10240x256xf32, #tpu.memory_space<hbm>>) target(%arg7 : memref<128x256xf32, #tpu.memory_space<vmem>>) offsets(%dma_start3A_267 : memref<128xi32, #tpu.memory_space<vmem>>) semaphore(%arg9 : memref<!tpu.dma_semaphore, #tpu.memory_space<semaphore_mem>>)
    %dma_wait3A_271 = arith.constant 8 : i32
    %dma_wait3A_272 = arith.constant 0 : i32
    %dma_wait3A_273 = tpu.memref_slice %arg5[%dma_wait3A_271, %dma_wait3A_272] : memref<10x128xi32, #tpu.memory_space<vmem>> -> memref<1x128xi32, #tpu.memory_space<vmem>>
    %dma_wait3A_274 = tpu.memref_squeeze %dma_wait3A_273 : memref<1x128xi32, #tpu.memory_space<vmem>> -> memref<128xi32, #tpu.memory_space<vmem>>
    %dma_wait3A_275 = arith.constant 0 : i32
    %dma_wait3A_276 = arith.constant 0 : i32
    %dma_wait3A_277 = tpu.memref_slice %arg2[%dma_wait3A_275, %dma_wait3A_276] : memref<10240x256xf32, #tpu.memory_space<hbm>> -> memref<10240x256xf32, #tpu.memory_space<hbm>>
    tpu.wait_indirect_dma semaphore(%arg8 : memref<!tpu.dma_semaphore, #tpu.memory_space<semaphore_mem>>) src(%dma_wait3A_277 : memref<10240x256xf32, #tpu.memory_space<hbm>>) dst(%arg6 : memref<128x256xf32, #tpu.memory_space<vmem>>)
    %add3A_278 = arith.constant 8 : i32
    %add3A_279 = arith.addi %mul3A_2, %add3A_278 : i32
    %dma_start3A_280 = arith.constant 0 : i32
    %dma_start3A_281 = arith.constant 0 : i32
    %dma_start3A_282 = tpu.memref_slice %arg4[%add3A_279, %dma_start3A_280, %dma_start3A_281] : memref<320x128x256xf32, #tpu.memory_space<hbm>> -> memref<1x128x256xf32, #tpu.memory_space<hbm>>
    %dma_start3A_283 = tpu.memref_squeeze %dma_start3A_282 : memref<1x128x256xf32, #tpu.memory_space<hbm>> -> memref<128x256xf32, #tpu.memory_space<hbm>>
    %dma_start3A_284 = arith.constant 0 : i32
    %dma_start3A_285 = arith.constant 0 : i32
    %dma_start3A_286 = tpu.memref_slice %arg4[%add3A_279, %dma_start3A_284, %dma_start3A_285] : memref<320x128x256xf32, #tpu.memory_space<hbm>> -> memref<1x128x256xf32, #tpu.memory_space<hbm>>
    %dma_start3A_287 = tpu.memref_squeeze %dma_start3A_286 : memref<1x128x256xf32, #tpu.memory_space<hbm>> -> memref<128x256xf32, #tpu.memory_space<hbm>>
    tpu.enqueue_dma source(%arg6 : memref<128x256xf32, #tpu.memory_space<vmem>>) target(%dma_start3A_287 : memref<128x256xf32, #tpu.memory_space<hbm>>) target_semaphore(%arg10 : memref<!tpu.dma_semaphore, #tpu.memory_space<semaphore_mem>>)
    %dma_wait3A_288 = arith.constant 9 : i32
    %dma_wait3A_289 = arith.constant 0 : i32
    %dma_wait3A_290 = tpu.memref_slice %arg5[%dma_wait3A_288, %dma_wait3A_289] : memref<10x128xi32, #tpu.memory_space<vmem>> -> memref<1x128xi32, #tpu.memory_space<vmem>>
    %dma_wait3A_291 = tpu.memref_squeeze %dma_wait3A_290 : memref<1x128xi32, #tpu.memory_space<vmem>> -> memref<128xi32, #tpu.memory_space<vmem>>
    %dma_wait3A_292 = arith.constant 0 : i32
    %dma_wait3A_293 = arith.constant 0 : i32
    %dma_wait3A_294 = tpu.memref_slice %arg2[%dma_wait3A_292, %dma_wait3A_293] : memref<10240x256xf32, #tpu.memory_space<hbm>> -> memref<10240x256xf32, #tpu.memory_space<hbm>>
    tpu.wait_indirect_dma semaphore(%arg9 : memref<!tpu.dma_semaphore, #tpu.memory_space<semaphore_mem>>) src(%dma_wait3A_294 : memref<10240x256xf32, #tpu.memory_space<hbm>>) dst(%arg7 : memref<128x256xf32, #tpu.memory_space<vmem>>)
    %add3A_295 = arith.constant 9 : i32
    %add3A_296 = arith.addi %mul3A_2, %add3A_295 : i32
    %dma_start3A_297 = arith.constant 0 : i32
    %dma_start3A_298 = arith.constant 0 : i32
    %dma_start3A_299 = tpu.memref_slice %arg4[%add3A_296, %dma_start3A_297, %dma_start3A_298] : memref<320x128x256xf32, #tpu.memory_space<hbm>> -> memref<1x128x256xf32, #tpu.memory_space<hbm>>
    %dma_start3A_300 = tpu.memref_squeeze %dma_start3A_299 : memref<1x128x256xf32, #tpu.memory_space<hbm>> -> memref<128x256xf32, #tpu.memory_space<hbm>>
    %dma_start3A_301 = arith.constant 0 : i32
    %dma_start3A_302 = arith.constant 0 : i32
    %dma_start3A_303 = tpu.memref_slice %arg4[%add3A_296, %dma_start3A_301, %dma_start3A_302] : memref<320x128x256xf32, #tpu.memory_space<hbm>> -> memref<1x128x256xf32, #tpu.memory_space<hbm>>
    %dma_start3A_304 = tpu.memref_squeeze %dma_start3A_303 : memref<1x128x256xf32, #tpu.memory_space<hbm>> -> memref<128x256xf32, #tpu.memory_space<hbm>>
    tpu.enqueue_dma source(%arg7 : memref<128x256xf32, #tpu.memory_space<vmem>>) target(%dma_start3A_304 : memref<128x256xf32, #tpu.memory_space<hbm>>) target_semaphore(%arg11 : memref<!tpu.dma_semaphore, #tpu.memory_space<semaphore_mem>>)
    %dma_wait3A_305 = arith.constant 0 : i32
    %dma_wait3A_306 = arith.constant 0 : i32
    %dma_wait3A_307 = tpu.memref_slice %arg4[%add3A_279, %dma_wait3A_305, %dma_wait3A_306] : memref<320x128x256xf32, #tpu.memory_space<hbm>> -> memref<1x128x256xf32, #tpu.memory_space<hbm>>
    %dma_wait3A_308 = tpu.memref_squeeze %dma_wait3A_307 : memref<1x128x256xf32, #tpu.memory_space<hbm>> -> memref<128x256xf32, #tpu.memory_space<hbm>>
    %dma_wait3A_309 = arith.constant 0 : i32
    %dma_wait3A_310 = arith.constant 0 : i32
    %dma_wait3A_311 = tpu.memref_slice %arg4[%add3A_279, %dma_wait3A_309, %dma_wait3A_310] : memref<320x128x256xf32, #tpu.memory_space<hbm>> -> memref<1x128x256xf32, #tpu.memory_space<hbm>>
    %dma_wait3A_312 = tpu.memref_squeeze %dma_wait3A_311 : memref<1x128x256xf32, #tpu.memory_space<hbm>> -> memref<128x256xf32, #tpu.memory_space<hbm>>
    tpu.wait_dma2 semaphore(%arg10 : memref<!tpu.dma_semaphore, #tpu.memory_space<semaphore_mem>>) src(%arg6 : memref<128x256xf32, #tpu.memory_space<vmem>>) dst(%dma_wait3A_312 : memref<128x256xf32, #tpu.memory_space<hbm>>)
    %dma_wait3A_313 = arith.constant 0 : i32
    %dma_wait3A_314 = arith.constant 0 : i32
    %dma_wait3A_315 = tpu.memref_slice %arg4[%add3A_296, %dma_wait3A_313, %dma_wait3A_314] : memref<320x128x256xf32, #tpu.memory_space<hbm>> -> memref<1x128x256xf32, #tpu.memory_space<hbm>>
    %dma_wait3A_316 = tpu.memref_squeeze %dma_wait3A_315 : memref<1x128x256xf32, #tpu.memory_space<hbm>> -> memref<128x256xf32, #tpu.memory_space<hbm>>
    %dma_wait3A_317 = arith.constant 0 : i32
    %dma_wait3A_318 = arith.constant 0 : i32
    %dma_wait3A_319 = tpu.memref_slice %arg4[%add3A_296, %dma_wait3A_317, %dma_wait3A_318] : memref<320x128x256xf32, #tpu.memory_space<hbm>> -> memref<1x128x256xf32, #tpu.memory_space<hbm>>
    %dma_wait3A_320 = tpu.memref_squeeze %dma_wait3A_319 : memref<1x128x256xf32, #tpu.memory_space<hbm>> -> memref<128x256xf32, #tpu.memory_space<hbm>>
    tpu.wait_dma2 semaphore(%arg11 : memref<!tpu.dma_semaphore, #tpu.memory_space<semaphore_mem>>) src(%arg7 : memref<128x256xf32, #tpu.memory_space<vmem>>) dst(%dma_wait3A_320 : memref<128x256xf32, #tpu.memory_space<hbm>>)
    return
  }
}

module attributes {stable_mosaic.version = 14 : i64} {
  func.func @body(%arg0: i32, %arg1: memref<256x128xf32, #tpu.memory_space<vmem>>, %arg2: memref<8x32x128xf32, #tpu.memory_space<vmem>>, %arg3: memref<8x32x128xf32, #tpu.memory_space<vmem>>, %arg4: memref<8x32x128xf32, #tpu.memory_space<vmem>>, %arg5: memref<8x32x128xf32, #tpu.memory_space<vmem>>, %arg6: memref<640x256xf32, #tpu.memory_space<vmem>>, %arg7: memref<1x256xf32, #tpu.memory_space<vmem>>, %arg8: memref<256x256xf32, #tpu.memory_space<vmem>>, %arg9: memref<8x256xf32, #tpu.memory_space<vmem>>) attributes {dimension_semantics = [#tpu.dimension_semantics<arbitrary>], iteration_bounds = array<i64: 40>, scalar_prefetch = 0 : i64, scratch_operands = 0 : i64, tpu.core_type = #tpu.core_type<tc>, window_params = [{transform_indices = @transform_0, window_bounds = array<i64: 256, 128>}, {transform_indices = @transform_1, window_bounds = array<i64: 8, 32, 128>}, {transform_indices = @transform_2, window_bounds = array<i64: 8, 32, 128>}, {transform_indices = @transform_3, window_bounds = array<i64: 8, 32, 128>}, {transform_indices = @transform_4, window_bounds = array<i64: 8, 32, 128>}, {pipeline_mode = #tpu.pipeline_mode<synchronous>, transform_indices = @transform_5, window_bounds = array<i64: 640, 256>}, {pipeline_mode = #tpu.pipeline_mode<synchronous>, transform_indices = @transform_6, window_bounds = array<i64: 1, 256>}, {transform_indices = @transform_7, window_bounds = array<i64: 256, 256>}, {pipeline_mode = #tpu.pipeline_mode<synchronous>, transform_indices = @transform_8, window_bounds = array<i64: 8, 256>}]} {
    %eq3A = arith.constant 0 : i32
    %eq3A_0 = arith.cmpi eq, %arg0, %eq3A : i32
    %convert_element_type3A = arith.extui %eq3A_0 : i1 to i32
    %cond3A = arith.constant 0 : i32
    %cond3A_1 = arith.cmpi ne, %convert_element_type3A, %cond3A : i32
    scf.if %cond3A_1 {
      %broadcast_in_dim3A_70 = arith.constant 0.000000e+00 : f32
      %broadcast_in_dim3A_71 = vector.broadcast %broadcast_in_dim3A_70 : f32 to vector<8x256xf32>
      %swap3A_72 = arith.constant 0 : index
      %swap3A_73 = arith.constant 0 : index
      %swap3A_74 = vector.load %arg9[%swap3A_72, %swap3A_73] : memref<8x256xf32, #tpu.memory_space<vmem>>, vector<8x256xf32>
      tpu.vector_store %arg9[%swap3A_72, %swap3A_73], %broadcast_in_dim3A_71 {strides = array<i32>} : memref<8x256xf32, #tpu.memory_space<vmem>>, vector<8x256xf32>,
    } else {
    }
    %get3A = arith.constant 0 : index
    %get3A_2 = arith.constant 0 : index
    %get3A_3 = vector.load %arg1[%get3A, %get3A_2] : memref<256x128xf32, #tpu.memory_space<vmem>>, vector<256x128xf32>
    %get3A_4 = arith.constant 0 : index
    %get3A_5 = arith.constant 0 : index
    %get3A_6 = arith.constant 0 : index
    %get3A_7 = vector.load %arg2[%get3A_4, %get3A_5, %get3A_6] : memref<8x32x128xf32, #tpu.memory_space<vmem>>, vector<8x32x128xf32>
    %reshape3A = vector.shape_cast %get3A_7 : vector<8x32x128xf32> to vector<256x128xf32>
    %get3A_8 = arith.constant 0 : index
    %get3A_9 = arith.constant 0 : index
    %get3A_10 = arith.constant 0 : index
    %get3A_11 = vector.load %arg3[%get3A_8, %get3A_9, %get3A_10] : memref<8x32x128xf32, #tpu.memory_space<vmem>>, vector<8x32x128xf32>
    %reshape3A_12 = vector.shape_cast %get3A_11 : vector<8x32x128xf32> to vector<256x128xf32>
    %get3A_13 = arith.constant 0 : index
    %get3A_14 = arith.constant 0 : index
    %get3A_15 = arith.constant 0 : index
    %get3A_16 = vector.load %arg4[%get3A_13, %get3A_14, %get3A_15] : memref<8x32x128xf32, #tpu.memory_space<vmem>>, vector<8x32x128xf32>
    %reshape3A_17 = vector.shape_cast %get3A_16 : vector<8x32x128xf32> to vector<256x128xf32>
    %get3A_18 = arith.constant 0 : index
    %get3A_19 = arith.constant 0 : index
    %get3A_20 = arith.constant 0 : index
    %get3A_21 = vector.load %arg5[%get3A_18, %get3A_19, %get3A_20] : memref<8x32x128xf32, #tpu.memory_space<vmem>>, vector<8x32x128xf32>
    %reshape3A_22 = vector.shape_cast %get3A_21 : vector<8x32x128xf32> to vector<256x128xf32>
    %add3A = arith.addf %reshape3A, %reshape3A_17 : vector<256x128xf32>
    %add3A_23 = arith.addf %reshape3A_12, %reshape3A_22 : vector<256x128xf32>
    %sub3A = arith.subf %reshape3A, %reshape3A_17 : vector<256x128xf32>
    %abs3A = math.absf %sub3A : vector<256x128xf32>
    %sub3A_24 = arith.subf %reshape3A_12, %reshape3A_22 : vector<256x128xf32>
    %abs3A_25 = math.absf %sub3A_24 : vector<256x128xf32>
    %concatenate3A = tpu.concatenate %get3A_3, %add3A, %add3A_23, %abs3A, %abs3A_25 in 1 : vector<256x128xf32>, vector<256x128xf32>, vector<256x128xf32>, vector<256x128xf32>, vector<256x128xf32> -> vector<256x640xf32>
    %get3A_26 = arith.constant 0 : index
    %get3A_27 = arith.constant 0 : index
    %get3A_28 = vector.load %arg6[%get3A_26, %get3A_27] : memref<640x256xf32, #tpu.memory_space<vmem>>, vector<640x256xf32>
    %dot_general3A = arith.constant dense<0.000000e+00> : vector<256x256xf32>
    %dot_general3A_29 = tpu.matmul %concatenate3A, %get3A_28, %dot_general3A {dimension_numbers = #tpu.dot_dimension_numbers<[1], [0], [0], [1], [0, 0, 1, 1], [], []>, transpose_lhs_hint = false} : vector<256x640xf32>, vector<640x256xf32>, vector<256x256xf32> -> vector<256x256xf32>
    %get3A_30 = arith.constant 0 : index
    %get3A_31 = arith.constant 0 : index
    %get3A_32 = vector.load %arg7[%get3A_30, %get3A_31] : memref<1x256xf32, #tpu.memory_space<vmem>>, vector<1x256xf32>
    %add3A_33 = vector.broadcast %get3A_32 : vector<1x256xf32> to vector<256x256xf32>
    %add3A_34 = arith.addf %dot_general3A_29, %add3A_33 : vector<256x256xf32>
    %ge3A = arith.constant 0.000000e+00 : f32
    %ge3A_35 = vector.broadcast %ge3A : f32 to vector<256x256xf32>
    %ge3A_36 = arith.cmpf oge, %add3A_34, %ge3A_35 : vector<256x256xf32>
    %mul3A = arith.constant 2.000000e-01 : f32
    %mul3A_37 = vector.broadcast %mul3A : f32 to vector<256x256xf32>
    %mul3A_38 = arith.mulf %mul3A_37, %add3A_34 : vector<256x256xf32>
    %select_n3A = arith.select %ge3A_36, %add3A_34, %mul3A_38 : vector<256x256xi1>, vector<256x256xf32>
    %swap3A = arith.constant 0 : index
    %swap3A_39 = arith.constant 0 : index
    %swap3A_40 = vector.load %arg8[%swap3A, %swap3A_39] : memref<256x256xf32, #tpu.memory_space<vmem>>, vector<256x256xf32>
    tpu.vector_store %arg8[%swap3A, %swap3A_39], %select_n3A {strides = array<i32>} : memref<256x256xf32, #tpu.memory_space<vmem>>, vector<256x256xf32>,
    %mul3A_41 = arith.constant 256 : i32
    %mul3A_42 = arith.muli %arg0, %mul3A_41 : i32
    %iota3A = tpu.iota {dimensions = array<i32: 0>} : vector<256x1xi32>
    %add3A_43 = vector.broadcast %mul3A_42 : i32 to vector<256x1xi32>
    %add3A_44 = arith.addi %add3A_43, %iota3A : vector<256x1xi32>
    %lt3A = arith.constant 10000 : i32
    %lt3A_45 = vector.broadcast %lt3A : i32 to vector<256x1xi32>
    %lt3A_46 = arith.cmpi slt, %add3A_44, %lt3A_45 : vector<256x1xi32>
    %jit3A = arith.constant 0.000000e+00 : f32
    %broadcast_in_dim3A = vector.shape_cast %lt3A_46 : vector<256x1xi1> to vector<256x1xi1>
    %broadcast_in_dim3A_47 = vector.broadcast %broadcast_in_dim3A : vector<256x1xi1> to vector<256x256xi1>
    %broadcast_in_dim3A_48 = vector.broadcast %jit3A : f32 to vector<256x256xf32>
    %select_n3A_49 = arith.select %broadcast_in_dim3A_47, %select_n3A, %broadcast_in_dim3A_48 : vector<256x256xi1>, vector<256x256xf32>
    %reduce_sum3A = arith.constant dense<0.000000e+00> : vector<256xf32>
    %reduce_sum3A_50 = vector.multi_reduction <add>, %select_n3A_49, %reduce_sum3A [0] : vector<256x256xf32> to vector<256xf32>
    %broadcast_in_dim3A_51 = vector.shape_cast %reduce_sum3A_50 : vector<256xf32> to vector<1x256xf32>
    %mul3A_52 = arith.mulf %select_n3A_49, %select_n3A_49 : vector<256x256xf32>
    %reduce_sum3A_53 = arith.constant dense<0.000000e+00> : vector<256xf32>
    %reduce_sum3A_54 = vector.multi_reduction <add>, %mul3A_52, %reduce_sum3A_53 [0] : vector<256x256xf32> to vector<256xf32>
    %broadcast_in_dim3A_55 = vector.shape_cast %reduce_sum3A_54 : vector<256xf32> to vector<1x256xf32>
    %get3A_56 = arith.constant 0 : index
    %get3A_57 = arith.constant 0 : index
    %get3A_58 = vector.load %arg9[%get3A_56, %get3A_57] : memref<8x256xf32, #tpu.memory_space<vmem>>, vector<1x256xf32>
    %add3A_59 = arith.addf %get3A_58, %broadcast_in_dim3A_51 : vector<1x256xf32>
    %swap3A_60 = arith.constant 0 : index
    %swap3A_61 = arith.constant 0 : index
    %swap3A_62 = vector.load %arg9[%swap3A_60, %swap3A_61] : memref<8x256xf32, #tpu.memory_space<vmem>>, vector<1x256xf32>
    tpu.vector_store %arg9[%swap3A_60, %swap3A_61], %add3A_59 {strides = array<i32>} : memref<8x256xf32, #tpu.memory_space<vmem>>, vector<1x256xf32>,
    %get3A_63 = arith.constant 1 : index
    %get3A_64 = arith.constant 0 : index
    %get3A_65 = vector.load %arg9[%get3A_63, %get3A_64] : memref<8x256xf32, #tpu.memory_space<vmem>>, vector<1x256xf32>
    %add3A_66 = arith.addf %get3A_65, %broadcast_in_dim3A_55 : vector<1x256xf32>
    %swap3A_67 = arith.constant 1 : index
    %swap3A_68 = arith.constant 0 : index
    %swap3A_69 = vector.load %arg9[%swap3A_67, %swap3A_68] : memref<8x256xf32, #tpu.memory_space<vmem>>, vector<1x256xf32>
    tpu.vector_store %arg9[%swap3A_67, %swap3A_68], %add3A_66 {strides = array<i32>} : memref<8x256xf32, #tpu.memory_space<vmem>>, vector<1x256xf32>,
    return
  }
  func.func @transform_0(%arg0: i32) -> (i32, i32) {
    %c0_i32 = arith.constant 0 : i32
    %c0_i32_0 = arith.constant 0 : i32
    return %arg0, %c0_i32 : i32, i32
  }
  func.func @transform_1(%arg0: i32) -> (i32, i32, i32) {
    %c0_i32 = arith.constant 0 : i32
    %c0_i32_0 = arith.constant 0 : i32
    %c0_i32_1 = arith.constant 0 : i32
    return %arg0, %c0_i32, %c0_i32_0 : i32, i32, i32
  }
  func.func @transform_2(%arg0: i32) -> (i32, i32, i32) {
    %c1_i32 = arith.constant 1 : i32
    %c0_i32 = arith.constant 0 : i32
    %c0_i32_0 = arith.constant 0 : i32
    return %arg0, %c1_i32, %c0_i32 : i32, i32, i32
  }
  func.func @transform_3(%arg0: i32) -> (i32, i32, i32) {
    %c2_i32 = arith.constant 2 : i32
    %c0_i32 = arith.constant 0 : i32
    %c0_i32_0 = arith.constant 0 : i32
    return %arg0, %c2_i32, %c0_i32 : i32, i32, i32
  }
  func.func @transform_4(%arg0: i32) -> (i32, i32, i32) {
    %c3_i32 = arith.constant 3 : i32
    %c0_i32 = arith.constant 0 : i32
    %c0_i32_0 = arith.constant 0 : i32
    return %arg0, %c3_i32, %c0_i32 : i32, i32, i32
  }
  func.func @transform_5(%arg0: i32) -> (i32, i32) {
    %c0_i32 = arith.constant 0 : i32
    %c0_i32_0 = arith.constant 0 : i32
    %c0_i32_1 = arith.constant 0 : i32
    return %c0_i32, %c0_i32_0 : i32, i32
  }
  func.func @transform_6(%arg0: i32) -> (i32, i32) {
    %c0_i32 = arith.constant 0 : i32
    %c0_i32_0 = arith.constant 0 : i32
    %c0_i32_1 = arith.constant 0 : i32
    return %c0_i32, %c0_i32_0 : i32, i32
  }
  func.func @transform_7(%arg0: i32) -> (i32, i32) {
    %c0_i32 = arith.constant 0 : i32
    %c0_i32_0 = arith.constant 0 : i32
    return %arg0, %c0_i32 : i32, i32
  }
  func.func @transform_8(%arg0: i32) -> (i32, i32) {
    %c0_i32 = arith.constant 0 : i32
    %c0_i32_0 = arith.constant 0 : i32
    %c0_i32_1 = arith.constant 0 : i32
    return %c0_i32, %c0_i32_0 : i32, i32
  }
}

module attributes {stable_mosaic.version = 14 : i64} {
  func.func @body(%arg0: i32, %arg1: memref<256x256xf32, #tpu.memory_space<vmem>>, %arg2: memref<8x32x256xf32, #tpu.memory_space<vmem>>, %arg3: memref<8x32x256xf32, #tpu.memory_space<vmem>>, %arg4: memref<8x32x256xf32, #tpu.memory_space<vmem>>, %arg5: memref<8x32x256xf32, #tpu.memory_space<vmem>>, %arg6: memref<1280x256xf32, #tpu.memory_space<vmem>>, %arg7: memref<1x256xf32, #tpu.memory_space<vmem>>, %arg8: memref<256x256xf32, #tpu.memory_space<vmem>>, %arg9: memref<8x256xf32, #tpu.memory_space<vmem>>) attributes {dimension_semantics = [#tpu.dimension_semantics<arbitrary>], iteration_bounds = array<i64: 40>, scalar_prefetch = 0 : i64, scratch_operands = 0 : i64, tpu.core_type = #tpu.core_type<tc>, window_params = [{transform_indices = @transform_0, window_bounds = array<i64: 256, 256>}, {transform_indices = @transform_1, window_bounds = array<i64: 8, 32, 256>}, {transform_indices = @transform_2, window_bounds = array<i64: 8, 32, 256>}, {transform_indices = @transform_3, window_bounds = array<i64: 8, 32, 256>}, {transform_indices = @transform_4, window_bounds = array<i64: 8, 32, 256>}, {pipeline_mode = #tpu.pipeline_mode<synchronous>, transform_indices = @transform_5, window_bounds = array<i64: 1280, 256>}, {pipeline_mode = #tpu.pipeline_mode<synchronous>, transform_indices = @transform_6, window_bounds = array<i64: 1, 256>}, {transform_indices = @transform_7, window_bounds = array<i64: 256, 256>}, {pipeline_mode = #tpu.pipeline_mode<synchronous>, transform_indices = @transform_8, window_bounds = array<i64: 8, 256>}]} {
    %eq3A = arith.constant 0 : i32
    %eq3A_0 = arith.cmpi eq, %arg0, %eq3A : i32
    %convert_element_type3A = arith.extui %eq3A_0 : i1 to i32
    %cond3A = arith.constant 0 : i32
    %cond3A_1 = arith.cmpi ne, %convert_element_type3A, %cond3A : i32
    scf.if %cond3A_1 {
      %broadcast_in_dim3A_70 = arith.constant 0.000000e+00 : f32
      %broadcast_in_dim3A_71 = vector.broadcast %broadcast_in_dim3A_70 : f32 to vector<8x256xf32>
      %swap3A_72 = arith.constant 0 : index
      %swap3A_73 = arith.constant 0 : index
      %swap3A_74 = vector.load %arg9[%swap3A_72, %swap3A_73] : memref<8x256xf32, #tpu.memory_space<vmem>>, vector<8x256xf32>
      tpu.vector_store %arg9[%swap3A_72, %swap3A_73], %broadcast_in_dim3A_71 {strides = array<i32>} : memref<8x256xf32, #tpu.memory_space<vmem>>, vector<8x256xf32>,
    } else {
    }
    %get3A = arith.constant 0 : index
    %get3A_2 = arith.constant 0 : index
    %get3A_3 = vector.load %arg1[%get3A, %get3A_2] : memref<256x256xf32, #tpu.memory_space<vmem>>, vector<256x256xf32>
    %get3A_4 = arith.constant 0 : index
    %get3A_5 = arith.constant 0 : index
    %get3A_6 = arith.constant 0 : index
    %get3A_7 = vector.load %arg2[%get3A_4, %get3A_5, %get3A_6] : memref<8x32x256xf32, #tpu.memory_space<vmem>>, vector<8x32x256xf32>
    %reshape3A = vector.shape_cast %get3A_7 : vector<8x32x256xf32> to vector<256x256xf32>
    %get3A_8 = arith.constant 0 : index
    %get3A_9 = arith.constant 0 : index
    %get3A_10 = arith.constant 0 : index
    %get3A_11 = vector.load %arg3[%get3A_8, %get3A_9, %get3A_10] : memref<8x32x256xf32, #tpu.memory_space<vmem>>, vector<8x32x256xf32>
    %reshape3A_12 = vector.shape_cast %get3A_11 : vector<8x32x256xf32> to vector<256x256xf32>
    %get3A_13 = arith.constant 0 : index
    %get3A_14 = arith.constant 0 : index
    %get3A_15 = arith.constant 0 : index
    %get3A_16 = vector.load %arg4[%get3A_13, %get3A_14, %get3A_15] : memref<8x32x256xf32, #tpu.memory_space<vmem>>, vector<8x32x256xf32>
    %reshape3A_17 = vector.shape_cast %get3A_16 : vector<8x32x256xf32> to vector<256x256xf32>
    %get3A_18 = arith.constant 0 : index
    %get3A_19 = arith.constant 0 : index
    %get3A_20 = arith.constant 0 : index
    %get3A_21 = vector.load %arg5[%get3A_18, %get3A_19, %get3A_20] : memref<8x32x256xf32, #tpu.memory_space<vmem>>, vector<8x32x256xf32>
    %reshape3A_22 = vector.shape_cast %get3A_21 : vector<8x32x256xf32> to vector<256x256xf32>
    %add3A = arith.addf %reshape3A, %reshape3A_17 : vector<256x256xf32>
    %add3A_23 = arith.addf %reshape3A_12, %reshape3A_22 : vector<256x256xf32>
    %sub3A = arith.subf %reshape3A, %reshape3A_17 : vector<256x256xf32>
    %abs3A = math.absf %sub3A : vector<256x256xf32>
    %sub3A_24 = arith.subf %reshape3A_12, %reshape3A_22 : vector<256x256xf32>
    %abs3A_25 = math.absf %sub3A_24 : vector<256x256xf32>
    %concatenate3A = tpu.concatenate %get3A_3, %add3A, %add3A_23, %abs3A, %abs3A_25 in 1 : vector<256x256xf32>, vector<256x256xf32>, vector<256x256xf32>, vector<256x256xf32>, vector<256x256xf32> -> vector<256x1280xf32>
    %get3A_26 = arith.constant 0 : index
    %get3A_27 = arith.constant 0 : index
    %get3A_28 = vector.load %arg6[%get3A_26, %get3A_27] : memref<1280x256xf32, #tpu.memory_space<vmem>>, vector<1280x256xf32>
    %dot_general3A = arith.constant dense<0.000000e+00> : vector<256x256xf32>
    %dot_general3A_29 = tpu.matmul %concatenate3A, %get3A_28, %dot_general3A {dimension_numbers = #tpu.dot_dimension_numbers<[1], [0], [0], [1], [0, 0, 1, 1], [], []>, transpose_lhs_hint = false} : vector<256x1280xf32>, vector<1280x256xf32>, vector<256x256xf32> -> vector<256x256xf32>
    %get3A_30 = arith.constant 0 : index
    %get3A_31 = arith.constant 0 : index
    %get3A_32 = vector.load %arg7[%get3A_30, %get3A_31] : memref<1x256xf32, #tpu.memory_space<vmem>>, vector<1x256xf32>
    %add3A_33 = vector.broadcast %get3A_32 : vector<1x256xf32> to vector<256x256xf32>
    %add3A_34 = arith.addf %dot_general3A_29, %add3A_33 : vector<256x256xf32>
    %ge3A = arith.constant 0.000000e+00 : f32
    %ge3A_35 = vector.broadcast %ge3A : f32 to vector<256x256xf32>
    %ge3A_36 = arith.cmpf oge, %add3A_34, %ge3A_35 : vector<256x256xf32>
    %mul3A = arith.constant 2.000000e-01 : f32
    %mul3A_37 = vector.broadcast %mul3A : f32 to vector<256x256xf32>
    %mul3A_38 = arith.mulf %mul3A_37, %add3A_34 : vector<256x256xf32>
    %select_n3A = arith.select %ge3A_36, %add3A_34, %mul3A_38 : vector<256x256xi1>, vector<256x256xf32>
    %swap3A = arith.constant 0 : index
    %swap3A_39 = arith.constant 0 : index
    %swap3A_40 = vector.load %arg8[%swap3A, %swap3A_39] : memref<256x256xf32, #tpu.memory_space<vmem>>, vector<256x256xf32>
    tpu.vector_store %arg8[%swap3A, %swap3A_39], %select_n3A {strides = array<i32>} : memref<256x256xf32, #tpu.memory_space<vmem>>, vector<256x256xf32>,
    %mul3A_41 = arith.constant 256 : i32
    %mul3A_42 = arith.muli %arg0, %mul3A_41 : i32
    %iota3A = tpu.iota {dimensions = array<i32: 0>} : vector<256x1xi32>
    %add3A_43 = vector.broadcast %mul3A_42 : i32 to vector<256x1xi32>
    %add3A_44 = arith.addi %add3A_43, %iota3A : vector<256x1xi32>
    %lt3A = arith.constant 10000 : i32
    %lt3A_45 = vector.broadcast %lt3A : i32 to vector<256x1xi32>
    %lt3A_46 = arith.cmpi slt, %add3A_44, %lt3A_45 : vector<256x1xi32>
    %jit3A = arith.constant 0.000000e+00 : f32
    %broadcast_in_dim3A = vector.shape_cast %lt3A_46 : vector<256x1xi1> to vector<256x1xi1>
    %broadcast_in_dim3A_47 = vector.broadcast %broadcast_in_dim3A : vector<256x1xi1> to vector<256x256xi1>
    %broadcast_in_dim3A_48 = vector.broadcast %jit3A : f32 to vector<256x256xf32>
    %select_n3A_49 = arith.select %broadcast_in_dim3A_47, %select_n3A, %broadcast_in_dim3A_48 : vector<256x256xi1>, vector<256x256xf32>
    %reduce_sum3A = arith.constant dense<0.000000e+00> : vector<256xf32>
    %reduce_sum3A_50 = vector.multi_reduction <add>, %select_n3A_49, %reduce_sum3A [0] : vector<256x256xf32> to vector<256xf32>
    %broadcast_in_dim3A_51 = vector.shape_cast %reduce_sum3A_50 : vector<256xf32> to vector<1x256xf32>
    %mul3A_52 = arith.mulf %select_n3A_49, %select_n3A_49 : vector<256x256xf32>
    %reduce_sum3A_53 = arith.constant dense<0.000000e+00> : vector<256xf32>
    %reduce_sum3A_54 = vector.multi_reduction <add>, %mul3A_52, %reduce_sum3A_53 [0] : vector<256x256xf32> to vector<256xf32>
    %broadcast_in_dim3A_55 = vector.shape_cast %reduce_sum3A_54 : vector<256xf32> to vector<1x256xf32>
    %get3A_56 = arith.constant 0 : index
    %get3A_57 = arith.constant 0 : index
    %get3A_58 = vector.load %arg9[%get3A_56, %get3A_57] : memref<8x256xf32, #tpu.memory_space<vmem>>, vector<1x256xf32>
    %add3A_59 = arith.addf %get3A_58, %broadcast_in_dim3A_51 : vector<1x256xf32>
    %swap3A_60 = arith.constant 0 : index
    %swap3A_61 = arith.constant 0 : index
    %swap3A_62 = vector.load %arg9[%swap3A_60, %swap3A_61] : memref<8x256xf32, #tpu.memory_space<vmem>>, vector<1x256xf32>
    tpu.vector_store %arg9[%swap3A_60, %swap3A_61], %add3A_59 {strides = array<i32>} : memref<8x256xf32, #tpu.memory_space<vmem>>, vector<1x256xf32>,
    %get3A_63 = arith.constant 1 : index
    %get3A_64 = arith.constant 0 : index
    %get3A_65 = vector.load %arg9[%get3A_63, %get3A_64] : memref<8x256xf32, #tpu.memory_space<vmem>>, vector<1x256xf32>
    %add3A_66 = arith.addf %get3A_65, %broadcast_in_dim3A_55 : vector<1x256xf32>
    %swap3A_67 = arith.constant 1 : index
    %swap3A_68 = arith.constant 0 : index
    %swap3A_69 = vector.load %arg9[%swap3A_67, %swap3A_68] : memref<8x256xf32, #tpu.memory_space<vmem>>, vector<1x256xf32>
    tpu.vector_store %arg9[%swap3A_67, %swap3A_68], %add3A_66 {strides = array<i32>} : memref<8x256xf32, #tpu.memory_space<vmem>>, vector<1x256xf32>,
    return
  }
  func.func @transform_0(%arg0: i32) -> (i32, i32) {
    %c0_i32 = arith.constant 0 : i32
    %c0_i32_0 = arith.constant 0 : i32
    return %arg0, %c0_i32 : i32, i32
  }
  func.func @transform_1(%arg0: i32) -> (i32, i32, i32) {
    %c0_i32 = arith.constant 0 : i32
    %c0_i32_0 = arith.constant 0 : i32
    %c0_i32_1 = arith.constant 0 : i32
    return %arg0, %c0_i32, %c0_i32_0 : i32, i32, i32
  }
  func.func @transform_2(%arg0: i32) -> (i32, i32, i32) {
    %c1_i32 = arith.constant 1 : i32
    %c0_i32 = arith.constant 0 : i32
    %c0_i32_0 = arith.constant 0 : i32
    return %arg0, %c1_i32, %c0_i32 : i32, i32, i32
  }
  func.func @transform_3(%arg0: i32) -> (i32, i32, i32) {
    %c2_i32 = arith.constant 2 : i32
    %c0_i32 = arith.constant 0 : i32
    %c0_i32_0 = arith.constant 0 : i32
    return %arg0, %c2_i32, %c0_i32 : i32, i32, i32
  }
  func.func @transform_4(%arg0: i32) -> (i32, i32, i32) {
    %c3_i32 = arith.constant 3 : i32
    %c0_i32 = arith.constant 0 : i32
    %c0_i32_0 = arith.constant 0 : i32
    return %arg0, %c3_i32, %c0_i32 : i32, i32, i32
  }
  func.func @transform_5(%arg0: i32) -> (i32, i32) {
    %c0_i32 = arith.constant 0 : i32
    %c0_i32_0 = arith.constant 0 : i32
    %c0_i32_1 = arith.constant 0 : i32
    return %c0_i32, %c0_i32_0 : i32, i32
  }
  func.func @transform_6(%arg0: i32) -> (i32, i32) {
    %c0_i32 = arith.constant 0 : i32
    %c0_i32_0 = arith.constant 0 : i32
    %c0_i32_1 = arith.constant 0 : i32
    return %c0_i32, %c0_i32_0 : i32, i32
  }
  func.func @transform_7(%arg0: i32) -> (i32, i32) {
    %c0_i32 = arith.constant 0 : i32
    %c0_i32_0 = arith.constant 0 : i32
    return %arg0, %c0_i32 : i32, i32
  }
  func.func @transform_8(%arg0: i32) -> (i32, i32) {
    %c0_i32 = arith.constant 0 : i32
    %c0_i32_0 = arith.constant 0 : i32
    %c0_i32_1 = arith.constant 0 : i32
    return %c0_i32, %c0_i32_0 : i32, i32
  }
}

module attributes {stable_mosaic.version = 14 : i64} {
  func.func @body(%arg0: i32, %arg1: memref<256x256xf32, #tpu.memory_space<vmem>>, %arg2: memref<1x256xf32, #tpu.memory_space<vmem>>, %arg3: memref<1x256xf32, #tpu.memory_space<vmem>>, %arg4: memref<256x256xf32, #tpu.memory_space<vmem>>) attributes {dimension_semantics = [#tpu.dimension_semantics<arbitrary>], iteration_bounds = array<i64: 40>, scalar_prefetch = 0 : i64, scratch_operands = 0 : i64, tpu.core_type = #tpu.core_type<tc>, window_params = [{transform_indices = @transform_0, window_bounds = array<i64: 256, 256>}, {pipeline_mode = #tpu.pipeline_mode<synchronous>, transform_indices = @transform_1, window_bounds = array<i64: 1, 256>}, {pipeline_mode = #tpu.pipeline_mode<synchronous>, transform_indices = @transform_2, window_bounds = array<i64: 1, 256>}, {transform_indices = @transform_3, window_bounds = array<i64: 256, 256>}]} {
    %get3A = arith.constant 0 : index
    %get3A_0 = arith.constant 0 : index
    %get3A_1 = vector.load %arg1[%get3A, %get3A_0] : memref<256x256xf32, #tpu.memory_space<vmem>>, vector<256x256xf32>
    %get3A_2 = arith.constant 0 : index
    %get3A_3 = arith.constant 0 : index
    %get3A_4 = vector.load %arg2[%get3A_2, %get3A_3] : memref<1x256xf32, #tpu.memory_space<vmem>>, vector<1x256xf32>
    %mul3A = vector.broadcast %get3A_4 : vector<1x256xf32> to vector<256x256xf32>
    %mul3A_5 = arith.mulf %get3A_1, %mul3A : vector<256x256xf32>
    %get3A_6 = arith.constant 0 : index
    %get3A_7 = arith.constant 0 : index
    %get3A_8 = vector.load %arg3[%get3A_6, %get3A_7] : memref<1x256xf32, #tpu.memory_space<vmem>>, vector<1x256xf32>
    %add3A = vector.broadcast %get3A_8 : vector<1x256xf32> to vector<256x256xf32>
    %add3A_9 = arith.addf %mul3A_5, %add3A : vector<256x256xf32>
    %swap3A = arith.constant 0 : index
    %swap3A_10 = arith.constant 0 : index
    %swap3A_11 = vector.load %arg4[%swap3A, %swap3A_10] : memref<256x256xf32, #tpu.memory_space<vmem>>, vector<256x256xf32>
    tpu.vector_store %arg4[%swap3A, %swap3A_10], %add3A_9 {strides = array<i32>} : memref<256x256xf32, #tpu.memory_space<vmem>>, vector<256x256xf32>,
    return
  }
  func.func @transform_0(%arg0: i32) -> (i32, i32) {
    %c0_i32 = arith.constant 0 : i32
    %c0_i32_0 = arith.constant 0 : i32
    return %arg0, %c0_i32 : i32, i32
  }
  func.func @transform_1(%arg0: i32) -> (i32, i32) {
    %c0_i32 = arith.constant 0 : i32
    %c0_i32_0 = arith.constant 0 : i32
    %c0_i32_1 = arith.constant 0 : i32
    return %c0_i32, %c0_i32_0 : i32, i32
  }
  func.func @transform_2(%arg0: i32) -> (i32, i32) {
    %c0_i32 = arith.constant 0 : i32
    %c0_i32_0 = arith.constant 0 : i32
    %c0_i32_1 = arith.constant 0 : i32
    return %c0_i32, %c0_i32_0 : i32, i32
  }
  func.func @transform_3(%arg0: i32) -> (i32, i32) {
    %c0_i32 = arith.constant 0 : i32
    %c0_i32_0 = arith.constant 0 : i32
    return %arg0, %c0_i32 : i32, i32
  }
}

</mosaic_0001>

<sc_bundles>
// kernel: kernel.10.cloned.1.call-start
scs
__scs_entry_jumppad:
0x0: {  	(pc) =	sbr.rel $0x88, $3  }
0x1: {  	(tag) =	ssettag $0x0;
	lr =	simm.s32 $0x1  }
0x2: {  	[smem:$0x3F9B] =	sst lr;
	_ =	strace $0xD0000000  }
0x3: {  	_ = 	snop  }
0x4: {  	_ = 	snop  }
0x5: {  	_ = 	snop  }
0x6: {  	_ = 	snop  }
0x7: {  	_ = 	snop  }
__scs_overlays_trampoline_lowered:
0x8: {  	[smem:$0x3FAA] =	sst s0  }
0x9: {  	[smem:$0x3FAB] =	sst s1  }
0xa: {  	[smem:$0x3FAC] =	sst s2  }
0xb: {  	[smem:$0x3FAD] =	sst s3  }
0xc: {  	[smem:$0x3FAE] =	sst s4  }
0xd: {  	[smem:$0x3FAF] =	sst s5  }
0xe: {  	[smem:$0x3FB0] =	sst s6  }
0xf: {  	[smem:$0x3FB1] =	sst s7  }
0x10: {  	[smem:$0x3FB2] =	sst s8  }
0x11: {  	[smem:$0x3FB3] =	sst s9;
	s0 =	simm.s32 @!p0 $0x0  }
0x12: {  	s1 =	sld [smem:$0x3F99];
	s0 =	simm.s32 @p0 $0x1  }
0x13: {  	[smem:$0x3FB4] =	sst s0;
	s0 =	simm.s32 @!p1 $0x0  }
0x14: {  	s2 =	sld [smem:$0x3F98];
	s0 =	simm.s32 @p1 $0x1  }
0x15: {  	[smem:$0x3FB5] =	sst s0;
	s0 =	simm.s32 @!p2 $0x0  }
0x16: {  	s3 =	sld [smem:$0x3FDB];
	s0 =	simm.s32 @p2 $0x1  }
0x17: {  	s4 =	simm.s32 $0x1BF5;
	[smem:$0x3FB7] =	sst s0  }
0x18: {  	s0 =	sld [smem:$0x3F9A];
	_ =	swait.ge [sflag:s4], $0x0  }
0x19: {  	s7 =	sld [smem:$0x3F9B]  }
0x1a: {  	s8 =	sadd.s32 $0xFFFFE003, lr  }
0x1b: {  	s9 =	sadd.s32 $0xFFFFFEF7, lr;
	s5 =	simm.s32 $0xFFFFFFFF;
	p2 =	slt.u32 s8, $0xFFFFF086  }
0x1c: {  	p1 =	slt.u32 s9, $0xF7A;
	s5 =	simm.s32 @!p2 $0x0  }
0x1d: {  	s5 =	simm.s32 @p1 $0x1;
	p0 =	seq.s32 s7, s2  }
0x1e: {  	s7 =	smul.u32 @!p0 $0xF7A, s2;
	p2 =	seq.s32 @!p0 s5, $0x0  }
0x1f: {  	s9 =	smul.u32 $0xF7A, s1;
	s8 =	simm.s32 @!p0 $0x1BF5;
	p2 =	por !p2, p0  }
0x20: {  	[sflag:s8] =	ssyncset.s32 @!p0 $0xFFFFF086;
	s6 =	sadd.s32 @!p0 s3, s7;
	s7 =	simm.s32 @!p0 $0x108  }
0x21: {  	s3 =	sadd.s32 s3, s9;
	s6 =	sadd.s32 @!p0 $0x88, s6;
	s7 =	simm.s32 @p2 $0x1082  }
0x22: {  	[simem:s7], [sflag:s8] =	dma.local @!p0 [hbm:s6], $0xF7A  }
0x23: {  	s9 =	sor.u32 $0xD0000000, s2;
	s6 =	simm.s32 $0x108;
	_ =	swait.ge @!p0 [sflag:s8], $0x0  }
0x24: {  	s3 =	sadd.s32 $0x88, s3;
	s6 =	simm.s32 @!p1 $0x1082;
	[sflag:s4] =	ssyncset.s32 $0xFFFFF086  }
0x25: {  	[simem:s6], [sflag:s4] =	dma.local [hbm:s3], $0xF7A  }
0x26: {  	[smem:$0x3F9B] =	sst s1;
	(tag) =	ssettag s2;
	_ =	strace s9  }
0x27: {  	s1 =	sld [smem:$0x3FAB]  }
0x28: {  	s2 =	sld [smem:$0x3FAC]  }
0x29: {  	s4 =	sld [smem:$0x3FAE]  }
0x2a: {  	p0 =	seq.s32 s5, $0x0;
	s5 =	sld [smem:$0x3FAF]  }
0x2b: {  	s6 =	sld [smem:$0x3FB0]  }
0x2c: {  	s7 =	sld [smem:$0x3FB1]  }
0x2d: {  	s3 =	simm.s32 $0x108;
	s8 =	sld [smem:$0x3FB2]  }
0x2e: {  	s3 =	simm.s32 @!p0 $0x1082;
	s9 =	sld [smem:$0x3FB3]  }
0x2f: {  	lr =	sadd.s32 s0, s3;
	s0 =	sld [smem:$0x3FAA]  }
0x30: {  	s3 =	sld [smem:$0x3FAD]  }
0x31: {  	[smem:$0x3FB6] =	sst s10  }
0x32: {  	s10 =	sld [smem:$0x3FB4];
	_ =	sdelay $0x3  }
0x33: {  	p0 =	seq.s32 s10, $0x1;
	s10 =	sld [smem:$0x3FB6];
	_ =	sdelay $0x3  }
0x34: {  	[smem:$0x3FB6] =	sst s10  }
0x35: {  	s10 =	sld [smem:$0x3FB5];
	_ =	sdelay $0x3  }
0x36: {  	p1 =	seq.s32 s10, $0x1;
	s10 =	sld [smem:$0x3FB6];
	_ =	sdelay $0x3  }
0x37: {  	[smem:$0x3FB6] =	sst s10  }
0x38: {  	s10 =	sld [smem:$0x3FB7]  }
0x39: {  	_ = 	snop;
	(pc) =	sbr.ind lr, $3  }
0x3a: {  	_ = 	snop  }
0x3b: {  	_ = 	snop  }
0x3c: {  	p2 =	seq.s32 s10, $0x1;
	s10 =	sld [smem:$0x3FB6]  }
0x3d: {  	_ =	shalt  }
0x3e: {  	_ =	shalt  }
0x3f: {  	_ =	shalt  }
0x40: {  	_ =	shalt  }
0x41: {  	_ =	shalt  }
0x42: {  	_ =	shalt  }
0x43: {  	_ =	shalt  }
0x44: {  	_ =	shalt  }
0x45: {  	_ =	shalt  }
0x46: {  	_ =	shalt  }
0x47: {  	_ =	shalt  }
0x48: {  	_ =	shalt  }
0x49: {  	_ =	shalt  }
0x4a: {  	_ =	shalt  }
0x4b: {  	_ =	shalt  }
0x4c: {  	_ =	shalt  }
0x4d: {  	_ =	shalt  }
0x4e: {  	_ =	shalt  }
0x4f: {  	_ =	shalt  }
0x50: {  	_ =	shalt  }
0x51: {  	_ =	shalt  }
0x52: {  	_ =	shalt  }
0x53: {  	_ =	shalt  }
0x54: {  	_ =	shalt  }
0x55: {  	_ =	shalt  }
0x56: {  	_ =	shalt  }
0x57: {  	_ =	shalt  }
0x58: {  	_ =	shalt  }
0x59: {  	_ =	shalt  }
0x5a: {  	_ =	shalt  }
0x5b: {  	_ =	shalt  }
0x5c: {  	_ =	shalt  }
0x5d: {  	_ =	shalt  }
0x5e: {  	_ =	shalt  }
0x5f: {  	_ =	shalt  }
0x60: {  	_ =	shalt  }
0x61: {  	_ =	shalt  }
0x62: {  	_ =	shalt  }
0x63: {  	_ =	shalt  }
0x64: {  	_ =	shalt  }
0x65: {  	_ =	shalt  }
0x66: {  	_ =	shalt  }
0x67: {  	_ =	shalt  }
0x68: {  	_ =	shalt  }
0x69: {  	_ =	shalt  }
0x6a: {  	_ =	shalt  }
0x6b: {  	_ =	shalt  }
0x6c: {  	_ =	shalt  }
0x6d: {  	_ =	shalt  }
0x6e: {  	_ =	shalt  }
0x6f: {  	_ =	shalt  }
0x70: {  	_ =	shalt  }
0x71: {  	_ =	shalt  }
0x72: {  	_ =	shalt  }
0x73: {  	_ =	shalt  }
0x74: {  	_ =	shalt  }
0x75: {  	_ =	shalt  }
0x76: {  	_ =	shalt  }
0x77: {  	_ =	shalt  }
0x78: {  	_ =	shalt  }
0x79: {  	_ =	shalt  }
0x7a: {  	_ =	shalt  }
0x7b: {  	_ =	shalt  }
0x7c: {  	_ =	shalt  }
0x7d: {  	_ =	shalt  }
0x7e: {  	_ =	shalt  }
0x7f: {  	_ =	shalt  }
0x80: {  	_ =	shalt  }
0x81: {  	_ =	shalt  }
0x82: {  	_ =	shalt  }
0x83: {  	_ =	shalt  }
0x84: {  	_ =	shalt  }
0x85: {  	_ =	shalt  }
0x86: {  	_ =	shalt  }
0x87: {  	_ =	shalt  }
.Lfunc_end0:
.L_simem_size_0:
called_computation.1_lowered:
.L_overlay_start_0:
0x88: {  	s2 =	sld [smem:$0x3FD9]  }
0x89: {  	s3 =	sld [smem:$0x3FFE];
	_ =	sdelay $0x1  }
0x8a: {  	s1 =	srdreg.scid  }
0x8b: {  	s0 =	sand.u32 $0x1, s1  }
0x8c: {  	s16 =	sshll.u32 s0, $0xA;
	s2 =	sadd.s32 s3, s2  }
0x8d: {  	s2 =	sadd.s32 s2, s16  }
0x8e: {  	[smem:$0x3FC2] =	sst s2  }
0x8f: {  	_ = 	snop  }
0x90: {  	(tm) =	ssettm $0x1  }
0x91: {  	s17 =	sld [smem:$0x3FFB];
	_ =	sdelay $0x3  }
0x92: {  	_ =	strace s17  }
0x93: {  	s2 =	sld [smem:$0x3FFC];
	_ =	sdelay $0x3  }
0x94: {  	_ =	strace s2  }
0x95: {  	s2 =	sld [smem:$0x3FFD];
	_ =	sdelay $0x3  }
0x96: {  	_ =	strace s2  }
0x97: {  	_ =	strace $0x8FFFFFFF  }
0x98: {  	s18 =	sld [smem:$0x3FDB];
	_ =	sdelay $0x1  }
0x99: {  	s19 =	simm.s32 $_scs_section_size  }
0x9a: {  	s4 =	simm.s32 $_size__tile_overlayer_lowered;
	s5 =	simm.s32 $_tile_overlayer_lowered  }
0x9b: {  	s22 =	simm.s32 $0x1BFF;
	s21 =	sshll.u32 s5, $0x1;
	s2 =	sadd.s32 s19, s18  }
0x9c: {  	s6 =	simm.s32 $0x0;
	s20 =	sshll.u32 s4, $0x1;
	s4 =	sadd.s32 s21, s2  }
0x9d: {  	[timem:s6], [sflag:s22] =	dma.local [hbm:s4], s20  }
0x9e: {  	_ =	swait.ge [sflag:s22], s20  }
0x9f: {  	s3 =	ssub.s32 $0x0, s20;
	[sflag:s22] =	ssyncset.done $0x0  }
0xa0: {  	[sflag:s22] =	ssyncadd.s32 s3;
	_ =	sdelay $0x1  }
0xa1: {  	s23 =	simm.s32 $0x1B8B  }
0xa2: {  	_ =	swait.ge [sflag:s23], $0x1  }
0xa3: {  	[sflag:s23] =	ssyncset.done $0x0  }
0xa4: {  	s25 =	simm.s32 $0x1B8E;
	s24 =	sld [smem:$0x3FFE];
	[sflag:s23] =	ssyncadd.s32 $0xFFFFFFFF  }
0xa5: {  	s26 =	simm.s32 $execute0_lowered;
	[smem:$0x3FD2] =	sst s25  }
0xa6: {  	s4 =	sshll.u32 s26, $0x1;
	_ =	strace $0x80000049;
	[dreg:$0x1] =	wrdreg $0xFFFFFFFF  }
0xa7: {  	s28 =	simm.s32 $_size_execute0_lowered;
	s2 =	sadd.s32 s2, s4;
	[dreg:$0x0] =	wrdreg $0x0  }
0xa8: {  	s4 =	sshll.u32 s28, $0x1;
	[dreg:$0x2] =	wrdreg s2  }
0xa9: {  	[dreg:$0x3] =	wrdreg s4  }
0xaa: {  	[dreg:$0x4] =	wrdreg $0xC0  }
0xab: {  	_ =	task [dreg:s6], $0x5FFFF  }
0xac: {  	[dreg:$0x1] =	wrdreg $0xFFFFFFFF  }
0xad: {  	[dreg:$0x0] =	wrdreg $0x60  }
0xae: {  	[dreg:$0x2] =	wrdreg s24  }
0xaf: {  	[dreg:$0x3] =	wrdreg $0x9  }
0xb0: {  	_ =	task.clear_ibuf [dreg:s6], $0x4FFFF;
	_ =	strace $0x90000049  }
0xb1: {  	s29 =	simm.s32 $0x9;
	_ =	strace $0x8000004B  }
0xb2: {  	_ =	swait.ge [sflag:s29], $0x1  }
0xb3: {  	[sflag:s29] =	ssyncadd.s32 $0xFFFFFFFF  }
0xb4: {  	_ =	strace $0x9000004B  }
0xb5: {  	_ =	sfence  }
0xb6: {  	s30 =	sld [smem:$0x0];
	_ =	sdelay $0x2  }
0xb7: {  	s31 =	sshll.u32 s1, $0xD;
	s1 =	sshrl.u32 s1, $0x2  }
0xb8: {  	s3 =	sand.u32 $0x4000, s31;
	s1 =	sadd.s32 s1, s30  }
0xb9: {  	s0 =	sor.u32 s3, s0;
	s1 =	sshll.u32 s1, $0x11  }
0xba: {  	s0 =	sor.u32 s1, s0  }
0xbb: {  	s0 =	sadd.s32 $0x8F2B, s0  }
0xbc: {  	[sflag:s0] =	ssyncadd.remote.s32 $0x1  }
0xbd: {  	_ =	sfence.sel $0xFFFF  }
0xbe: {  	[dreg:$0x0] =	wrdreg $0xFFFFFFFF;
	(pc) =	sbr.abs _section_cstart, $3  }
0xbf: {  	[dreg:$0x1] =	wrdreg $0xFFFFFFFF  }
0xc0: {  	_ =	task.clear_ibuf [dreg:s6], $0x2FFFF;
	_ =	strace $0x9FFFFFFF  }
0xc1: {  	(tm) =	ssettm $0x7FFFFFFF  }
tec
execute0_lowered:
.L_overlay_start_1:
0x0: {  	(tag) =	ssettag $0x1  }
0x1: {  	s0 =	srdreg.scid;
	s1 =	stileid.u32  }
0x2: {  	s0 =	sand.u32 $0x1, s0;
	s1 =	sshll.u32 s1, $0x1  }
0x3: {  	s3 =	rddreg [dreg:$0x0];
	s2 =	simm.s32 $0x0;
	s1 =	sor.u32 s0, s1  }
0x4: {  	s18 =	simm.s32 $0x800;
	s4 =	smul.u32 $0xA000, s1;
	s5 =	sshll.u32 s1, $0x8  }
0x5: {  	[smem:$0x7FF] =	sst s2;
	s1 =	smul.u32 $0x50000, s1;
	s5 =	sadd.s32 s5, s3  }
0x6: {  	s6 =	sadd.s32 $0x54600, s3;
	_ =	strace $0x8000004A;
	s5 =	sadd.s32 $0x2600, s5  }
0x7: {  	s4 =	sadd.s32 s6, s4;
	s1 =	sshrl.u32 s1, $0x3;
	[dreg:$0x2] =	wrdreg s5  }
0x8: {  	[dreg:$0xc] =	wrdreg s4;
	s4 =	sadd.s32 $0x1000, s4;
	s1 =	sadd.s32 s6, s1  }
0x9: {  	s12 =	simm.s32 $0x1;
	[dreg:$0x3] =	wrdreg s4;
	s23 =	sadd.s32 $0x2000, s1  }
0xa: {  	s13 =	simm.s32 $0x3;
	s24 =	sadd.s32 $0x3000, s1;
	[dreg:$0x4] =	wrdreg s23  }
0xb: {  	s14 =	simm.s32 $0x2;
	s25 =	sadd.s32 $0x4000, s1;
	[dreg:$0x5] =	wrdreg s24  }
0xc: {  	s15 =	simm.s32 $0x4;
	s26 =	sadd.s32 $0x5000, s1;
	[dreg:$0x6] =	wrdreg s25  }
0xd: {  	s0 =	ssub.s32 $0x2, s0;
	s28 =	sadd.s32 $0x6000, s1;
	[dreg:$0x7] =	wrdreg s26  }
0xe: {  	s30 =	sshrl.u32 s0, $0x1;
	s29 =	sadd.s32 $0x7000, s1;
	[dreg:$0x8] =	wrdreg s28  }
0xf: {  	v2 =	vlaneseq.u32;
	s0 =	ssub.s32 s0, s30;
	s31 =	sadd.s32 $0x8000, s1;
	[dreg:$0x9] =	wrdreg s29  }
0x10: {  	vm0 =	vmmov $0xffff;
	v1 =	vshrl.u32 v2, $0x3;
	s5 =	smax.u32 s0, $0x1;
	s1 =	sadd.s32 $0x9000, s1;
	[dreg:$0xa] =	wrdreg s31  }
0x11: {  	v0 =	vand.u32 $0x7, v2;
	v2 =	vor.u32 $0x8, v2;
	v1 =	vmul.u32 $0x8, v1;
	s4 =	sadd.s32 $0x4600, s3;
	[dreg:$0xb] =	wrdreg s1;
	s23 =	simm.s32 $0x8800  }
.LBB2_1:
0x12: {  	s16 =	rddreg [dreg:$0x2];
	s28 =	simm.s32 $0x5  }
0x13: {  	[tilespmem:s2], [sflag:$0x5] =	stream.linear.gather [hbm4b:s16+s2], $0x500, $0x38;
	[tilespmem:$0x10800] =	vst v63  }
0x14: {  	_ =	swait.ge [sflag:s28], $0x500  }
0x15: {  	[sflag:s28] =	ssyncset.done $0x0  }
0x16: {  	[sflag:s28] =	ssyncadd.s32 $0xFFFFFB00  }
0x17: {  	v3 =	vld [tilespmem:$0x0];
	_ =	sdelay $0x4  }
0x18: {  	v4 =	vshll.u32 v3, $0x1  }
0x19: {  	v3 =	vand.u32 $0x7, v3;
	v4 =	vand.u32 $0xFFFFFFF0, v4  }
0x1a: {  	v3 =	vor.u32 v3, v4  }
0x1b: {  	v4 =	vperm.xlane v3, v0;
	_ =	sdelay $0x1  }
0x1c: {  	v3 =	vperm.xlane v3, v2;
	v4 =	vadd.s32 v1, v4;
	_ =	sdelay $0x1  }
0x1d: {  	v3 =	vadd.s32 v1, v3;
	_ =	sdelay $0x2  }
0x1e: {  	[tilespmem:s18], [sflag:$0x1] =	stream.indirect_vreg.gather [hbm4b:s4+s2], $0x80, v4, vm0, $0xb8;
	[tilespmem:$0x10800] =	vst v63  }
0x1f: {  	s0 =	simm.s32 $0x1000  }
0x20: {  	[tilespmem:s0], [sflag:$0x1] =	stream.indirect_vreg.gather [hbm4b:s4+s2], $0x80, v3, vm0, $0xb8;
	[tilespmem:$0x10800] =	vst v63  }
0x21: {  	v3 =	vld [tilespmem:$0x10];
	_ =	sdelay $0x4  }
0x22: {  	v41 =	vshll.u32 v3, $0x1  }
0x23: {  	v3 =	vand.u32 $0x7, v3;
	v4 =	vand.u32 $0xFFFFFFF0, v41  }
0x24: {  	v3 =	vor.u32 v3, v4  }
0x25: {  	v4 =	vperm.xlane v3, v0;
	_ =	sdelay $0x1  }
0x26: {  	v3 =	vperm.xlane v3, v2;
	v4 =	vadd.s32 v1, v4;
	_ =	sdelay $0x1  }
0x27: {  	v3 =	vadd.s32 v1, v3;
	_ =	sdelay $0x1  }
0x28: {  	s29 =	simm.s32 $0x1800  }
0x29: {  	[tilespmem:s29], [sflag:$0x1] =	stream.indirect_vreg.gather [hbm4b:s4+s2], $0x80, v4, vm0, $0xb8;
	[tilespmem:$0x10800] =	vst v63  }
0x2a: {  	s30 =	simm.s32 $0x2000  }
0x2b: {  	[tilespmem:s30], [sflag:$0x1] =	stream.indirect_vreg.gather [hbm4b:s4+s2], $0x80, v3, vm0, $0xb8;
	[tilespmem:$0x10800] =	vst v63  }
0x2c: {  	v3 =	vld [tilespmem:$0x20];
	_ =	sdelay $0x4  }
0x2d: {  	v42 =	vshll.u32 v3, $0x1  }
0x2e: {  	v3 =	vand.u32 $0x7, v3;
	v4 =	vand.u32 $0xFFFFFFF0, v42  }
0x2f: {  	v3 =	vor.u32 v3, v4  }
0x30: {  	v4 =	vperm.xlane v3, v0;
	_ =	sdelay $0x1  }
0x31: {  	v3 =	vperm.xlane v3, v2;
	v4 =	vadd.s32 v1, v4;
	_ =	sdelay $0x1  }
0x32: {  	v3 =	vadd.s32 v1, v3;
	_ =	sdelay $0x1  }
0x33: {  	s31 =	simm.s32 $0x2800  }
0x34: {  	[tilespmem:s31], [sflag:$0x1] =	stream.indirect_vreg.gather [hbm4b:s4+s2], $0x80, v4, vm0, $0xb8;
	[tilespmem:$0x10800] =	vst v63  }
0x35: {  	s1 =	simm.s32 $0x3000  }
0x36: {  	[tilespmem:s1], [sflag:$0x1] =	stream.indirect_vreg.gather [hbm4b:s4+s2], $0x80, v3, vm0, $0xb8;
	[tilespmem:$0x10800] =	vst v63  }
0x37: {  	v3 =	vld [tilespmem:$0x30];
	_ =	sdelay $0x4  }
0x38: {  	v43 =	vshll.u32 v3, $0x1  }
0x39: {  	v3 =	vand.u32 $0x7, v3;
	v4 =	vand.u32 $0xFFFFFFF0, v43  }
0x3a: {  	v3 =	vor.u32 v3, v4  }
0x3b: {  	v4 =	vperm.xlane v3, v0;
	_ =	sdelay $0x1  }
0x3c: {  	v3 =	vperm.xlane v3, v2;
	v4 =	vadd.s32 v1, v4;
	_ =	sdelay $0x1  }
0x3d: {  	v3 =	vadd.s32 v1, v3;
	_ =	sdelay $0x1  }
0x3e: {  	s6 =	simm.s32 $0x3800  }
0x3f: {  	[tilespmem:s6], [sflag:$0x1] =	stream.indirect_vreg.gather [hbm4b:s4+s2], $0x80, v4, vm0, $0xb8;
	[tilespmem:$0x10800] =	vst v63  }
0x40: {  	s8 =	simm.s32 $0x4000  }
0x41: {  	[tilespmem:s8], [sflag:$0x1] =	stream.indirect_vreg.gather [hbm4b:s4+s2], $0x80, v3, vm0, $0xb8;
	[tilespmem:$0x10800] =	vst v63  }
0x42: {  	v3 =	vld [tilespmem:$0x40];
	_ =	sdelay $0x4  }
0x43: {  	v44 =	vshll.u32 v3, $0x1  }
0x44: {  	v3 =	vand.u32 $0x7, v3;
	v4 =	vand.u32 $0xFFFFFFF0, v44  }
0x45: {  	v3 =	vor.u32 v3, v4  }
0x46: {  	v4 =	vperm.xlane v3, v0;
	_ =	sdelay $0x1  }
0x47: {  	v3 =	vperm.xlane v3, v2;
	v4 =	vadd.s32 v1, v4;
	_ =	sdelay $0x1  }
0x48: {  	v3 =	vadd.s32 v1, v3;
	_ =	sdelay $0x1  }
0x49: {  	s9 =	simm.s32 $0x4800  }
0x4a: {  	[tilespmem:s9], [sflag:$0x1] =	stream.indirect_vreg.gather [hbm4b:s4+s2], $0x80, v4, vm0, $0xb8;
	[tilespmem:$0x10800] =	vst v63  }
0x4b: {  	s10 =	simm.s32 $0x5000  }
0x4c: {  	[tilespmem:s10], [sflag:$0x1] =	stream.indirect_vreg.gather [hbm4b:s4+s2], $0x80, v3, vm0, $0xb8;
	[tilespmem:$0x10800] =	vst v63  }
0x4d: {  	v3 =	vld [tilespmem:$0x50];
	_ =	sdelay $0x4  }
0x4e: {  	v45 =	vshll.u32 v3, $0x1  }
0x4f: {  	v3 =	vand.u32 $0x7, v3;
	v4 =	vand.u32 $0xFFFFFFF0, v45  }
0x50: {  	v3 =	vor.u32 v3, v4  }
0x51: {  	v4 =	vperm.xlane v3, v0;
	_ =	sdelay $0x1  }
0x52: {  	v3 =	vperm.xlane v3, v2;
	v4 =	vadd.s32 v1, v4;
	_ =	sdelay $0x1  }
0x53: {  	v3 =	vadd.s32 v1, v3;
	_ =	sdelay $0x1  }
0x54: {  	s11 =	simm.s32 $0x5800  }
0x55: {  	[tilespmem:s11], [sflag:$0x1] =	stream.indirect_vreg.gather [hbm4b:s4+s2], $0x80, v4, vm0, $0xb8;
	[tilespmem:$0x10800] =	vst v63  }
0x56: {  	s16 =	simm.s32 $0x6000  }
0x57: {  	[tilespmem:s16], [sflag:$0x1] =	stream.indirect_vreg.gather [hbm4b:s4+s2], $0x80, v3, vm0, $0xb8;
	[tilespmem:$0x10800] =	vst v63  }
0x58: {  	v3 =	vld [tilespmem:$0x60];
	_ =	sdelay $0x4  }
0x59: {  	v46 =	vshll.u32 v3, $0x1  }
0x5a: {  	v3 =	vand.u32 $0x7, v3;
	v4 =	vand.u32 $0xFFFFFFF0, v46  }
0x5b: {  	v3 =	vor.u32 v3, v4  }
0x5c: {  	v4 =	vperm.xlane v3, v0;
	_ =	sdelay $0x1  }
0x5d: {  	v3 =	vperm.xlane v3, v2;
	v4 =	vadd.s32 v1, v4;
	_ =	sdelay $0x1  }
0x5e: {  	v3 =	vadd.s32 v1, v3;
	_ =	sdelay $0x1  }
0x5f: {  	s17 =	simm.s32 $0x6800  }
0x60: {  	[tilespmem:s17], [sflag:$0x1] =	stream.indirect_vreg.gather [hbm4b:s4+s2], $0x80, v4, vm0, $0xb8;
	[tilespmem:$0x10800] =	vst v63  }
0x61: {  	s19 =	simm.s32 $0x7000  }
0x62: {  	[tilespmem:s19], [sflag:$0x1] =	stream.indirect_vreg.gather [hbm4b:s4+s2], $0x80, v3, vm0, $0xb8;
	[tilespmem:$0x10800] =	vst v63  }
0x63: {  	v3 =	vld [tilespmem:$0x70];
	_ =	sdelay $0x4  }
0x64: {  	v47 =	vshll.u32 v3, $0x1  }
0x65: {  	v3 =	vand.u32 $0x7, v3;
	v4 =	vand.u32 $0xFFFFFFF0, v47  }
0x66: {  	v3 =	vor.u32 v3, v4  }
0x67: {  	v4 =	vperm.xlane v3, v0;
	_ =	sdelay $0x1  }
0x68: {  	v3 =	vperm.xlane v3, v2;
	v4 =	vadd.s32 v1, v4;
	_ =	sdelay $0x1  }
0x69: {  	v3 =	vadd.s32 v1, v3;
	_ =	sdelay $0x1  }
0x6a: {  	s20 =	simm.s32 $0x7800  }
0x6b: {  	[tilespmem:s20], [sflag:$0x1] =	stream.indirect_vreg.gather [hbm4b:s4+s2], $0x80, v4, vm0, $0xb8;
	[tilespmem:$0x10800] =	vst v63  }
0x6c: {  	s21 =	simm.s32 $0x8000  }
0x6d: {  	[tilespmem:s21], [sflag:$0x1] =	stream.indirect_vreg.gather [hbm4b:s4+s2], $0x80, v3, vm0, $0xb8;
	[tilespmem:$0x10800] =	vst v63  }
0x6e: {  	v3 =	vld [tilespmem:$0x80];
	_ =	sdelay $0x4  }
0x6f: {  	v48 =	vshll.u32 v3, $0x1  }
0x70: {  	v3 =	vand.u32 $0x7, v3;
	v4 =	vand.u32 $0xFFFFFFF0, v48  }
0x71: {  	v3 =	vor.u32 v3, v4  }
0x72: {  	v4 =	vperm.xlane v3, v0;
	_ =	sdelay $0x1  }
0x73: {  	v3 =	vperm.xlane v3, v2;
	v4 =	vadd.s32 v1, v4;
	_ =	sdelay $0x1  }
0x74: {  	v3 =	vadd.s32 v1, v3;
	_ =	sdelay $0x2  }
0x75: {  	[tilespmem:s23], [sflag:$0x2] =	stream.indirect_vreg.gather [hbm4b:s4+s2], $0x80, v4, vm0, $0xb8;
	[tilespmem:$0x10800] =	vst v63  }
0x76: {  	s25 =	simm.s32 $0x9000  }
0x77: {  	[tilespmem:s25], [sflag:$0x2] =	stream.indirect_vreg.gather [hbm4b:s4+s2], $0x80, v3, vm0, $0xb8;
	[tilespmem:$0x10800] =	vst v63  }
0x78: {  	v3 =	vld [tilespmem:$0x90];
	_ =	sdelay $0x4  }
0x79: {  	v49 =	vshll.u32 v3, $0x1  }
0x7a: {  	v3 =	vand.u32 $0x7, v3;
	v4 =	vand.u32 $0xFFFFFFF0, v49  }
0x7b: {  	v3 =	vor.u32 v3, v4  }
0x7c: {  	v4 =	vperm.xlane v3, v0;
	_ =	sdelay $0x1  }
0x7d: {  	v3 =	vperm.xlane v3, v2;
	v4 =	vadd.s32 v1, v4;
	_ =	sdelay $0x1  }
0x7e: {  	v3 =	vadd.s32 v1, v3;
	_ =	sdelay $0x1  }
0x7f: {  	s26 =	simm.s32 $0x9800  }
0x80: {  	[tilespmem:s26], [sflag:$0x2] =	stream.indirect_vreg.gather [hbm4b:s4+s2], $0x80, v4, vm0, $0xb8;
	[tilespmem:$0x10800] =	vst v63  }
0x81: {  	s30 =	simm.s32 $0xA000  }
0x82: {  	[tilespmem:s30], [sflag:$0x2] =	stream.indirect_vreg.gather [hbm4b:s4+s2], $0x80, v3, vm0, $0xb8;
	[tilespmem:$0x10800] =	vst v63  }
0x83: {  	v3 =	vld [tilespmem:$0xA0];
	_ =	sdelay $0x4  }
0x84: {  	v50 =	vshll.u32 v3, $0x1  }
0x85: {  	v3 =	vand.u32 $0x7, v3;
	v4 =	vand.u32 $0xFFFFFFF0, v50  }
0x86: {  	v3 =	vor.u32 v3, v4  }
0x87: {  	v4 =	vperm.xlane v3, v0;
	_ =	sdelay $0x1  }
0x88: {  	v3 =	vperm.xlane v3, v2;
	v4 =	vadd.s32 v1, v4;
	_ =	sdelay $0x1  }
0x89: {  	v3 =	vadd.s32 v1, v3;
	_ =	sdelay $0x1  }
0x8a: {  	s31 =	simm.s32 $0xA800  }
0x8b: {  	[tilespmem:s31], [sflag:$0x2] =	stream.indirect_vreg.gather [hbm4b:s4+s2], $0x80, v4, vm0, $0xb8;
	[tilespmem:$0x10800] =	vst v63  }
0x8c: {  	s6 =	simm.s32 $0xB000  }
0x8d: {  	[tilespmem:s6], [sflag:$0x2] =	stream.indirect_vreg.gather [hbm4b:s4+s2], $0x80, v3, vm0, $0xb8;
	[tilespmem:$0x10800] =	vst v63  }
0x8e: {  	v3 =	vld [tilespmem:$0xB0];
	_ =	sdelay $0x4  }
0x8f: {  	v51 =	vshll.u32 v3, $0x1  }
0x90: {  	v3 =	vand.u32 $0x7, v3;
	v4 =	vand.u32 $0xFFFFFFF0, v51  }
0x91: {  	v3 =	vor.u32 v3, v4  }
0x92: {  	v4 =	vperm.xlane v3, v0;
	_ =	sdelay $0x1  }
0x93: {  	v3 =	vperm.xlane v3, v2;
	v4 =	vadd.s32 v1, v4;
	_ =	sdelay $0x1  }
0x94: {  	v3 =	vadd.s32 v1, v3;
	_ =	sdelay $0x1  }
0x95: {  	s8 =	simm.s32 $0xB800  }
0x96: {  	[tilespmem:s8], [sflag:$0x2] =	stream.indirect_vreg.gather [hbm4b:s4+s2], $0x80, v4, vm0, $0xb8;
	[tilespmem:$0x10800] =	vst v63  }
0x97: {  	s9 =	simm.s32 $0xC000  }
0x98: {  	[tilespmem:s9], [sflag:$0x2] =	stream.indirect_vreg.gather [hbm4b:s4+s2], $0x80, v3, vm0, $0xb8;
	[tilespmem:$0x10800] =	vst v63  }
0x99: {  	v3 =	vld [tilespmem:$0xC0];
	_ =	sdelay $0x4  }
0x9a: {  	v52 =	vshll.u32 v3, $0x1  }
0x9b: {  	v3 =	vand.u32 $0x7, v3;
	v4 =	vand.u32 $0xFFFFFFF0, v52  }
0x9c: {  	v3 =	vor.u32 v3, v4  }
0x9d: {  	v4 =	vperm.xlane v3, v0;
	_ =	sdelay $0x1  }
0x9e: {  	v3 =	vperm.xlane v3, v2;
	v4 =	vadd.s32 v1, v4;
	_ =	sdelay $0x1  }
0x9f: {  	v3 =	vadd.s32 v1, v3;
	_ =	sdelay $0x1  }
0xa0: {  	s10 =	simm.s32 $0xC800  }
0xa1: {  	[tilespmem:s10], [sflag:$0x2] =	stream.indirect_vreg.gather [hbm4b:s4+s2], $0x80, v4, vm0, $0xb8;
	[tilespmem:$0x10800] =	vst v63  }
0xa2: {  	s17 =	simm.s32 $0xD000  }
0xa3: {  	[tilespmem:s17], [sflag:$0x2] =	stream.indirect_vreg.gather [hbm4b:s4+s2], $0x80, v3, vm0, $0xb8;
	[tilespmem:$0x10800] =	vst v63  }
0xa4: {  	v3 =	vld [tilespmem:$0xD0];
	_ =	sdelay $0x4  }
0xa5: {  	v53 =	vshll.u32 v3, $0x1  }
0xa6: {  	v3 =	vand.u32 $0x7, v3;
	v4 =	vand.u32 $0xFFFFFFF0, v53  }
0xa7: {  	v3 =	vor.u32 v3, v4  }
0xa8: {  	v4 =	vperm.xlane v3, v0;
	_ =	sdelay $0x1  }
0xa9: {  	v3 =	vperm.xlane v3, v2;
	v4 =	vadd.s32 v1, v4;
	_ =	sdelay $0x1  }
0xaa: {  	v3 =	vadd.s32 v1, v3;
	_ =	sdelay $0x1  }
0xab: {  	s19 =	simm.s32 $0xD800  }
0xac: {  	[tilespmem:s19], [sflag:$0x2] =	stream.indirect_vreg.gather [hbm4b:s4+s2], $0x80, v4, vm0, $0xb8;
	[tilespmem:$0x10800] =	vst v63  }
0xad: {  	s21 =	simm.s32 $0xE000  }
0xae: {  	[tilespmem:s21], [sflag:$0x2] =	stream.indirect_vreg.gather [hbm4b:s4+s2], $0x80, v3, vm0, $0xb8;
	[tilespmem:$0x10800] =	vst v63  }
0xaf: {  	v3 =	vld [tilespmem:$0xE0];
	_ =	sdelay $0x4  }
0xb0: {  	v54 =	vshll.u32 v3, $0x1  }
0xb1: {  	v3 =	vand.u32 $0x7, v3;
	v4 =	vand.u32 $0xFFFFFFF0, v54  }
0xb2: {  	v3 =	vor.u32 v3, v4  }
0xb3: {  	v4 =	vperm.xlane v3, v0;
	_ =	sdelay $0x1  }
0xb4: {  	v3 =	vperm.xlane v3, v2;
	v4 =	vadd.s32 v1, v4;
	_ =	sdelay $0x1  }
0xb5: {  	v3 =	vadd.s32 v1, v3;
	_ =	sdelay $0x1  }
0xb6: {  	s25 =	simm.s32 $0xE800  }
0xb7: {  	[tilespmem:s25], [sflag:$0x2] =	stream.indirect_vreg.gather [hbm4b:s4+s2], $0x80, v4, vm0, $0xb8;
	[tilespmem:$0x10800] =	vst v63  }
0xb8: {  	s26 =	simm.s32 $0xF000  }
0xb9: {  	[tilespmem:s26], [sflag:$0x2] =	stream.indirect_vreg.gather [hbm4b:s4+s2], $0x80, v3, vm0, $0xb8;
	[tilespmem:$0x10800] =	vst v63  }
0xba: {  	v3 =	vld [tilespmem:$0xF0];
	_ =	sdelay $0x4  }
0xbb: {  	v55 =	vshll.u32 v3, $0x1  }
0xbc: {  	v3 =	vand.u32 $0x7, v3;
	v4 =	vand.u32 $0xFFFFFFF0, v55  }
0xbd: {  	v3 =	vor.u32 v3, v4  }
0xbe: {  	v4 =	vperm.xlane v3, v0;
	_ =	sdelay $0x1  }
0xbf: {  	v3 =	vperm.xlane v3, v2;
	v4 =	vadd.s32 v1, v4;
	_ =	sdelay $0x1  }
0xc0: {  	v3 =	vadd.s32 v1, v3;
	_ =	sdelay $0x1  }
0xc1: {  	s30 =	simm.s32 $0xF800  }
0xc2: {  	[tilespmem:s30], [sflag:$0x2] =	stream.indirect_vreg.gather [hbm4b:s4+s2], $0x80, v4, vm0, $0xb8;
	[tilespmem:$0x10800] =	vst v63  }
0xc3: {  	s31 =	simm.s32 $0x10000  }
0xc4: {  	[tilespmem:s31], [sflag:$0x2] =	stream.indirect_vreg.gather [hbm4b:s4+s2], $0x80, v3, vm0, $0xb8;
	[tilespmem:$0x10800] =	vst v63  }
0xc5: {  	_ =	swait.ge [sflag:s12], $0x8000  }
0xc6: {  	[sflag:s12] =	ssyncset.done $0x0  }
0xc7: {  	s0 =	rddreg [dreg:$0xc];
	[sflag:s12] =	ssyncadd.s32 $0xFFFF8000  }
0xc8: {  	[hbm4b:s0+s2] =	stream.linear.scatter [tilespmem:s18], [sflag:$0x3], $0x8000, $0x38;
	[tilespmem:$0x10800] =	vst v63  }
0xc9: {  	_ =	swait.ge [sflag:s13], $0x8000  }
0xca: {  	[sflag:s13] =	ssyncset.done $0x0  }
0xcb: {  	[sflag:s13] =	ssyncadd.s32 $0xFFFF8000  }
0xcc: {  	v3 =	vld [tilespmem:$0x100];
	_ =	sdelay $0x4  }
0xcd: {  	v56 =	vshll.u32 v3, $0x1  }
0xce: {  	v3 =	vand.u32 $0x7, v3;
	v4 =	vand.u32 $0xFFFFFFF0, v56  }
0xcf: {  	v3 =	vor.u32 v3, v4  }
0xd0: {  	v4 =	vperm.xlane v3, v0;
	_ =	sdelay $0x1  }
0xd1: {  	v3 =	vperm.xlane v3, v2;
	v4 =	vadd.s32 v1, v4;
	_ =	sdelay $0x1  }
0xd2: {  	v3 =	vadd.s32 v1, v3;
	_ =	sdelay $0x2  }
0xd3: {  	[tilespmem:s18], [sflag:$0x1] =	stream.indirect_vreg.gather [hbm4b:s4+s2], $0x80, v4, vm0, $0xb8;
	[tilespmem:$0x10800] =	vst v63  }
0xd4: {  	s22 =	simm.s32 $0x1000  }
0xd5: {  	[tilespmem:s22], [sflag:$0x1] =	stream.indirect_vreg.gather [hbm4b:s4+s2], $0x80, v3, vm0, $0xb8;
	[tilespmem:$0x10800] =	vst v63  }
0xd6: {  	v3 =	vld [tilespmem:$0x110];
	_ =	sdelay $0x4  }
0xd7: {  	v57 =	vshll.u32 v3, $0x1  }
0xd8: {  	v3 =	vand.u32 $0x7, v3;
	v4 =	vand.u32 $0xFFFFFFF0, v57  }
0xd9: {  	v3 =	vor.u32 v3, v4  }
0xda: {  	v4 =	vperm.xlane v3, v0;
	_ =	sdelay $0x1  }
0xdb: {  	v3 =	vperm.xlane v3, v2;
	v4 =	vadd.s32 v1, v4;
	_ =	sdelay $0x1  }
0xdc: {  	v3 =	vadd.s32 v1, v3;
	_ =	sdelay $0x1  }
0xdd: {  	s3 =	simm.s32 $0x1800  }
0xde: {  	[tilespmem:s3], [sflag:$0x1] =	stream.indirect_vreg.gather [hbm4b:s4+s2], $0x80, v4, vm0, $0xb8;
	[tilespmem:$0x10800] =	vst v63  }
0xdf: {  	s25 =	simm.s32 $0x2000  }
0xe0: {  	[tilespmem:s25], [sflag:$0x1] =	stream.indirect_vreg.gather [hbm4b:s4+s2], $0x80, v3, vm0, $0xb8;
	[tilespmem:$0x10800] =	vst v63  }
0xe1: {  	v3 =	vld [tilespmem:$0x120];
	_ =	sdelay $0x4  }
0xe2: {  	v58 =	vshll.u32 v3, $0x1  }
0xe3: {  	v3 =	vand.u32 $0x7, v3;
	v4 =	vand.u32 $0xFFFFFFF0, v58  }
0xe4: {  	v3 =	vor.u32 v3, v4  }
0xe5: {  	v4 =	vperm.xlane v3, v0;
	_ =	sdelay $0x1  }
0xe6: {  	v3 =	vperm.xlane v3, v2;
	v4 =	vadd.s32 v1, v4;
	_ =	sdelay $0x1  }
0xe7: {  	v3 =	vadd.s32 v1, v3;
	_ =	sdelay $0x1  }
0xe8: {  	s7 =	simm.s32 $0x2800  }
0xe9: {  	[tilespmem:s7], [sflag:$0x1] =	stream.indirect_vreg.gather [hbm4b:s4+s2], $0x80, v4, vm0, $0xb8;
	[tilespmem:$0x10800] =	vst v63  }
0xea: {  	s26 =	simm.s32 $0x3000  }
0xeb: {  	[tilespmem:s26], [sflag:$0x1] =	stream.indirect_vreg.gather [hbm4b:s4+s2], $0x80, v3, vm0, $0xb8;
	[tilespmem:$0x10800] =	vst v63  }
0xec: {  	v3 =	vld [tilespmem:$0x130];
	_ =	sdelay $0x4  }
0xed: {  	v59 =	vshll.u32 v3, $0x1  }
0xee: {  	v3 =	vand.u32 $0x7, v3;
	v4 =	vand.u32 $0xFFFFFFF0, v59  }
0xef: {  	v3 =	vor.u32 v3, v4  }
0xf0: {  	v4 =	vperm.xlane v3, v0;
	_ =	sdelay $0x1  }
0xf1: {  	v3 =	vperm.xlane v3, v2;
	v4 =	vadd.s32 v1, v4;
	_ =	sdelay $0x1  }
0xf2: {  	v3 =	vadd.s32 v1, v3;
	_ =	sdelay $0x1  }
0xf3: {  	s22 =	simm.s32 $0x3800  }
0xf4: {  	[tilespmem:s22], [sflag:$0x1] =	stream.indirect_vreg.gather [hbm4b:s4+s2], $0x80, v4, vm0, $0xb8;
	[tilespmem:$0x10800] =	vst v63  }
0xf5: {  	s28 =	simm.s32 $0x4000  }
0xf6: {  	[tilespmem:s28], [sflag:$0x1] =	stream.indirect_vreg.gather [hbm4b:s4+s2], $0x80, v3, vm0, $0xb8;
	[tilespmem:$0x10800] =	vst v63  }
0xf7: {  	v3 =	vld [tilespmem:$0x140];
	_ =	sdelay $0x4  }
0xf8: {  	v60 =	vshll.u32 v3, $0x1  }
0xf9: {  	v3 =	vand.u32 $0x7, v3;
	v4 =	vand.u32 $0xFFFFFFF0, v60  }
0xfa: {  	v3 =	vor.u32 v3, v4  }
0xfb: {  	v4 =	vperm.xlane v3, v0;
	_ =	sdelay $0x1  }
0xfc: {  	v3 =	vperm.xlane v3, v2;
	v4 =	vadd.s32 v1, v4;
	_ =	sdelay $0x1  }
0xfd: {  	v3 =	vadd.s32 v1, v3;
	_ =	sdelay $0x1  }
0xfe: {  	s24 =	simm.s32 $0x4800  }
0xff: {  	[tilespmem:s24], [sflag:$0x1] =	stream.indirect_vreg.gather [hbm4b:s4+s2], $0x80, v4, vm0, $0xb8;
	[tilespmem:$0x10800] =	vst v63  }
0x100: {  	s30 =	simm.s32 $0x5000  }
0x101: {  	[tilespmem:s30], [sflag:$0x1] =	stream.indirect_vreg.gather [hbm4b:s4+s2], $0x80, v3, vm0, $0xb8;
	[tilespmem:$0x10800] =	vst v63  }
0x102: {  	v3 =	vld [tilespmem:$0x150];
	_ =	sdelay $0x4  }
0x103: {  	v61 =	vshll.u32 v3, $0x1  }
0x104: {  	v3 =	vand.u32 $0x7, v3;
	v4 =	vand.u32 $0xFFFFFFF0, v61  }
0x105: {  	v3 =	vor.u32 v3, v4  }
0x106: {  	v4 =	vperm.xlane v3, v0;
	_ =	sdelay $0x1  }
0x107: {  	v3 =	vperm.xlane v3, v2;
	v4 =	vadd.s32 v1, v4;
	_ =	sdelay $0x1  }
0x108: {  	v3 =	vadd.s32 v1, v3;
	_ =	sdelay $0x1  }
0x109: {  	s28 =	simm.s32 $0x5800  }
0x10a: {  	[tilespmem:s28], [sflag:$0x1] =	stream.indirect_vreg.gather [hbm4b:s4+s2], $0x80, v4, vm0, $0xb8;
	[tilespmem:$0x10800] =	vst v63  }
0x10b: {  	s31 =	simm.s32 $0x6000  }
0x10c: {  	[tilespmem:s31], [sflag:$0x1] =	stream.indirect_vreg.gather [hbm4b:s4+s2], $0x80, v3, vm0, $0xb8;
	[tilespmem:$0x10800] =	vst v63  }
0x10d: {  	v3 =	vld [tilespmem:$0x160];
	_ =	sdelay $0x4  }
0x10e: {  	v62 =	vshll.u32 v3, $0x1  }
0x10f: {  	v3 =	vand.u32 $0x7, v3;
	v4 =	vand.u32 $0xFFFFFFF0, v62  }
0x110: {  	v3 =	vor.u32 v3, v4  }
0x111: {  	v4 =	vperm.xlane v3, v0;
	_ =	sdelay $0x1  }
0x112: {  	v3 =	vperm.xlane v3, v2;
	v4 =	vadd.s32 v1, v4;
	_ =	sdelay $0x1  }
0x113: {  	v3 =	vadd.s32 v1, v3;
	_ =	sdelay $0x1  }
0x114: {  	s29 =	simm.s32 $0x6800  }
0x115: {  	[tilespmem:s29], [sflag:$0x1] =	stream.indirect_vreg.gather [hbm4b:s4+s2], $0x80, v4, vm0, $0xb8;
	[tilespmem:$0x10800] =	vst v63  }
0x116: {  	s17 =	simm.s32 $0x7000  }
0x117: {  	[tilespmem:s17], [sflag:$0x1] =	stream.indirect_vreg.gather [hbm4b:s4+s2], $0x80, v3, vm0, $0xb8;
	[tilespmem:$0x10800] =	vst v63  }
0x118: {  	v3 =	vld [tilespmem:$0x170];
	_ =	sdelay $0x4  }
0x119: {  	v63 =	vshll.u32 v3, $0x1  }
0x11a: {  	v3 =	vand.u32 $0x7, v3;
	v4 =	vand.u32 $0xFFFFFFF0, v63  }
0x11b: {  	v3 =	vor.u32 v3, v4  }
0x11c: {  	v4 =	vperm.xlane v3, v0;
	_ =	sdelay $0x1  }
0x11d: {  	v3 =	vperm.xlane v3, v2;
	v4 =	vadd.s32 v1, v4;
	_ =	sdelay $0x1  }
0x11e: {  	v3 =	vadd.s32 v1, v3;
	_ =	sdelay $0x1  }
0x11f: {  	s24 =	simm.s32 $0x7800  }
0x120: {  	[tilespmem:s24], [sflag:$0x1] =	stream.indirect_vreg.gather [hbm4b:s4+s2], $0x80, v4, vm0, $0xb8;
	[tilespmem:$0x10800] =	vst v63  }
0x121: {  	s29 =	simm.s32 $0x8000  }
0x122: {  	[tilespmem:s29], [sflag:$0x1] =	stream.indirect_vreg.gather [hbm4b:s4+s2], $0x80, v3, vm0, $0xb8;
	[tilespmem:$0x10800] =	vst v63  }
0x123: {  	_ =	swait.ge [sflag:s14], $0x8000  }
0x124: {  	[sflag:s14] =	ssyncset.done $0x0  }
0x125: {  	s7 =	rddreg [dreg:$0x3];
	[sflag:s14] =	ssyncadd.s32 $0xFFFF8000  }
0x126: {  	[hbm4b:s7+s2] =	stream.linear.scatter [tilespmem:s23], [sflag:$0x4], $0x8000, $0x38;
	[tilespmem:$0x10800] =	vst v63  }
0x127: {  	_ =	swait.ge [sflag:s15], $0x8000  }
0x128: {  	[sflag:s15] =	ssyncset.done $0x0  }
0x129: {  	[sflag:s15] =	ssyncadd.s32 $0xFFFF8000  }
0x12a: {  	v3 =	vld [tilespmem:$0x180];
	_ =	sdelay $0x4  }
0x12b: {  	v8 =	vshll.u32 v3, $0x1  }
0x12c: {  	v3 =	vand.u32 $0x7, v3;
	v4 =	vand.u32 $0xFFFFFFF0, v8  }
0x12d: {  	v3 =	vor.u32 v3, v4  }
0x12e: {  	v4 =	vperm.xlane v3, v0;
	_ =	sdelay $0x1  }
0x12f: {  	v3 =	vperm.xlane v3, v2;
	v4 =	vadd.s32 v1, v4;
	_ =	sdelay $0x1  }
0x130: {  	v3 =	vadd.s32 v1, v3;
	_ =	sdelay $0x2  }
0x131: {  	[tilespmem:s23], [sflag:$0x2] =	stream.indirect_vreg.gather [hbm4b:s4+s2], $0x80, v4, vm0, $0xb8;
	[tilespmem:$0x10800] =	vst v63  }
0x132: {  	s1 =	simm.s32 $0x9000  }
0x133: {  	[tilespmem:s1], [sflag:$0x2] =	stream.indirect_vreg.gather [hbm4b:s4+s2], $0x80, v3, vm0, $0xb8;
	[tilespmem:$0x10800] =	vst v63  }
0x134: {  	v3 =	vld [tilespmem:$0x190];
	_ =	sdelay $0x4  }
0x135: {  	v9 =	vshll.u32 v3, $0x1  }
0x136: {  	v3 =	vand.u32 $0x7, v3;
	v4 =	vand.u32 $0xFFFFFFF0, v9  }
0x137: {  	v3 =	vor.u32 v3, v4  }
0x138: {  	v4 =	vperm.xlane v3, v0;
	_ =	sdelay $0x1  }
0x139: {  	v3 =	vperm.xlane v3, v2;
	v4 =	vadd.s32 v1, v4;
	_ =	sdelay $0x1  }
0x13a: {  	v3 =	vadd.s32 v1, v3;
	_ =	sdelay $0x1  }
0x13b: {  	s0 =	simm.s32 $0x9800  }
0x13c: {  	[tilespmem:s0], [sflag:$0x2] =	stream.indirect_vreg.gather [hbm4b:s4+s2], $0x80, v4, vm0, $0xb8;
	[tilespmem:$0x10800] =	vst v63  }
0x13d: {  	s3 =	simm.s32 $0xA000  }
0x13e: {  	[tilespmem:s3], [sflag:$0x2] =	stream.indirect_vreg.gather [hbm4b:s4+s2], $0x80, v3, vm0, $0xb8;
	[tilespmem:$0x10800] =	vst v63  }
0x13f: {  	v3 =	vld [tilespmem:$0x1A0];
	_ =	sdelay $0x4  }
0x140: {  	v10 =	vshll.u32 v3, $0x1  }
0x141: {  	v3 =	vand.u32 $0x7, v3;
	v4 =	vand.u32 $0xFFFFFFF0, v10  }
0x142: {  	v3 =	vor.u32 v3, v4  }
0x143: {  	v4 =	vperm.xlane v3, v0;
	_ =	sdelay $0x1  }
0x144: {  	v3 =	vperm.xlane v3, v2;
	v4 =	vadd.s32 v1, v4;
	_ =	sdelay $0x1  }
0x145: {  	v3 =	vadd.s32 v1, v3;
	_ =	sdelay $0x1  }
0x146: {  	s1 =	simm.s32 $0xA800  }
0x147: {  	[tilespmem:s1], [sflag:$0x2] =	stream.indirect_vreg.gather [hbm4b:s4+s2], $0x80, v4, vm0, $0xb8;
	[tilespmem:$0x10800] =	vst v63  }
0x148: {  	s7 =	simm.s32 $0xB000  }
0x149: {  	[tilespmem:s7], [sflag:$0x2] =	stream.indirect_vreg.gather [hbm4b:s4+s2], $0x80, v3, vm0, $0xb8;
	[tilespmem:$0x10800] =	vst v63  }
0x14a: {  	v3 =	vld [tilespmem:$0x1B0];
	_ =	sdelay $0x4  }
0x14b: {  	v11 =	vshll.u32 v3, $0x1  }
0x14c: {  	v3 =	vand.u32 $0x7, v3;
	v4 =	vand.u32 $0xFFFFFFF0, v11  }
0x14d: {  	v3 =	vor.u32 v3, v4  }
0x14e: {  	v4 =	vperm.xlane v3, v0;
	_ =	sdelay $0x1  }
0x14f: {  	v3 =	vperm.xlane v3, v2;
	v4 =	vadd.s32 v1, v4;
	_ =	sdelay $0x1  }
0x150: {  	v3 =	vadd.s32 v1, v3;
	_ =	sdelay $0x1  }
0x151: {  	s20 =	simm.s32 $0xB800  }
0x152: {  	[tilespmem:s20], [sflag:$0x2] =	stream.indirect_vreg.gather [hbm4b:s4+s2], $0x80, v4, vm0, $0xb8;
	[tilespmem:$0x10800] =	vst v63  }
0x153: {  	s11 =	simm.s32 $0xC000  }
0x154: {  	[tilespmem:s11], [sflag:$0x2] =	stream.indirect_vreg.gather [hbm4b:s4+s2], $0x80, v3, vm0, $0xb8;
	[tilespmem:$0x10800] =	vst v63  }
0x155: {  	v3 =	vld [tilespmem:$0x1C0];
	_ =	sdelay $0x4  }
0x156: {  	v12 =	vshll.u32 v3, $0x1  }
0x157: {  	v3 =	vand.u32 $0x7, v3;
	v4 =	vand.u32 $0xFFFFFFF0, v12  }
0x158: {  	v3 =	vor.u32 v3, v4  }
0x159: {  	v4 =	vperm.xlane v3, v0;
	_ =	sdelay $0x1  }
0x15a: {  	v3 =	vperm.xlane v3, v2;
	v4 =	vadd.s32 v1, v4;
	_ =	sdelay $0x1  }
0x15b: {  	v3 =	vadd.s32 v1, v3;
	_ =	sdelay $0x1  }
0x15c: {  	s16 =	simm.s32 $0xC800  }
0x15d: {  	[tilespmem:s16], [sflag:$0x2] =	stream.indirect_vreg.gather [hbm4b:s4+s2], $0x80, v4, vm0, $0xb8;
	[tilespmem:$0x10800] =	vst v63  }
0x15e: {  	s6 =	simm.s32 $0xD000  }
0x15f: {  	[tilespmem:s6], [sflag:$0x2] =	stream.indirect_vreg.gather [hbm4b:s4+s2], $0x80, v3, vm0, $0xb8;
	[tilespmem:$0x10800] =	vst v63  }
0x160: {  	v3 =	vld [tilespmem:$0x1D0];
	_ =	sdelay $0x4  }
0x161: {  	v13 =	vshll.u32 v3, $0x1  }
0x162: {  	v3 =	vand.u32 $0x7, v3;
	v4 =	vand.u32 $0xFFFFFFF0, v13  }
0x163: {  	v3 =	vor.u32 v3, v4  }
0x164: {  	v4 =	vperm.xlane v3, v0;
	_ =	sdelay $0x1  }
0x165: {  	v3 =	vperm.xlane v3, v2;
	v4 =	vadd.s32 v1, v4;
	_ =	sdelay $0x1  }
0x166: {  	v3 =	vadd.s32 v1, v3;
	_ =	sdelay $0x1  }
0x167: {  	s19 =	simm.s32 $0xD800  }
0x168: {  	[tilespmem:s19], [sflag:$0x2] =	stream.indirect_vreg.gather [hbm4b:s4+s2], $0x80, v4, vm0, $0xb8;
	[tilespmem:$0x10800] =	vst v63  }
0x169: {  	s8 =	simm.s32 $0xE000  }
0x16a: {  	[tilespmem:s8], [sflag:$0x2] =	stream.indirect_vreg.gather [hbm4b:s4+s2], $0x80, v3, vm0, $0xb8;
	[tilespmem:$0x10800] =	vst v63  }
0x16b: {  	v3 =	vld [tilespmem:$0x1E0];
	_ =	sdelay $0x4  }
0x16c: {  	v14 =	vshll.u32 v3, $0x1  }
0x16d: {  	v3 =	vand.u32 $0x7, v3;
	v4 =	vand.u32 $0xFFFFFFF0, v14  }
0x16e: {  	v3 =	vor.u32 v3, v4  }
0x16f: {  	v4 =	vperm.xlane v3, v0;
	_ =	sdelay $0x1  }
0x170: {  	v3 =	vperm.xlane v3, v2;
	v4 =	vadd.s32 v1, v4;
	_ =	sdelay $0x1  }
0x171: {  	v3 =	vadd.s32 v1, v3;
	_ =	sdelay $0x1  }
0x172: {  	s21 =	simm.s32 $0xE800  }
0x173: {  	[tilespmem:s21], [sflag:$0x2] =	stream.indirect_vreg.gather [hbm4b:s4+s2], $0x80, v4, vm0, $0xb8;
	[tilespmem:$0x10800] =	vst v63  }
0x174: {  	s9 =	simm.s32 $0xF000  }
0x175: {  	[tilespmem:s9], [sflag:$0x2] =	stream.indirect_vreg.gather [hbm4b:s4+s2], $0x80, v3, vm0, $0xb8;
	[tilespmem:$0x10800] =	vst v63  }
0x176: {  	v3 =	vld [tilespmem:$0x1F0];
	_ =	sdelay $0x4  }
0x177: {  	v15 =	vshll.u32 v3, $0x1  }
0x178: {  	v3 =	vand.u32 $0x7, v3;
	v4 =	vand.u32 $0xFFFFFFF0, v15  }
0x179: {  	v3 =	vor.u32 v3, v4  }
0x17a: {  	v4 =	vperm.xlane v3, v0;
	_ =	sdelay $0x1  }
0x17b: {  	v3 =	vperm.xlane v3, v2;
	v4 =	vadd.s32 v1, v4;
	_ =	sdelay $0x1  }
0x17c: {  	v3 =	vadd.s32 v1, v3;
	_ =	sdelay $0x1  }
0x17d: {  	s16 =	simm.s32 $0xF800  }
0x17e: {  	[tilespmem:s16], [sflag:$0x2] =	stream.indirect_vreg.gather [hbm4b:s4+s2], $0x80, v4, vm0, $0xb8;
	[tilespmem:$0x10800] =	vst v63  }
0x17f: {  	s10 =	simm.s32 $0x10000  }
0x180: {  	[tilespmem:s10], [sflag:$0x2] =	stream.indirect_vreg.gather [hbm4b:s4+s2], $0x80, v3, vm0, $0xb8;
	[tilespmem:$0x10800] =	vst v63  }
0x181: {  	_ =	swait.ge [sflag:s12], $0x8000  }
0x182: {  	[sflag:s12] =	ssyncset.done $0x0  }
0x183: {  	s21 =	rddreg [dreg:$0x4];
	[sflag:s12] =	ssyncadd.s32 $0xFFFF8000  }
0x184: {  	[hbm4b:s21+s2] =	stream.linear.scatter [tilespmem:s18], [sflag:$0x3], $0x8000, $0x38;
	[tilespmem:$0x10800] =	vst v63  }
0x185: {  	_ =	swait.ge [sflag:s13], $0x8000  }
0x186: {  	[sflag:s13] =	ssyncset.done $0x0  }
0x187: {  	[sflag:s13] =	ssyncadd.s32 $0xFFFF8000  }
0x188: {  	v3 =	vld [tilespmem:$0x200];
	_ =	sdelay $0x4  }
0x189: {  	v16 =	vshll.u32 v3, $0x1  }
0x18a: {  	v3 =	vand.u32 $0x7, v3;
	v4 =	vand.u32 $0xFFFFFFF0, v16  }
0x18b: {  	v3 =	vor.u32 v3, v4  }
0x18c: {  	v4 =	vperm.xlane v3, v0;
	_ =	sdelay $0x1  }
0x18d: {  	v3 =	vperm.xlane v3, v2;
	v4 =	vadd.s32 v1, v4;
	_ =	sdelay $0x1  }
0x18e: {  	v3 =	vadd.s32 v1, v3;
	_ =	sdelay $0x2  }
0x18f: {  	[tilespmem:s18], [sflag:$0x1] =	stream.indirect_vreg.gather [hbm4b:s4+s2], $0x80, v4, vm0, $0xb8;
	[tilespmem:$0x10800] =	vst v63  }
0x190: {  	s21 =	simm.s32 $0x1000  }
0x191: {  	[tilespmem:s21], [sflag:$0x1] =	stream.indirect_vreg.gather [hbm4b:s4+s2], $0x80, v3, vm0, $0xb8;
	[tilespmem:$0x10800] =	vst v63  }
0x192: {  	v3 =	vld [tilespmem:$0x210];
	_ =	sdelay $0x4  }
0x193: {  	v17 =	vshll.u32 v3, $0x1  }
0x194: {  	v3 =	vand.u32 $0x7, v3;
	v4 =	vand.u32 $0xFFFFFFF0, v17  }
0x195: {  	v3 =	vor.u32 v3, v4  }
0x196: {  	v4 =	vperm.xlane v3, v0;
	_ =	sdelay $0x1  }
0x197: {  	v3 =	vperm.xlane v3, v2;
	v4 =	vadd.s32 v1, v4;
	_ =	sdelay $0x1  }
0x198: {  	v3 =	vadd.s32 v1, v3;
	_ =	sdelay $0x1  }
0x199: {  	s21 =	simm.s32 $0x1800  }
0x19a: {  	[tilespmem:s21], [sflag:$0x1] =	stream.indirect_vreg.gather [hbm4b:s4+s2], $0x80, v4, vm0, $0xb8;
	[tilespmem:$0x10800] =	vst v63  }
0x19b: {  	_ = 	snop  }
0x19c: {  	[tilespmem:s25], [sflag:$0x1] =	stream.indirect_vreg.gather [hbm4b:s4+s2], $0x80, v3, vm0, $0xb8;
	[tilespmem:$0x10800] =	vst v63  }
0x19d: {  	v3 =	vld [tilespmem:$0x220];
	_ =	sdelay $0x4  }
0x19e: {  	v18 =	vshll.u32 v3, $0x1  }
0x19f: {  	v3 =	vand.u32 $0x7, v3;
	v4 =	vand.u32 $0xFFFFFFF0, v18  }
0x1a0: {  	v3 =	vor.u32 v3, v4  }
0x1a1: {  	v4 =	vperm.xlane v3, v0;
	_ =	sdelay $0x1  }
0x1a2: {  	v3 =	vperm.xlane v3, v2;
	v4 =	vadd.s32 v1, v4;
	_ =	sdelay $0x1  }
0x1a3: {  	v3 =	vadd.s32 v1, v3;
	_ =	sdelay $0x1  }
0x1a4: {  	s21 =	simm.s32 $0x2800  }
0x1a5: {  	[tilespmem:s21], [sflag:$0x1] =	stream.indirect_vreg.gather [hbm4b:s4+s2], $0x80, v4, vm0, $0xb8;
	[tilespmem:$0x10800] =	vst v63  }
0x1a6: {  	_ = 	snop  }
0x1a7: {  	[tilespmem:s26], [sflag:$0x1] =	stream.indirect_vreg.gather [hbm4b:s4+s2], $0x80, v3, vm0, $0xb8;
	[tilespmem:$0x10800] =	vst v63  }
0x1a8: {  	v3 =	vld [tilespmem:$0x230];
	_ =	sdelay $0x4  }
0x1a9: {  	v19 =	vshll.u32 v3, $0x1  }
0x1aa: {  	v3 =	vand.u32 $0x7, v3;
	v4 =	vand.u32 $0xFFFFFFF0, v19  }
0x1ab: {  	v3 =	vor.u32 v3, v4  }
0x1ac: {  	v4 =	vperm.xlane v3, v0;
	_ =	sdelay $0x1  }
0x1ad: {  	v3 =	vperm.xlane v3, v2;
	v4 =	vadd.s32 v1, v4;
	_ =	sdelay $0x1  }
0x1ae: {  	v3 =	vadd.s32 v1, v3;
	_ =	sdelay $0x2  }
0x1af: {  	[tilespmem:s22], [sflag:$0x1] =	stream.indirect_vreg.gather [hbm4b:s4+s2], $0x80, v4, vm0, $0xb8;
	[tilespmem:$0x10800] =	vst v63  }
0x1b0: {  	s22 =	simm.s32 $0x4000  }
0x1b1: {  	[tilespmem:s22], [sflag:$0x1] =	stream.indirect_vreg.gather [hbm4b:s4+s2], $0x80, v3, vm0, $0xb8;
	[tilespmem:$0x10800] =	vst v63  }
0x1b2: {  	v3 =	vld [tilespmem:$0x240];
	_ =	sdelay $0x4  }
0x1b3: {  	v20 =	vshll.u32 v3, $0x1  }
0x1b4: {  	v3 =	vand.u32 $0x7, v3;
	v4 =	vand.u32 $0xFFFFFFF0, v20  }
0x1b5: {  	v3 =	vor.u32 v3, v4  }
0x1b6: {  	v4 =	vperm.xlane v3, v0;
	_ =	sdelay $0x1  }
0x1b7: {  	v3 =	vperm.xlane v3, v2;
	v4 =	vadd.s32 v1, v4;
	_ =	sdelay $0x1  }
0x1b8: {  	v3 =	vadd.s32 v1, v3;
	_ =	sdelay $0x1  }
0x1b9: {  	s22 =	simm.s32 $0x4800  }
0x1ba: {  	[tilespmem:s22], [sflag:$0x1] =	stream.indirect_vreg.gather [hbm4b:s4+s2], $0x80, v4, vm0, $0xb8;
	[tilespmem:$0x10800] =	vst v63  }
0x1bb: {  	_ = 	snop  }
0x1bc: {  	[tilespmem:s30], [sflag:$0x1] =	stream.indirect_vreg.gather [hbm4b:s4+s2], $0x80, v3, vm0, $0xb8;
	[tilespmem:$0x10800] =	vst v63  }
0x1bd: {  	v3 =	vld [tilespmem:$0x250];
	_ =	sdelay $0x4  }
0x1be: {  	v21 =	vshll.u32 v3, $0x1  }
0x1bf: {  	v3 =	vand.u32 $0x7, v3;
	v4 =	vand.u32 $0xFFFFFFF0, v21  }
0x1c0: {  	v3 =	vor.u32 v3, v4  }
0x1c1: {  	v4 =	vperm.xlane v3, v0;
	_ =	sdelay $0x1  }
0x1c2: {  	v3 =	vperm.xlane v3, v2;
	v4 =	vadd.s32 v1, v4;
	_ =	sdelay $0x1  }
0x1c3: {  	v3 =	vadd.s32 v1, v3;
	_ =	sdelay $0x2  }
0x1c4: {  	[tilespmem:s28], [sflag:$0x1] =	stream.indirect_vreg.gather [hbm4b:s4+s2], $0x80, v4, vm0, $0xb8;
	[tilespmem:$0x10800] =	vst v63  }
0x1c5: {  	_ = 	snop  }
0x1c6: {  	[tilespmem:s31], [sflag:$0x1] =	stream.indirect_vreg.gather [hbm4b:s4+s2], $0x80, v3, vm0, $0xb8;
	[tilespmem:$0x10800] =	vst v63  }
0x1c7: {  	v3 =	vld [tilespmem:$0x260];
	_ =	sdelay $0x4  }
0x1c8: {  	v22 =	vshll.u32 v3, $0x1  }
0x1c9: {  	v3 =	vand.u32 $0x7, v3;
	v4 =	vand.u32 $0xFFFFFFF0, v22  }
0x1ca: {  	v3 =	vor.u32 v3, v4  }
0x1cb: {  	v4 =	vperm.xlane v3, v0;
	_ =	sdelay $0x1  }
0x1cc: {  	v3 =	vperm.xlane v3, v2;
	v4 =	vadd.s32 v1, v4;
	_ =	sdelay $0x1  }
0x1cd: {  	v3 =	vadd.s32 v1, v3;
	_ =	sdelay $0x1  }
0x1ce: {  	s31 =	simm.s32 $0x6800  }
0x1cf: {  	[tilespmem:s31], [sflag:$0x1] =	stream.indirect_vreg.gather [hbm4b:s4+s2], $0x80, v4, vm0, $0xb8;
	[tilespmem:$0x10800] =	vst v63  }
0x1d0: {  	_ = 	snop  }
0x1d1: {  	[tilespmem:s17], [sflag:$0x1] =	stream.indirect_vreg.gather [hbm4b:s4+s2], $0x80, v3, vm0, $0xb8;
	[tilespmem:$0x10800] =	vst v63  }
0x1d2: {  	v3 =	vld [tilespmem:$0x270];
	_ =	sdelay $0x4  }
0x1d3: {  	v23 =	vshll.u32 v3, $0x1  }
0x1d4: {  	v3 =	vand.u32 $0x7, v3;
	v4 =	vand.u32 $0xFFFFFFF0, v23  }
0x1d5: {  	v3 =	vor.u32 v3, v4  }
0x1d6: {  	v4 =	vperm.xlane v3, v0;
	_ =	sdelay $0x1  }
0x1d7: {  	v3 =	vperm.xlane v3, v2;
	v4 =	vadd.s32 v1, v4;
	_ =	sdelay $0x1  }
0x1d8: {  	v3 =	vadd.s32 v1, v3;
	_ =	sdelay $0x2  }
0x1d9: {  	[tilespmem:s24], [sflag:$0x1] =	stream.indirect_vreg.gather [hbm4b:s4+s2], $0x80, v4, vm0, $0xb8;
	[tilespmem:$0x10800] =	vst v63  }
0x1da: {  	_ = 	snop  }
0x1db: {  	[tilespmem:s29], [sflag:$0x1] =	stream.indirect_vreg.gather [hbm4b:s4+s2], $0x80, v3, vm0, $0xb8;
	[tilespmem:$0x10800] =	vst v63  }
0x1dc: {  	_ =	swait.ge [sflag:s14], $0x8000  }
0x1dd: {  	[sflag:s14] =	ssyncset.done $0x0  }
0x1de: {  	s31 =	rddreg [dreg:$0x5];
	[sflag:s14] =	ssyncadd.s32 $0xFFFF8000  }
0x1df: {  	[hbm4b:s31+s2] =	stream.linear.scatter [tilespmem:s23], [sflag:$0x4], $0x8000, $0x38;
	[tilespmem:$0x10800] =	vst v63  }
0x1e0: {  	_ =	swait.ge [sflag:s15], $0x8000  }
0x1e1: {  	[sflag:s15] =	ssyncset.done $0x0  }
0x1e2: {  	[sflag:s15] =	ssyncadd.s32 $0xFFFF8000  }
0x1e3: {  	v3 =	vld [tilespmem:$0x280];
	_ =	sdelay $0x4  }
0x1e4: {  	v24 =	vshll.u32 v3, $0x1  }
0x1e5: {  	v3 =	vand.u32 $0x7, v3;
	v4 =	vand.u32 $0xFFFFFFF0, v24  }
0x1e6: {  	v3 =	vor.u32 v3, v4  }
0x1e7: {  	v4 =	vperm.xlane v3, v0;
	_ =	sdelay $0x1  }
0x1e8: {  	v3 =	vperm.xlane v3, v2;
	v4 =	vadd.s32 v1, v4;
	_ =	sdelay $0x1  }
0x1e9: {  	v3 =	vadd.s32 v1, v3;
	_ =	sdelay $0x2  }
0x1ea: {  	[tilespmem:s23], [sflag:$0x2] =	stream.indirect_vreg.gather [hbm4b:s4+s2], $0x80, v4, vm0, $0xb8;
	[tilespmem:$0x10800] =	vst v63  }
0x1eb: {  	s24 =	simm.s32 $0x9000  }
0x1ec: {  	[tilespmem:s24], [sflag:$0x2] =	stream.indirect_vreg.gather [hbm4b:s4+s2], $0x80, v3, vm0, $0xb8;
	[tilespmem:$0x10800] =	vst v63  }
0x1ed: {  	v3 =	vld [tilespmem:$0x290];
	_ =	sdelay $0x4  }
0x1ee: {  	v25 =	vshll.u32 v3, $0x1  }
0x1ef: {  	v3 =	vand.u32 $0x7, v3;
	v4 =	vand.u32 $0xFFFFFFF0, v25  }
0x1f0: {  	v3 =	vor.u32 v3, v4  }
0x1f1: {  	v4 =	vperm.xlane v3, v0;
	_ =	sdelay $0x1  }
0x1f2: {  	v3 =	vperm.xlane v3, v2;
	v4 =	vadd.s32 v1, v4;
	_ =	sdelay $0x1  }
0x1f3: {  	v3 =	vadd.s32 v1, v3;
	_ =	sdelay $0x2  }
0x1f4: {  	[tilespmem:s0], [sflag:$0x2] =	stream.indirect_vreg.gather [hbm4b:s4+s2], $0x80, v4, vm0, $0xb8;
	[tilespmem:$0x10800] =	vst v63  }
0x1f5: {  	_ = 	snop  }
0x1f6: {  	[tilespmem:s3], [sflag:$0x2] =	stream.indirect_vreg.gather [hbm4b:s4+s2], $0x80, v3, vm0, $0xb8;
	[tilespmem:$0x10800] =	vst v63  }
0x1f7: {  	v3 =	vld [tilespmem:$0x2A0];
	_ =	sdelay $0x4  }
0x1f8: {  	v26 =	vshll.u32 v3, $0x1  }
0x1f9: {  	v3 =	vand.u32 $0x7, v3;
	v4 =	vand.u32 $0xFFFFFFF0, v26  }
0x1fa: {  	v3 =	vor.u32 v3, v4  }
0x1fb: {  	v4 =	vperm.xlane v3, v0;
	_ =	sdelay $0x1  }
0x1fc: {  	v3 =	vperm.xlane v3, v2;
	v4 =	vadd.s32 v1, v4;
	_ =	sdelay $0x1  }
0x1fd: {  	v3 =	vadd.s32 v1, v3;
	_ =	sdelay $0x2  }
0x1fe: {  	[tilespmem:s1], [sflag:$0x2] =	stream.indirect_vreg.gather [hbm4b:s4+s2], $0x80, v4, vm0, $0xb8;
	[tilespmem:$0x10800] =	vst v63  }
0x1ff: {  	_ = 	snop  }
0x200: {  	[tilespmem:s7], [sflag:$0x2] =	stream.indirect_vreg.gather [hbm4b:s4+s2], $0x80, v3, vm0, $0xb8;
	[tilespmem:$0x10800] =	vst v63  }
0x201: {  	v3 =	vld [tilespmem:$0x2B0];
	_ =	sdelay $0x4  }
0x202: {  	v27 =	vshll.u32 v3, $0x1  }
0x203: {  	v3 =	vand.u32 $0x7, v3;
	v4 =	vand.u32 $0xFFFFFFF0, v27  }
0x204: {  	v3 =	vor.u32 v3, v4  }
0x205: {  	v4 =	vperm.xlane v3, v0;
	_ =	sdelay $0x1  }
0x206: {  	v3 =	vperm.xlane v3, v2;
	v4 =	vadd.s32 v1, v4;
	_ =	sdelay $0x1  }
0x207: {  	v3 =	vadd.s32 v1, v3;
	_ =	sdelay $0x1  }
0x208: {  	s20 =	simm.s32 $0xB800  }
0x209: {  	[tilespmem:s20], [sflag:$0x2] =	stream.indirect_vreg.gather [hbm4b:s4+s2], $0x80, v4, vm0, $0xb8;
	[tilespmem:$0x10800] =	vst v63  }
0x20a: {  	s31 =	simm.s32 $0xC000  }
0x20b: {  	[tilespmem:s31], [sflag:$0x2] =	stream.indirect_vreg.gather [hbm4b:s4+s2], $0x80, v3, vm0, $0xb8;
	[tilespmem:$0x10800] =	vst v63  }
0x20c: {  	v3 =	vld [tilespmem:$0x2C0];
	_ =	sdelay $0x4  }
0x20d: {  	v28 =	vshll.u32 v3, $0x1  }
0x20e: {  	v3 =	vand.u32 $0x7, v3;
	v4 =	vand.u32 $0xFFFFFFF0, v28  }
0x20f: {  	v3 =	vor.u32 v3, v4  }
0x210: {  	v4 =	vperm.xlane v3, v0;
	_ =	sdelay $0x1  }
0x211: {  	v3 =	vperm.xlane v3, v2;
	v4 =	vadd.s32 v1, v4;
	_ =	sdelay $0x1  }
0x212: {  	v3 =	vadd.s32 v1, v3;
	_ =	sdelay $0x1  }
0x213: {  	s11 =	simm.s32 $0xC800  }
0x214: {  	[tilespmem:s11], [sflag:$0x2] =	stream.indirect_vreg.gather [hbm4b:s4+s2], $0x80, v4, vm0, $0xb8;
	[tilespmem:$0x10800] =	vst v63  }
0x215: {  	s16 =	simm.s32 $0xD000  }
0x216: {  	[tilespmem:s16], [sflag:$0x2] =	stream.indirect_vreg.gather [hbm4b:s4+s2], $0x80, v3, vm0, $0xb8;
	[tilespmem:$0x10800] =	vst v63  }
0x217: {  	v3 =	vld [tilespmem:$0x2D0];
	_ =	sdelay $0x4  }
0x218: {  	v29 =	vshll.u32 v3, $0x1  }
0x219: {  	v3 =	vand.u32 $0x7, v3;
	v4 =	vand.u32 $0xFFFFFFF0, v29  }
0x21a: {  	v3 =	vor.u32 v3, v4  }
0x21b: {  	v4 =	vperm.xlane v3, v0;
	_ =	sdelay $0x1  }
0x21c: {  	v3 =	vperm.xlane v3, v2;
	v4 =	vadd.s32 v1, v4;
	_ =	sdelay $0x1  }
0x21d: {  	v3 =	vadd.s32 v1, v3;
	_ =	sdelay $0x1  }
0x21e: {  	s6 =	simm.s32 $0xD800  }
0x21f: {  	[tilespmem:s6], [sflag:$0x2] =	stream.indirect_vreg.gather [hbm4b:s4+s2], $0x80, v4, vm0, $0xb8;
	[tilespmem:$0x10800] =	vst v63  }
0x220: {  	s16 =	simm.s32 $0xE000  }
0x221: {  	[tilespmem:s16], [sflag:$0x2] =	stream.indirect_vreg.gather [hbm4b:s4+s2], $0x80, v3, vm0, $0xb8;
	[tilespmem:$0x10800] =	vst v63  }
0x222: {  	v3 =	vld [tilespmem:$0x2E0];
	_ =	sdelay $0x4  }
0x223: {  	v30 =	vshll.u32 v3, $0x1  }
0x224: {  	v3 =	vand.u32 $0x7, v3;
	v4 =	vand.u32 $0xFFFFFFF0, v30  }
0x225: {  	v3 =	vor.u32 v3, v4  }
0x226: {  	v4 =	vperm.xlane v3, v0;
	_ =	sdelay $0x1  }
0x227: {  	v3 =	vperm.xlane v3, v2;
	v4 =	vadd.s32 v1, v4;
	_ =	sdelay $0x1  }
0x228: {  	v3 =	vadd.s32 v1, v3;
	_ =	sdelay $0x1  }
0x229: {  	s19 =	simm.s32 $0xE800  }
0x22a: {  	[tilespmem:s19], [sflag:$0x2] =	stream.indirect_vreg.gather [hbm4b:s4+s2], $0x80, v4, vm0, $0xb8;
	[tilespmem:$0x10800] =	vst v63  }
0x22b: {  	s9 =	simm.s32 $0xF000  }
0x22c: {  	[tilespmem:s9], [sflag:$0x2] =	stream.indirect_vreg.gather [hbm4b:s4+s2], $0x80, v3, vm0, $0xb8;
	[tilespmem:$0x10800] =	vst v63  }
0x22d: {  	v3 =	vld [tilespmem:$0x2F0];
	_ =	sdelay $0x4  }
0x22e: {  	v31 =	vshll.u32 v3, $0x1  }
0x22f: {  	v3 =	vand.u32 $0x7, v3;
	v4 =	vand.u32 $0xFFFFFFF0, v31  }
0x230: {  	v3 =	vor.u32 v3, v4  }
0x231: {  	v4 =	vperm.xlane v3, v0;
	_ =	sdelay $0x1  }
0x232: {  	v3 =	vperm.xlane v3, v2;
	v4 =	vadd.s32 v1, v4;
	_ =	sdelay $0x1  }
0x233: {  	v3 =	vadd.s32 v1, v3;
	_ =	sdelay $0x1  }
0x234: {  	s8 =	simm.s32 $0xF800  }
0x235: {  	[tilespmem:s8], [sflag:$0x2] =	stream.indirect_vreg.gather [hbm4b:s4+s2], $0x80, v4, vm0, $0xb8;
	[tilespmem:$0x10800] =	vst v63  }
0x236: {  	s10 =	simm.s32 $0x10000  }
0x237: {  	[tilespmem:s10], [sflag:$0x2] =	stream.indirect_vreg.gather [hbm4b:s4+s2], $0x80, v3, vm0, $0xb8;
	[tilespmem:$0x10800] =	vst v63  }
0x238: {  	_ =	swait.ge [sflag:s12], $0x8000  }
0x239: {  	[sflag:s12] =	ssyncset.done $0x0  }
0x23a: {  	s6 =	rddreg [dreg:$0x6];
	[sflag:s12] =	ssyncadd.s32 $0xFFFF8000  }
0x23b: {  	[hbm4b:s6+s2] =	stream.linear.scatter [tilespmem:s18], [sflag:$0x3], $0x8000, $0x38;
	[tilespmem:$0x10800] =	vst v63  }
0x23c: {  	_ =	swait.ge [sflag:s13], $0x8000  }
0x23d: {  	[sflag:s13] =	ssyncset.done $0x0  }
0x23e: {  	[sflag:s13] =	ssyncadd.s32 $0xFFFF8000  }
0x23f: {  	v3 =	vld [tilespmem:$0x300];
	_ =	sdelay $0x4  }
0x240: {  	v32 =	vshll.u32 v3, $0x1  }
0x241: {  	v3 =	vand.u32 $0x7, v3;
	v4 =	vand.u32 $0xFFFFFFF0, v32  }
0x242: {  	v3 =	vor.u32 v3, v4  }
0x243: {  	v4 =	vperm.xlane v3, v0;
	_ =	sdelay $0x1  }
0x244: {  	v3 =	vperm.xlane v3, v2;
	v4 =	vadd.s32 v1, v4;
	_ =	sdelay $0x1  }
0x245: {  	v3 =	vadd.s32 v1, v3;
	_ =	sdelay $0x2  }
0x246: {  	[tilespmem:s18], [sflag:$0x1] =	stream.indirect_vreg.gather [hbm4b:s4+s2], $0x80, v4, vm0, $0xb8;
	[tilespmem:$0x10800] =	vst v63  }
0x247: {  	s9 =	simm.s32 $0x1000  }
0x248: {  	[tilespmem:s9], [sflag:$0x1] =	stream.indirect_vreg.gather [hbm4b:s4+s2], $0x80, v3, vm0, $0xb8;
	[tilespmem:$0x10800] =	vst v63  }
0x249: {  	v3 =	vld [tilespmem:$0x310];
	_ =	sdelay $0x4  }
0x24a: {  	v33 =	vshll.u32 v3, $0x1  }
0x24b: {  	v3 =	vand.u32 $0x7, v3;
	v4 =	vand.u32 $0xFFFFFFF0, v33  }
0x24c: {  	v3 =	vor.u32 v3, v4  }
0x24d: {  	v4 =	vperm.xlane v3, v0;
	_ =	sdelay $0x1  }
0x24e: {  	v3 =	vperm.xlane v3, v2;
	v4 =	vadd.s32 v1, v4;
	_ =	sdelay $0x1  }
0x24f: {  	v3 =	vadd.s32 v1, v3;
	_ =	sdelay $0x1  }
0x250: {  	s10 =	simm.s32 $0x1800  }
0x251: {  	[tilespmem:s10], [sflag:$0x1] =	stream.indirect_vreg.gather [hbm4b:s4+s2], $0x80, v4, vm0, $0xb8;
	[tilespmem:$0x10800] =	vst v63  }
0x252: {  	s25 =	simm.s32 $0x2000  }
0x253: {  	[tilespmem:s25], [sflag:$0x1] =	stream.indirect_vreg.gather [hbm4b:s4+s2], $0x80, v3, vm0, $0xb8;
	[tilespmem:$0x10800] =	vst v63  }
0x254: {  	v3 =	vld [tilespmem:$0x320];
	_ =	sdelay $0x4  }
0x255: {  	v34 =	vshll.u32 v3, $0x1  }
0x256: {  	v3 =	vand.u32 $0x7, v3;
	v4 =	vand.u32 $0xFFFFFFF0, v34  }
0x257: {  	v3 =	vor.u32 v3, v4  }
0x258: {  	v4 =	vperm.xlane v3, v0;
	_ =	sdelay $0x1  }
0x259: {  	v3 =	vperm.xlane v3, v2;
	v4 =	vadd.s32 v1, v4;
	_ =	sdelay $0x1  }
0x25a: {  	v3 =	vadd.s32 v1, v3;
	_ =	sdelay $0x1  }
0x25b: {  	s16 =	simm.s32 $0x2800  }
0x25c: {  	[tilespmem:s16], [sflag:$0x1] =	stream.indirect_vreg.gather [hbm4b:s4+s2], $0x80, v4, vm0, $0xb8;
	[tilespmem:$0x10800] =	vst v63  }
0x25d: {  	s26 =	simm.s32 $0x3000  }
0x25e: {  	[tilespmem:s26], [sflag:$0x1] =	stream.indirect_vreg.gather [hbm4b:s4+s2], $0x80, v3, vm0, $0xb8;
	[tilespmem:$0x10800] =	vst v63  }
0x25f: {  	v3 =	vld [tilespmem:$0x330];
	_ =	sdelay $0x4  }
0x260: {  	v35 =	vshll.u32 v3, $0x1  }
0x261: {  	v3 =	vand.u32 $0x7, v3;
	v4 =	vand.u32 $0xFFFFFFF0, v35  }
0x262: {  	v3 =	vor.u32 v3, v4  }
0x263: {  	v4 =	vperm.xlane v3, v0;
	_ =	sdelay $0x1  }
0x264: {  	v3 =	vperm.xlane v3, v2;
	v4 =	vadd.s32 v1, v4;
	_ =	sdelay $0x1  }
0x265: {  	v3 =	vadd.s32 v1, v3;
	_ =	sdelay $0x1  }
0x266: {  	s21 =	simm.s32 $0x3800  }
0x267: {  	[tilespmem:s21], [sflag:$0x1] =	stream.indirect_vreg.gather [hbm4b:s4+s2], $0x80, v4, vm0, $0xb8;
	[tilespmem:$0x10800] =	vst v63  }
0x268: {  	s21 =	simm.s32 $0x4000  }
0x269: {  	[tilespmem:s21], [sflag:$0x1] =	stream.indirect_vreg.gather [hbm4b:s4+s2], $0x80, v3, vm0, $0xb8;
	[tilespmem:$0x10800] =	vst v63  }
0x26a: {  	v3 =	vld [tilespmem:$0x340];
	_ =	sdelay $0x4  }
0x26b: {  	v36 =	vshll.u32 v3, $0x1  }
0x26c: {  	v3 =	vand.u32 $0x7, v3;
	v4 =	vand.u32 $0xFFFFFFF0, v36  }
0x26d: {  	v3 =	vor.u32 v3, v4  }
0x26e: {  	v4 =	vperm.xlane v3, v0;
	_ =	sdelay $0x1  }
0x26f: {  	v3 =	vperm.xlane v3, v2;
	v4 =	vadd.s32 v1, v4;
	_ =	sdelay $0x1  }
0x270: {  	v3 =	vadd.s32 v1, v3;
	_ =	sdelay $0x1  }
0x271: {  	s26 =	simm.s32 $0x4800  }
0x272: {  	[tilespmem:s26], [sflag:$0x1] =	stream.indirect_vreg.gather [hbm4b:s4+s2], $0x80, v4, vm0, $0xb8;
	[tilespmem:$0x10800] =	vst v63  }
0x273: {  	s22 =	simm.s32 $0x5000  }
0x274: {  	[tilespmem:s22], [sflag:$0x1] =	stream.indirect_vreg.gather [hbm4b:s4+s2], $0x80, v3, vm0, $0xb8;
	[tilespmem:$0x10800] =	vst v63  }
0x275: {  	v3 =	vld [tilespmem:$0x350];
	_ =	sdelay $0x4  }
0x276: {  	v37 =	vshll.u32 v3, $0x1  }
0x277: {  	v3 =	vand.u32 $0x7, v3;
	v4 =	vand.u32 $0xFFFFFFF0, v37  }
0x278: {  	v3 =	vor.u32 v3, v4  }
0x279: {  	v4 =	vperm.xlane v3, v0;
	_ =	sdelay $0x1  }
0x27a: {  	v3 =	vperm.xlane v3, v2;
	v4 =	vadd.s32 v1, v4;
	_ =	sdelay $0x1  }
0x27b: {  	v3 =	vadd.s32 v1, v3;
	_ =	sdelay $0x1  }
0x27c: {  	s28 =	simm.s32 $0x5800  }
0x27d: {  	[tilespmem:s28], [sflag:$0x1] =	stream.indirect_vreg.gather [hbm4b:s4+s2], $0x80, v4, vm0, $0xb8;
	[tilespmem:$0x10800] =	vst v63  }
0x27e: {  	s30 =	simm.s32 $0x6000  }
0x27f: {  	[tilespmem:s30], [sflag:$0x1] =	stream.indirect_vreg.gather [hbm4b:s4+s2], $0x80, v3, vm0, $0xb8;
	[tilespmem:$0x10800] =	vst v63  }
0x280: {  	v3 =	vld [tilespmem:$0x360];
	_ =	sdelay $0x4  }
0x281: {  	v38 =	vshll.u32 v3, $0x1  }
0x282: {  	v3 =	vand.u32 $0x7, v3;
	v4 =	vand.u32 $0xFFFFFFF0, v38  }
0x283: {  	v3 =	vor.u32 v3, v4  }
0x284: {  	v4 =	vperm.xlane v3, v0;
	_ =	sdelay $0x1  }
0x285: {  	v3 =	vperm.xlane v3, v2;
	v4 =	vadd.s32 v1, v4;
	_ =	sdelay $0x1  }
0x286: {  	v3 =	vadd.s32 v1, v3;
	_ =	sdelay $0x1  }
0x287: {  	s30 =	simm.s32 $0x6800  }
0x288: {  	[tilespmem:s30], [sflag:$0x1] =	stream.indirect_vreg.gather [hbm4b:s4+s2], $0x80, v4, vm0, $0xb8;
	[tilespmem:$0x10800] =	vst v63  }
0x289: {  	s17 =	simm.s32 $0x7000  }
0x28a: {  	[tilespmem:s17], [sflag:$0x1] =	stream.indirect_vreg.gather [hbm4b:s4+s2], $0x80, v3, vm0, $0xb8;
	[tilespmem:$0x10800] =	vst v63  }
0x28b: {  	v3 =	vld [tilespmem:$0x370];
	_ =	sdelay $0x4  }
0x28c: {  	v39 =	vshll.u32 v3, $0x1  }
0x28d: {  	v3 =	vand.u32 $0x7, v3;
	v4 =	vand.u32 $0xFFFFFFF0, v39  }
0x28e: {  	v3 =	vor.u32 v3, v4  }
0x28f: {  	v4 =	vperm.xlane v3, v0;
	_ =	sdelay $0x1  }
0x290: {  	v3 =	vperm.xlane v3, v2;
	v4 =	vadd.s32 v1, v4;
	_ =	sdelay $0x1  }
0x291: {  	v3 =	vadd.s32 v1, v3;
	_ =	sdelay $0x1  }
0x292: {  	s16 =	simm.s32 $0x7800  }
0x293: {  	[tilespmem:s16], [sflag:$0x1] =	stream.indirect_vreg.gather [hbm4b:s4+s2], $0x80, v4, vm0, $0xb8;
	[tilespmem:$0x10800] =	vst v63  }
0x294: {  	s29 =	simm.s32 $0x8000  }
0x295: {  	[tilespmem:s29], [sflag:$0x1] =	stream.indirect_vreg.gather [hbm4b:s4+s2], $0x80, v3, vm0, $0xb8;
	[tilespmem:$0x10800] =	vst v63  }
0x296: {  	_ =	swait.ge [sflag:s14], $0x8000  }
0x297: {  	[sflag:s14] =	ssyncset.done $0x0  }
0x298: {  	s17 =	rddreg [dreg:$0x7];
	[sflag:s14] =	ssyncadd.s32 $0xFFFF8000  }
0x299: {  	[hbm4b:s17+s2] =	stream.linear.scatter [tilespmem:s23], [sflag:$0x4], $0x8000, $0x38;
	[tilespmem:$0x10800] =	vst v63  }
0x29a: {  	_ =	swait.ge [sflag:s15], $0x8000  }
0x29b: {  	[sflag:s15] =	ssyncset.done $0x0  }
0x29c: {  	[sflag:s15] =	ssyncadd.s32 $0xFFFF8000  }
0x29d: {  	v3 =	vld [tilespmem:$0x380];
	_ =	sdelay $0x4  }
0x29e: {  	v40 =	vshll.u32 v3, $0x1  }
0x29f: {  	v3 =	vand.u32 $0x7, v3;
	v4 =	vand.u32 $0xFFFFFFF0, v40  }
0x2a0: {  	v3 =	vor.u32 v3, v4  }
0x2a1: {  	v4 =	vperm.xlane v3, v0;
	_ =	sdelay $0x1  }
0x2a2: {  	v3 =	vperm.xlane v3, v2;
	v4 =	vadd.s32 v1, v4;
	_ =	sdelay $0x1  }
0x2a3: {  	v3 =	vadd.s32 v1, v3;
	_ =	sdelay $0x2  }
0x2a4: {  	[tilespmem:s23], [sflag:$0x2] =	stream.indirect_vreg.gather [hbm4b:s4+s2], $0x80, v4, vm0, $0xb8;
	[tilespmem:$0x10800] =	vst v63  }
0x2a5: {  	s29 =	simm.s32 $0x9000  }
0x2a6: {  	[tilespmem:s29], [sflag:$0x2] =	stream.indirect_vreg.gather [hbm4b:s4+s2], $0x80, v3, vm0, $0xb8;
	[tilespmem:$0x10800] =	vst v63  }
0x2a7: {  	v3 =	vld [tilespmem:$0x390];
	_ =	sdelay $0x4  }
0x2a8: {  	v41 =	vshll.u32 v3, $0x1  }
0x2a9: {  	v3 =	vand.u32 $0x7, v3;
	v4 =	vand.u32 $0xFFFFFFF0, v41  }
0x2aa: {  	v3 =	vor.u32 v3, v4  }
0x2ab: {  	v4 =	vperm.xlane v3, v0;
	_ =	sdelay $0x1  }
0x2ac: {  	v3 =	vperm.xlane v3, v2;
	v4 =	vadd.s32 v1, v4;
	_ =	sdelay $0x1  }
0x2ad: {  	v3 =	vadd.s32 v1, v3;
	_ =	sdelay $0x1  }
0x2ae: {  	s24 =	simm.s32 $0x9800  }
0x2af: {  	[tilespmem:s24], [sflag:$0x2] =	stream.indirect_vreg.gather [hbm4b:s4+s2], $0x80, v4, vm0, $0xb8;
	[tilespmem:$0x10800] =	vst v63  }
0x2b0: {  	s0 =	simm.s32 $0xA000  }
0x2b1: {  	[tilespmem:s0], [sflag:$0x2] =	stream.indirect_vreg.gather [hbm4b:s4+s2], $0x80, v3, vm0, $0xb8;
	[tilespmem:$0x10800] =	vst v63  }
0x2b2: {  	v3 =	vld [tilespmem:$0x3A0];
	_ =	sdelay $0x4  }
0x2b3: {  	v42 =	vshll.u32 v3, $0x1  }
0x2b4: {  	v3 =	vand.u32 $0x7, v3;
	v4 =	vand.u32 $0xFFFFFFF0, v42  }
0x2b5: {  	v3 =	vor.u32 v3, v4  }
0x2b6: {  	v4 =	vperm.xlane v3, v0;
	_ =	sdelay $0x1  }
0x2b7: {  	v3 =	vperm.xlane v3, v2;
	v4 =	vadd.s32 v1, v4;
	_ =	sdelay $0x1  }
0x2b8: {  	v3 =	vadd.s32 v1, v3;
	_ =	sdelay $0x1  }
0x2b9: {  	s1 =	simm.s32 $0xA800  }
0x2ba: {  	[tilespmem:s1], [sflag:$0x2] =	stream.indirect_vreg.gather [hbm4b:s4+s2], $0x80, v4, vm0, $0xb8;
	[tilespmem:$0x10800] =	vst v63  }
0x2bb: {  	s3 =	simm.s32 $0xB000  }
0x2bc: {  	[tilespmem:s3], [sflag:$0x2] =	stream.indirect_vreg.gather [hbm4b:s4+s2], $0x80, v3, vm0, $0xb8;
	[tilespmem:$0x10800] =	vst v63  }
0x2bd: {  	v3 =	vld [tilespmem:$0x3B0];
	_ =	sdelay $0x4  }
0x2be: {  	v43 =	vshll.u32 v3, $0x1  }
0x2bf: {  	v3 =	vand.u32 $0x7, v3;
	v4 =	vand.u32 $0xFFFFFFF0, v43  }
0x2c0: {  	v3 =	vor.u32 v3, v4  }
0x2c1: {  	v4 =	vperm.xlane v3, v0;
	_ =	sdelay $0x1  }
0x2c2: {  	v3 =	vperm.xlane v3, v2;
	v4 =	vadd.s32 v1, v4;
	_ =	sdelay $0x1  }
0x2c3: {  	v3 =	vadd.s32 v1, v3;
	_ =	sdelay $0x1  }
0x2c4: {  	s20 =	simm.s32 $0xB800  }
0x2c5: {  	[tilespmem:s20], [sflag:$0x2] =	stream.indirect_vreg.gather [hbm4b:s4+s2], $0x80, v4, vm0, $0xb8;
	[tilespmem:$0x10800] =	vst v63  }
0x2c6: {  	s31 =	simm.s32 $0xC000  }
0x2c7: {  	[tilespmem:s31], [sflag:$0x2] =	stream.indirect_vreg.gather [hbm4b:s4+s2], $0x80, v3, vm0, $0xb8;
	[tilespmem:$0x10800] =	vst v63  }
0x2c8: {  	v3 =	vld [tilespmem:$0x3C0];
	_ =	sdelay $0x4  }
0x2c9: {  	v44 =	vshll.u32 v3, $0x1  }
0x2ca: {  	v3 =	vand.u32 $0x7, v3;
	v4 =	vand.u32 $0xFFFFFFF0, v44  }
0x2cb: {  	v3 =	vor.u32 v3, v4  }
0x2cc: {  	v4 =	vperm.xlane v3, v0;
	_ =	sdelay $0x1  }
0x2cd: {  	v3 =	vperm.xlane v3, v2;
	v4 =	vadd.s32 v1, v4;
	_ =	sdelay $0x1  }
0x2ce: {  	v3 =	vadd.s32 v1, v3;
	_ =	sdelay $0x1  }
0x2cf: {  	s7 =	simm.s32 $0xC800  }
0x2d0: {  	[tilespmem:s7], [sflag:$0x2] =	stream.indirect_vreg.gather [hbm4b:s4+s2], $0x80, v4, vm0, $0xb8;
	[tilespmem:$0x10800] =	vst v63  }
0x2d1: {  	s31 =	simm.s32 $0xD000  }
0x2d2: {  	[tilespmem:s31], [sflag:$0x2] =	stream.indirect_vreg.gather [hbm4b:s4+s2], $0x80, v3, vm0, $0xb8;
	[tilespmem:$0x10800] =	vst v63  }
0x2d3: {  	v3 =	vld [tilespmem:$0x3D0];
	_ =	sdelay $0x4  }
0x2d4: {  	v45 =	vshll.u32 v3, $0x1  }
0x2d5: {  	v3 =	vand.u32 $0x7, v3;
	v4 =	vand.u32 $0xFFFFFFF0, v45  }
0x2d6: {  	v3 =	vor.u32 v3, v4  }
0x2d7: {  	v4 =	vperm.xlane v3, v0;
	_ =	sdelay $0x1  }
0x2d8: {  	v3 =	vperm.xlane v3, v2;
	v4 =	vadd.s32 v1, v4;
	_ =	sdelay $0x1  }
0x2d9: {  	v3 =	vadd.s32 v1, v3;
	_ =	sdelay $0x1  }
0x2da: {  	s11 =	simm.s32 $0xD800  }
0x2db: {  	[tilespmem:s11], [sflag:$0x2] =	stream.indirect_vreg.gather [hbm4b:s4+s2], $0x80, v4, vm0, $0xb8;
	[tilespmem:$0x10800] =	vst v63  }
0x2dc: {  	s16 =	simm.s32 $0xE000  }
0x2dd: {  	[tilespmem:s16], [sflag:$0x2] =	stream.indirect_vreg.gather [hbm4b:s4+s2], $0x80, v3, vm0, $0xb8;
	[tilespmem:$0x10800] =	vst v63  }
0x2de: {  	v3 =	vld [tilespmem:$0x3E0];
	_ =	sdelay $0x4  }
0x2df: {  	v46 =	vshll.u32 v3, $0x1  }
0x2e0: {  	v3 =	vand.u32 $0x7, v3;
	v4 =	vand.u32 $0xFFFFFFF0, v46  }
0x2e1: {  	v3 =	vor.u32 v3, v4  }
0x2e2: {  	v4 =	vperm.xlane v3, v0;
	_ =	sdelay $0x1  }
0x2e3: {  	v3 =	vperm.xlane v3, v2;
	v4 =	vadd.s32 v1, v4;
	_ =	sdelay $0x1  }
0x2e4: {  	v3 =	vadd.s32 v1, v3;
	_ =	sdelay $0x1  }
0x2e5: {  	s19 =	simm.s32 $0xE800  }
0x2e6: {  	[tilespmem:s19], [sflag:$0x2] =	stream.indirect_vreg.gather [hbm4b:s4+s2], $0x80, v4, vm0, $0xb8;
	[tilespmem:$0x10800] =	vst v63  }
0x2e7: {  	s19 =	simm.s32 $0xF000  }
0x2e8: {  	[tilespmem:s19], [sflag:$0x2] =	stream.indirect_vreg.gather [hbm4b:s4+s2], $0x80, v3, vm0, $0xb8;
	[tilespmem:$0x10800] =	vst v63  }
0x2e9: {  	v3 =	vld [tilespmem:$0x3F0];
	_ =	sdelay $0x4  }
0x2ea: {  	v47 =	vshll.u32 v3, $0x1  }
0x2eb: {  	v3 =	vand.u32 $0x7, v3;
	v4 =	vand.u32 $0xFFFFFFF0, v47  }
0x2ec: {  	v3 =	vor.u32 v3, v4  }
0x2ed: {  	v4 =	vperm.xlane v3, v0;
	_ =	sdelay $0x1  }
0x2ee: {  	v3 =	vperm.xlane v3, v2;
	v4 =	vadd.s32 v1, v4;
	_ =	sdelay $0x1  }
0x2ef: {  	v3 =	vadd.s32 v1, v3;
	_ =	sdelay $0x1  }
0x2f0: {  	s8 =	simm.s32 $0xF800  }
0x2f1: {  	[tilespmem:s8], [sflag:$0x2] =	stream.indirect_vreg.gather [hbm4b:s4+s2], $0x80, v4, vm0, $0xb8;
	[tilespmem:$0x10800] =	vst v63  }
0x2f2: {  	s16 =	simm.s32 $0x10000  }
0x2f3: {  	[tilespmem:s16], [sflag:$0x2] =	stream.indirect_vreg.gather [hbm4b:s4+s2], $0x80, v3, vm0, $0xb8;
	[tilespmem:$0x10800] =	vst v63  }
0x2f4: {  	_ =	swait.ge [sflag:s12], $0x8000  }
0x2f5: {  	[sflag:s12] =	ssyncset.done $0x0  }
0x2f6: {  	s16 =	rddreg [dreg:$0x8];
	[sflag:s12] =	ssyncadd.s32 $0xFFFF8000  }
0x2f7: {  	[hbm4b:s16+s2] =	stream.linear.scatter [tilespmem:s18], [sflag:$0x3], $0x8000, $0x38;
	[tilespmem:$0x10800] =	vst v63  }
0x2f8: {  	_ =	swait.ge [sflag:s13], $0x8000  }
0x2f9: {  	[sflag:s13] =	ssyncset.done $0x0  }
0x2fa: {  	[sflag:s13] =	ssyncadd.s32 $0xFFFF8000  }
0x2fb: {  	v3 =	vld [tilespmem:$0x400];
	_ =	sdelay $0x4  }
0x2fc: {  	v48 =	vshll.u32 v3, $0x1  }
0x2fd: {  	v3 =	vand.u32 $0x7, v3;
	v4 =	vand.u32 $0xFFFFFFF0, v48  }
0x2fe: {  	v3 =	vor.u32 v3, v4  }
0x2ff: {  	v4 =	vperm.xlane v3, v0;
	_ =	sdelay $0x1  }
0x300: {  	v3 =	vperm.xlane v3, v2;
	v4 =	vadd.s32 v1, v4;
	_ =	sdelay $0x1  }
0x301: {  	v3 =	vadd.s32 v1, v3;
	_ =	sdelay $0x2  }
0x302: {  	[tilespmem:s18], [sflag:$0x1] =	stream.indirect_vreg.gather [hbm4b:s4+s2], $0x80, v4, vm0, $0xb8;
	[tilespmem:$0x10800] =	vst v63  }
0x303: {  	s16 =	simm.s32 $0x1000  }
0x304: {  	[tilespmem:s16], [sflag:$0x1] =	stream.indirect_vreg.gather [hbm4b:s4+s2], $0x80, v3, vm0, $0xb8;
	[tilespmem:$0x10800] =	vst v63  }
0x305: {  	v3 =	vld [tilespmem:$0x410];
	_ =	sdelay $0x4  }
0x306: {  	v49 =	vshll.u32 v3, $0x1  }
0x307: {  	v3 =	vand.u32 $0x7, v3;
	v4 =	vand.u32 $0xFFFFFFF0, v49  }
0x308: {  	v3 =	vor.u32 v3, v4  }
0x309: {  	v4 =	vperm.xlane v3, v0;
	_ =	sdelay $0x1  }
0x30a: {  	v3 =	vperm.xlane v3, v2;
	v4 =	vadd.s32 v1, v4;
	_ =	sdelay $0x1  }
0x30b: {  	v3 =	vadd.s32 v1, v3;
	_ =	sdelay $0x1  }
0x30c: {  	s16 =	simm.s32 $0x1800  }
0x30d: {  	[tilespmem:s16], [sflag:$0x1] =	stream.indirect_vreg.gather [hbm4b:s4+s2], $0x80, v4, vm0, $0xb8;
	[tilespmem:$0x10800] =	vst v63  }
0x30e: {  	s6 =	simm.s32 $0x2000  }
0x30f: {  	[tilespmem:s6], [sflag:$0x1] =	stream.indirect_vreg.gather [hbm4b:s4+s2], $0x80, v3, vm0, $0xb8;
	[tilespmem:$0x10800] =	vst v63  }
0x310: {  	v3 =	vld [tilespmem:$0x420];
	_ =	sdelay $0x4  }
0x311: {  	v50 =	vshll.u32 v3, $0x1  }
0x312: {  	v3 =	vand.u32 $0x7, v3;
	v4 =	vand.u32 $0xFFFFFFF0, v50  }
0x313: {  	v3 =	vor.u32 v3, v4  }
0x314: {  	v4 =	vperm.xlane v3, v0;
	_ =	sdelay $0x1  }
0x315: {  	v3 =	vperm.xlane v3, v2;
	v4 =	vadd.s32 v1, v4;
	_ =	sdelay $0x1  }
0x316: {  	v3 =	vadd.s32 v1, v3;
	_ =	sdelay $0x1  }
0x317: {  	s16 =	simm.s32 $0x2800  }
0x318: {  	[tilespmem:s16], [sflag:$0x1] =	stream.indirect_vreg.gather [hbm4b:s4+s2], $0x80, v4, vm0, $0xb8;
	[tilespmem:$0x10800] =	vst v63  }
0x319: {  	s25 =	simm.s32 $0x3000  }
0x31a: {  	[tilespmem:s25], [sflag:$0x1] =	stream.indirect_vreg.gather [hbm4b:s4+s2], $0x80, v3, vm0, $0xb8;
	[tilespmem:$0x10800] =	vst v63  }
0x31b: {  	v3 =	vld [tilespmem:$0x430];
	_ =	sdelay $0x4  }
0x31c: {  	v51 =	vshll.u32 v3, $0x1  }
0x31d: {  	v3 =	vand.u32 $0x7, v3;
	v4 =	vand.u32 $0xFFFFFFF0, v51  }
0x31e: {  	v3 =	vor.u32 v3, v4  }
0x31f: {  	v4 =	vperm.xlane v3, v0;
	_ =	sdelay $0x1  }
0x320: {  	v3 =	vperm.xlane v3, v2;
	v4 =	vadd.s32 v1, v4;
	_ =	sdelay $0x1  }
0x321: {  	v3 =	vadd.s32 v1, v3;
	_ =	sdelay $0x1  }
0x322: {  	s10 =	simm.s32 $0x3800  }
0x323: {  	[tilespmem:s10], [sflag:$0x1] =	stream.indirect_vreg.gather [hbm4b:s4+s2], $0x80, v4, vm0, $0xb8;
	[tilespmem:$0x10800] =	vst v63  }
0x324: {  	s10 =	simm.s32 $0x4000  }
0x325: {  	[tilespmem:s10], [sflag:$0x1] =	stream.indirect_vreg.gather [hbm4b:s4+s2], $0x80, v3, vm0, $0xb8;
	[tilespmem:$0x10800] =	vst v63  }
0x326: {  	v3 =	vld [tilespmem:$0x440];
	_ =	sdelay $0x4  }
0x327: {  	v52 =	vshll.u32 v3, $0x1  }
0x328: {  	v3 =	vand.u32 $0x7, v3;
	v4 =	vand.u32 $0xFFFFFFF0, v52  }
0x329: {  	v3 =	vor.u32 v3, v4  }
0x32a: {  	v4 =	vperm.xlane v3, v0;
	_ =	sdelay $0x1  }
0x32b: {  	v3 =	vperm.xlane v3, v2;
	v4 =	vadd.s32 v1, v4;
	_ =	sdelay $0x1  }
0x32c: {  	v3 =	vadd.s32 v1, v3;
	_ =	sdelay $0x1  }
0x32d: {  	s16 =	simm.s32 $0x4800  }
0x32e: {  	[tilespmem:s16], [sflag:$0x1] =	stream.indirect_vreg.gather [hbm4b:s4+s2], $0x80, v4, vm0, $0xb8;
	[tilespmem:$0x10800] =	vst v63  }
0x32f: {  	s21 =	simm.s32 $0x5000  }
0x330: {  	[tilespmem:s21], [sflag:$0x1] =	stream.indirect_vreg.gather [hbm4b:s4+s2], $0x80, v3, vm0, $0xb8;
	[tilespmem:$0x10800] =	vst v63  }
0x331: {  	v3 =	vld [tilespmem:$0x450];
	_ =	sdelay $0x4  }
0x332: {  	v53 =	vshll.u32 v3, $0x1  }
0x333: {  	v3 =	vand.u32 $0x7, v3;
	v4 =	vand.u32 $0xFFFFFFF0, v53  }
0x334: {  	v3 =	vor.u32 v3, v4  }
0x335: {  	v4 =	vperm.xlane v3, v0;
	_ =	sdelay $0x1  }
0x336: {  	v3 =	vperm.xlane v3, v2;
	v4 =	vadd.s32 v1, v4;
	_ =	sdelay $0x1  }
0x337: {  	v3 =	vadd.s32 v1, v3;
	_ =	sdelay $0x1  }
0x338: {  	s22 =	simm.s32 $0x5800  }
0x339: {  	[tilespmem:s22], [sflag:$0x1] =	stream.indirect_vreg.gather [hbm4b:s4+s2], $0x80, v4, vm0, $0xb8;
	[tilespmem:$0x10800] =	vst v63  }
0x33a: {  	s26 =	simm.s32 $0x6000  }
0x33b: {  	[tilespmem:s26], [sflag:$0x1] =	stream.indirect_vreg.gather [hbm4b:s4+s2], $0x80, v3, vm0, $0xb8;
	[tilespmem:$0x10800] =	vst v63  }
0x33c: {  	v3 =	vld [tilespmem:$0x460];
	_ =	sdelay $0x4  }
0x33d: {  	v54 =	vshll.u32 v3, $0x1  }
0x33e: {  	v3 =	vand.u32 $0x7, v3;
	v4 =	vand.u32 $0xFFFFFFF0, v54  }
0x33f: {  	v3 =	vor.u32 v3, v4  }
0x340: {  	v4 =	vperm.xlane v3, v0;
	_ =	sdelay $0x1  }
0x341: {  	v3 =	vperm.xlane v3, v2;
	v4 =	vadd.s32 v1, v4;
	_ =	sdelay $0x1  }
0x342: {  	v3 =	vadd.s32 v1, v3;
	_ =	sdelay $0x1  }
0x343: {  	s22 =	simm.s32 $0x6800  }
0x344: {  	[tilespmem:s22], [sflag:$0x1] =	stream.indirect_vreg.gather [hbm4b:s4+s2], $0x80, v4, vm0, $0xb8;
	[tilespmem:$0x10800] =	vst v63  }
0x345: {  	s28 =	simm.s32 $0x7000  }
0x346: {  	[tilespmem:s28], [sflag:$0x1] =	stream.indirect_vreg.gather [hbm4b:s4+s2], $0x80, v3, vm0, $0xb8;
	[tilespmem:$0x10800] =	vst v63  }
0x347: {  	v3 =	vld [tilespmem:$0x470];
	_ =	sdelay $0x4  }
0x348: {  	v55 =	vshll.u32 v3, $0x1  }
0x349: {  	v3 =	vand.u32 $0x7, v3;
	v4 =	vand.u32 $0xFFFFFFF0, v55  }
0x34a: {  	v3 =	vor.u32 v3, v4  }
0x34b: {  	v4 =	vperm.xlane v3, v0;
	_ =	sdelay $0x1  }
0x34c: {  	v3 =	vperm.xlane v3, v2;
	v4 =	vadd.s32 v1, v4;
	_ =	sdelay $0x1  }
0x34d: {  	v3 =	vadd.s32 v1, v3;
	_ =	sdelay $0x1  }
0x34e: {  	s25 =	simm.s32 $0x7800  }
0x34f: {  	[tilespmem:s25], [sflag:$0x1] =	stream.indirect_vreg.gather [hbm4b:s4+s2], $0x80, v4, vm0, $0xb8;
	[tilespmem:$0x10800] =	vst v63  }
0x350: {  	s30 =	simm.s32 $0x8000  }
0x351: {  	[tilespmem:s30], [sflag:$0x1] =	stream.indirect_vreg.gather [hbm4b:s4+s2], $0x80, v3, vm0, $0xb8;
	[tilespmem:$0x10800] =	vst v63  }
0x352: {  	_ =	swait.ge [sflag:s14], $0x8000  }
0x353: {  	[sflag:s14] =	ssyncset.done $0x0  }
0x354: {  	s26 =	rddreg [dreg:$0x9];
	[sflag:s14] =	ssyncadd.s32 $0xFFFF8000  }
0x355: {  	[hbm4b:s26+s2] =	stream.linear.scatter [tilespmem:s23], [sflag:$0x4], $0x8000, $0x38;
	[tilespmem:$0x10800] =	vst v63  }
0x356: {  	_ =	swait.ge [sflag:s15], $0x8000  }
0x357: {  	[sflag:s15] =	ssyncset.done $0x0  }
0x358: {  	[sflag:s15] =	ssyncadd.s32 $0xFFFF8000  }
0x359: {  	v3 =	vld [tilespmem:$0x480];
	_ =	sdelay $0x4  }
0x35a: {  	v56 =	vshll.u32 v3, $0x1  }
0x35b: {  	v3 =	vand.u32 $0x7, v3;
	v4 =	vand.u32 $0xFFFFFFF0, v56  }
0x35c: {  	v3 =	vor.u32 v3, v4  }
0x35d: {  	v4 =	vperm.xlane v3, v0;
	_ =	sdelay $0x1  }
0x35e: {  	v3 =	vperm.xlane v3, v2;
	v4 =	vadd.s32 v1, v4;
	_ =	sdelay $0x1  }
0x35f: {  	v3 =	vadd.s32 v1, v3;
	_ =	sdelay $0x2  }
0x360: {  	[tilespmem:s23], [sflag:$0x2] =	stream.indirect_vreg.gather [hbm4b:s4+s2], $0x80, v4, vm0, $0xb8;
	[tilespmem:$0x10800] =	vst v63  }
0x361: {  	s28 =	simm.s32 $0x9000  }
0x362: {  	[tilespmem:s28], [sflag:$0x2] =	stream.indirect_vreg.gather [hbm4b:s4+s2], $0x80, v3, vm0, $0xb8;
	[tilespmem:$0x10800] =	vst v63  }
0x363: {  	v3 =	vld [tilespmem:$0x490];
	_ =	sdelay $0x4  }
0x364: {  	v57 =	vshll.u32 v3, $0x1  }
0x365: {  	v3 =	vand.u32 $0x7, v3;
	v4 =	vand.u32 $0xFFFFFFF0, v57  }
0x366: {  	v3 =	vor.u32 v3, v4  }
0x367: {  	v4 =	vperm.xlane v3, v0;
	_ =	sdelay $0x1  }
0x368: {  	v3 =	vperm.xlane v3, v2;
	v4 =	vadd.s32 v1, v4;
	_ =	sdelay $0x1  }
0x369: {  	v3 =	vadd.s32 v1, v3;
	_ =	sdelay $0x1  }
0x36a: {  	s17 =	simm.s32 $0x9800  }
0x36b: {  	[tilespmem:s17], [sflag:$0x2] =	stream.indirect_vreg.gather [hbm4b:s4+s2], $0x80, v4, vm0, $0xb8;
	[tilespmem:$0x10800] =	vst v63  }
0x36c: {  	s9 =	simm.s32 $0xA000  }
0x36d: {  	[tilespmem:s9], [sflag:$0x2] =	stream.indirect_vreg.gather [hbm4b:s4+s2], $0x80, v3, vm0, $0xb8;
	[tilespmem:$0x10800] =	vst v63  }
0x36e: {  	v3 =	vld [tilespmem:$0x4A0];
	_ =	sdelay $0x4  }
0x36f: {  	v58 =	vshll.u32 v3, $0x1  }
0x370: {  	v3 =	vand.u32 $0x7, v3;
	v4 =	vand.u32 $0xFFFFFFF0, v58  }
0x371: {  	v3 =	vor.u32 v3, v4  }
0x372: {  	v4 =	vperm.xlane v3, v0;
	_ =	sdelay $0x1  }
0x373: {  	v3 =	vperm.xlane v3, v2;
	v4 =	vadd.s32 v1, v4;
	_ =	sdelay $0x1  }
0x374: {  	v3 =	vadd.s32 v1, v3;
	_ =	sdelay $0x1  }
0x375: {  	s0 =	simm.s32 $0xA800  }
0x376: {  	[tilespmem:s0], [sflag:$0x2] =	stream.indirect_vreg.gather [hbm4b:s4+s2], $0x80, v4, vm0, $0xb8;
	[tilespmem:$0x10800] =	vst v63  }
0x377: {  	s1 =	simm.s32 $0xB000  }
0x378: {  	[tilespmem:s1], [sflag:$0x2] =	stream.indirect_vreg.gather [hbm4b:s4+s2], $0x80, v3, vm0, $0xb8;
	[tilespmem:$0x10800] =	vst v63  }
0x379: {  	v3 =	vld [tilespmem:$0x4B0];
	_ =	sdelay $0x4  }
0x37a: {  	v59 =	vshll.u32 v3, $0x1  }
0x37b: {  	v3 =	vand.u32 $0x7, v3;
	v4 =	vand.u32 $0xFFFFFFF0, v59  }
0x37c: {  	v3 =	vor.u32 v3, v4  }
0x37d: {  	v4 =	vperm.xlane v3, v0;
	_ =	sdelay $0x1  }
0x37e: {  	v3 =	vperm.xlane v3, v2;
	v4 =	vadd.s32 v1, v4;
	_ =	sdelay $0x1  }
0x37f: {  	v3 =	vadd.s32 v1, v3;
	_ =	sdelay $0x1  }
0x380: {  	s29 =	simm.s32 $0xB800  }
0x381: {  	[tilespmem:s29], [sflag:$0x2] =	stream.indirect_vreg.gather [hbm4b:s4+s2], $0x80, v4, vm0, $0xb8;
	[tilespmem:$0x10800] =	vst v63  }
0x382: {  	s20 =	simm.s32 $0xC000  }
0x383: {  	[tilespmem:s20], [sflag:$0x2] =	stream.indirect_vreg.gather [hbm4b:s4+s2], $0x80, v3, vm0, $0xb8;
	[tilespmem:$0x10800] =	vst v63  }
0x384: {  	v3 =	vld [tilespmem:$0x4C0];
	_ =	sdelay $0x4  }
0x385: {  	v60 =	vshll.u32 v3, $0x1  }
0x386: {  	v3 =	vand.u32 $0x7, v3;
	v4 =	vand.u32 $0xFFFFFFF0, v60  }
0x387: {  	v3 =	vor.u32 v3, v4  }
0x388: {  	v4 =	vperm.xlane v3, v0;
	_ =	sdelay $0x1  }
0x389: {  	v3 =	vperm.xlane v3, v2;
	v4 =	vadd.s32 v1, v4;
	_ =	sdelay $0x1  }
0x38a: {  	v3 =	vadd.s32 v1, v3;
	_ =	sdelay $0x1  }
0x38b: {  	s3 =	simm.s32 $0xC800  }
0x38c: {  	[tilespmem:s3], [sflag:$0x2] =	stream.indirect_vreg.gather [hbm4b:s4+s2], $0x80, v4, vm0, $0xb8;
	[tilespmem:$0x10800] =	vst v63  }
0x38d: {  	s31 =	simm.s32 $0xD000  }
0x38e: {  	[tilespmem:s31], [sflag:$0x2] =	stream.indirect_vreg.gather [hbm4b:s4+s2], $0x80, v3, vm0, $0xb8;
	[tilespmem:$0x10800] =	vst v63  }
0x38f: {  	v3 =	vld [tilespmem:$0x4D0];
	_ =	sdelay $0x4  }
0x390: {  	v61 =	vshll.u32 v3, $0x1  }
0x391: {  	v3 =	vand.u32 $0x7, v3;
	v4 =	vand.u32 $0xFFFFFFF0, v61  }
0x392: {  	v3 =	vor.u32 v3, v4  }
0x393: {  	v4 =	vperm.xlane v3, v0;
	_ =	sdelay $0x1  }
0x394: {  	v3 =	vperm.xlane v3, v2;
	v4 =	vadd.s32 v1, v4;
	_ =	sdelay $0x1  }
0x395: {  	v3 =	vadd.s32 v1, v3;
	_ =	sdelay $0x1  }
0x396: {  	s7 =	simm.s32 $0xD800  }
0x397: {  	[tilespmem:s7], [sflag:$0x2] =	stream.indirect_vreg.gather [hbm4b:s4+s2], $0x80, v4, vm0, $0xb8;
	[tilespmem:$0x10800] =	vst v63  }
0x398: {  	s29 =	simm.s32 $0xE000  }
0x399: {  	[tilespmem:s29], [sflag:$0x2] =	stream.indirect_vreg.gather [hbm4b:s4+s2], $0x80, v3, vm0, $0xb8;
	[tilespmem:$0x10800] =	vst v63  }
0x39a: {  	v3 =	vld [tilespmem:$0x4E0];
	_ =	sdelay $0x4  }
0x39b: {  	v62 =	vshll.u32 v3, $0x1  }
0x39c: {  	v3 =	vand.u32 $0x7, v3;
	v4 =	vand.u32 $0xFFFFFFF0, v62  }
0x39d: {  	v3 =	vor.u32 v3, v4  }
0x39e: {  	v4 =	vperm.xlane v3, v0;
	_ =	sdelay $0x1  }
0x39f: {  	v3 =	vperm.xlane v3, v2;
	v4 =	vadd.s32 v1, v4;
	_ =	sdelay $0x1  }
0x3a0: {  	v3 =	vadd.s32 v1, v3;
	_ =	sdelay $0x1  }
0x3a1: {  	s24 =	simm.s32 $0xE800  }
0x3a2: {  	[tilespmem:s24], [sflag:$0x2] =	stream.indirect_vreg.gather [hbm4b:s4+s2], $0x80, v4, vm0, $0xb8;
	[tilespmem:$0x10800] =	vst v63  }
0x3a3: {  	s19 =	simm.s32 $0xF000  }
0x3a4: {  	[tilespmem:s19], [sflag:$0x2] =	stream.indirect_vreg.gather [hbm4b:s4+s2], $0x80, v3, vm0, $0xb8;
	[tilespmem:$0x10800] =	vst v63  }
0x3a5: {  	v3 =	vld [tilespmem:$0x4F0];
	_ =	sdelay $0x4  }
0x3a6: {  	v63 =	vshll.u32 v3, $0x1  }
0x3a7: {  	v3 =	vand.u32 $0x7, v3;
	v4 =	vand.u32 $0xFFFFFFF0, v63  }
0x3a8: {  	v3 =	vor.u32 v3, v4  }
0x3a9: {  	v4 =	vperm.xlane v3, v0;
	_ =	sdelay $0x1  }
0x3aa: {  	v3 =	vperm.xlane v3, v2;
	v4 =	vadd.s32 v1, v4;
	_ =	sdelay $0x1  }
0x3ab: {  	v3 =	vadd.s32 v1, v3;
	_ =	sdelay $0x1  }
0x3ac: {  	s11 =	simm.s32 $0xF800  }
0x3ad: {  	[tilespmem:s11], [sflag:$0x2] =	stream.indirect_vreg.gather [hbm4b:s4+s2], $0x80, v4, vm0, $0xb8;
	[tilespmem:$0x10800] =	vst v63  }
0x3ae: {  	s8 =	simm.s32 $0x10000  }
0x3af: {  	[tilespmem:s8], [sflag:$0x2] =	stream.indirect_vreg.gather [hbm4b:s4+s2], $0x80, v3, vm0, $0xb8;
	[tilespmem:$0x10800] =	vst v63  }
0x3b0: {  	_ =	swait.ge [sflag:s12], $0x8000  }
0x3b1: {  	[sflag:s12] =	ssyncset.done $0x0  }
0x3b2: {  	s30 =	rddreg [dreg:$0xa];
	[sflag:s12] =	ssyncadd.s32 $0xFFFF8000  }
0x3b3: {  	[hbm4b:s30+s2] =	stream.linear.scatter [tilespmem:s18], [sflag:$0x3], $0x8000, $0x38;
	[tilespmem:$0x10800] =	vst v63  }
0x3b4: {  	_ =	swait.ge [sflag:s14], $0x8000  }
0x3b5: {  	[sflag:s14] =	ssyncset.done $0x0  }
0x3b6: {  	s31 =	rddreg [dreg:$0xb];
	[sflag:s14] =	ssyncadd.s32 $0xFFFF8000  }
0x3b7: {  	[hbm4b:s31+s2] =	stream.linear.scatter [tilespmem:s23], [sflag:$0x4], $0x8000, $0x38;
	[tilespmem:$0x10800] =	vst v63  }
0x3b8: {  	p0 =	sne.s32 s5, $0x1;
	_ =	swait.ge [sflag:s13], $0x8000  }
.Ltmp0:
0x3b9: {  	[sflag:s13] =	ssyncset.done $0x0;
	(pc) =	sbr.rel @p0 .LBB2_1-.Ltmp0, $4  }
0x3ba: {  	[sflag:s13] =	ssyncadd.s32 $0xFFFF8000  }
0x3bb: {  	_ =	swait.ge [sflag:s15], $0x8000  }
0x3bc: {  	[sflag:s15] =	ssyncset.done $0x0  }
0x3bd: {  	s5 =	sadd.s32 $0xFFFFFFFF, s5;
	[sflag:s15] =	ssyncadd.s32 $0xFFFF8000  }
0x3be: {  	_ =	sfence.sel $0x180000  }
0x3bf: {  	[bflag:$0x0] =	sbarrier.arrive $0xFFFF  }
0x3c0: {  	_ =	strace $0x9000004A  }
0x3c1: {  	s0 =	stileid.u32;
	[bflag:$0x2] =	sbarrier.arrive $0xFFFF  }
0x3c2: {  	p0 =	sne.s32 s0, $0x0;
	s0 =	rddreg [dreg:$0x1]  }
0x3c3: {  	s0 =	sadd.s32 @!p0 $0x100000, s0  }
0x3c4: {  	[sflag:s0] =	ssyncadd.tile.s32 @!p0 $0x1;
	_ =	shalt  }
.Lfunc_end2:
_tile_overlayer_lowered:
.L_overlay_start_2:
0x3c5: {  	(tag) =	ssettag $0x2  }
0x3c6: {  	s0 =	rddreg [dreg:$0x0];
	s2 =	stileid.u32  }
0x3c7: {  	s1 =	rddreg [dreg:$0x1];
	p0 =	sne.s32 s2, $0x0  }
0x3c8: {  	s3 =	rddreg [dreg:$0x2];
	[bflag:$0x3] =	sbarrier.arrive $0xFFFF;
	s2 =	simm.s32 @!p0 $0x1C05  }
0x3c9: {  	[timem:s3], [sflag:s2] =	dma.local @!p0 [hbm:s0], s1  }
0x3ca: {  	s0 =	simm.s32 @!p0 $0x5  }
0x3cb: {  	_ =	swait.ge @!p0 [sflag:s0], s1  }
0x3cc: {  	s1 =	ssub.s32 @!p0 $0x0, s1;
	[sflag:s0] =	ssyncset.done @!p0 $0x0  }
0x3cd: {  	[sflag:s0] =	ssyncadd.s32 @!p0 s1  }
0x3ce: {  	[bflag:$0x3] =	sbarrier.arrive $0xFFFF  }
0x3cf: {  	_ =	shalt  }

// kernel: kernel.7.cloned.1.call-start
scs
__scs_entry_jumppad:
0x0: {  	(pc) =	sbr.rel $0x88, $3  }
0x1: {  	(tag) =	ssettag $0x0;
	lr =	simm.s32 $0x1  }
0x2: {  	[smem:$0x3F9B] =	sst lr;
	_ =	strace $0xD0000000  }
0x3: {  	_ = 	snop  }
0x4: {  	_ = 	snop  }
0x5: {  	_ = 	snop  }
0x6: {  	_ = 	snop  }
0x7: {  	_ = 	snop  }
__scs_overlays_trampoline_lowered:
0x8: {  	[smem:$0x3FAA] =	sst s0  }
0x9: {  	[smem:$0x3FAB] =	sst s1  }
0xa: {  	[smem:$0x3FAC] =	sst s2  }
0xb: {  	[smem:$0x3FAD] =	sst s3  }
0xc: {  	[smem:$0x3FAE] =	sst s4  }
0xd: {  	[smem:$0x3FAF] =	sst s5  }
0xe: {  	[smem:$0x3FB0] =	sst s6  }
0xf: {  	[smem:$0x3FB1] =	sst s7  }
0x10: {  	[smem:$0x3FB2] =	sst s8  }
0x11: {  	[smem:$0x3FB3] =	sst s9;
	s0 =	simm.s32 @!p0 $0x0  }
0x12: {  	s1 =	sld [smem:$0x3F99];
	s0 =	simm.s32 @p0 $0x1  }
0x13: {  	[smem:$0x3FB4] =	sst s0;
	s0 =	simm.s32 @!p1 $0x0  }
0x14: {  	s2 =	sld [smem:$0x3F98];
	s0 =	simm.s32 @p1 $0x1  }
0x15: {  	[smem:$0x3FB5] =	sst s0;
	s0 =	simm.s32 @!p2 $0x0  }
0x16: {  	s3 =	sld [smem:$0x3FDB];
	s0 =	simm.s32 @p2 $0x1  }
0x17: {  	s4 =	simm.s32 $0x1BF5;
	[smem:$0x3FB7] =	sst s0  }
0x18: {  	s0 =	sld [smem:$0x3F9A];
	_ =	swait.ge [sflag:s4], $0x0  }
0x19: {  	s7 =	sld [smem:$0x3F9B]  }
0x1a: {  	s8 =	sadd.s32 $0xFFFFE003, lr  }
0x1b: {  	s9 =	sadd.s32 $0xFFFFFEF7, lr;
	s5 =	simm.s32 $0xFFFFFFFF;
	p2 =	slt.u32 s8, $0xFFFFF086  }
0x1c: {  	p1 =	slt.u32 s9, $0xF7A;
	s5 =	simm.s32 @!p2 $0x0  }
0x1d: {  	s5 =	simm.s32 @p1 $0x1;
	p0 =	seq.s32 s7, s2  }
0x1e: {  	s7 =	smul.u32 @!p0 $0xF7A, s2;
	p2 =	seq.s32 @!p0 s5, $0x0  }
0x1f: {  	s9 =	smul.u32 $0xF7A, s1;
	s8 =	simm.s32 @!p0 $0x1BF5;
	p2 =	por !p2, p0  }
0x20: {  	[sflag:s8] =	ssyncset.s32 @!p0 $0xFFFFF086;
	s6 =	sadd.s32 @!p0 s3, s7;
	s7 =	simm.s32 @!p0 $0x108  }
0x21: {  	s3 =	sadd.s32 s3, s9;
	s6 =	sadd.s32 @!p0 $0x88, s6;
	s7 =	simm.s32 @p2 $0x1082  }
0x22: {  	[simem:s7], [sflag:s8] =	dma.local @!p0 [hbm:s6], $0xF7A  }
0x23: {  	s9 =	sor.u32 $0xD0000000, s2;
	s6 =	simm.s32 $0x108;
	_ =	swait.ge @!p0 [sflag:s8], $0x0  }
0x24: {  	s3 =	sadd.s32 $0x88, s3;
	s6 =	simm.s32 @!p1 $0x1082;
	[sflag:s4] =	ssyncset.s32 $0xFFFFF086  }
0x25: {  	[simem:s6], [sflag:s4] =	dma.local [hbm:s3], $0xF7A  }
0x26: {  	[smem:$0x3F9B] =	sst s1;
	(tag) =	ssettag s2;
	_ =	strace s9  }
0x27: {  	s1 =	sld [smem:$0x3FAB]  }
0x28: {  	s2 =	sld [smem:$0x3FAC]  }
0x29: {  	s4 =	sld [smem:$0x3FAE]  }
0x2a: {  	p0 =	seq.s32 s5, $0x0;
	s5 =	sld [smem:$0x3FAF]  }
0x2b: {  	s6 =	sld [smem:$0x3FB0]  }
0x2c: {  	s7 =	sld [smem:$0x3FB1]  }
0x2d: {  	s3 =	simm.s32 $0x108;
	s8 =	sld [smem:$0x3FB2]  }
0x2e: {  	s3 =	simm.s32 @!p0 $0x1082;
	s9 =	sld [smem:$0x3FB3]  }
0x2f: {  	lr =	sadd.s32 s0, s3;
	s0 =	sld [smem:$0x3FAA]  }
0x30: {  	s3 =	sld [smem:$0x3FAD]  }
0x31: {  	[smem:$0x3FB6] =	sst s10  }
0x32: {  	s10 =	sld [smem:$0x3FB4];
	_ =	sdelay $0x3  }
0x33: {  	p0 =	seq.s32 s10, $0x1;
	s10 =	sld [smem:$0x3FB6];
	_ =	sdelay $0x3  }
0x34: {  	[smem:$0x3FB6] =	sst s10  }
0x35: {  	s10 =	sld [smem:$0x3FB5];
	_ =	sdelay $0x3  }
0x36: {  	p1 =	seq.s32 s10, $0x1;
	s10 =	sld [smem:$0x3FB6];
	_ =	sdelay $0x3  }
0x37: {  	[smem:$0x3FB6] =	sst s10  }
0x38: {  	s10 =	sld [smem:$0x3FB7]  }
0x39: {  	_ = 	snop;
	(pc) =	sbr.ind lr, $3  }
0x3a: {  	_ = 	snop  }
0x3b: {  	_ = 	snop  }
0x3c: {  	p2 =	seq.s32 s10, $0x1;
	s10 =	sld [smem:$0x3FB6]  }
0x3d: {  	_ =	shalt  }
0x3e: {  	_ =	shalt  }
0x3f: {  	_ =	shalt  }
0x40: {  	_ =	shalt  }
0x41: {  	_ =	shalt  }
0x42: {  	_ =	shalt  }
0x43: {  	_ =	shalt  }
0x44: {  	_ =	shalt  }
0x45: {  	_ =	shalt  }
0x46: {  	_ =	shalt  }
0x47: {  	_ =	shalt  }
0x48: {  	_ =	shalt  }
0x49: {  	_ =	shalt  }
0x4a: {  	_ =	shalt  }
0x4b: {  	_ =	shalt  }
0x4c: {  	_ =	shalt  }
0x4d: {  	_ =	shalt  }
0x4e: {  	_ =	shalt  }
0x4f: {  	_ =	shalt  }
0x50: {  	_ =	shalt  }
0x51: {  	_ =	shalt  }
0x52: {  	_ =	shalt  }
0x53: {  	_ =	shalt  }
0x54: {  	_ =	shalt  }
0x55: {  	_ =	shalt  }
0x56: {  	_ =	shalt  }
0x57: {  	_ =	shalt  }
0x58: {  	_ =	shalt  }
0x59: {  	_ =	shalt  }
0x5a: {  	_ =	shalt  }
0x5b: {  	_ =	shalt  }
0x5c: {  	_ =	shalt  }
0x5d: {  	_ =	shalt  }
0x5e: {  	_ =	shalt  }
0x5f: {  	_ =	shalt  }
0x60: {  	_ =	shalt  }
0x61: {  	_ =	shalt  }
0x62: {  	_ =	shalt  }
0x63: {  	_ =	shalt  }
0x64: {  	_ =	shalt  }
0x65: {  	_ =	shalt  }
0x66: {  	_ =	shalt  }
0x67: {  	_ =	shalt  }
0x68: {  	_ =	shalt  }
0x69: {  	_ =	shalt  }
0x6a: {  	_ =	shalt  }
0x6b: {  	_ =	shalt  }
0x6c: {  	_ =	shalt  }
0x6d: {  	_ =	shalt  }
0x6e: {  	_ =	shalt  }
0x6f: {  	_ =	shalt  }
0x70: {  	_ =	shalt  }
0x71: {  	_ =	shalt  }
0x72: {  	_ =	shalt  }
0x73: {  	_ =	shalt  }
0x74: {  	_ =	shalt  }
0x75: {  	_ =	shalt  }
0x76: {  	_ =	shalt  }
0x77: {  	_ =	shalt  }
0x78: {  	_ =	shalt  }
0x79: {  	_ =	shalt  }
0x7a: {  	_ =	shalt  }
0x7b: {  	_ =	shalt  }
0x7c: {  	_ =	shalt  }
0x7d: {  	_ =	shalt  }
0x7e: {  	_ =	shalt  }
0x7f: {  	_ =	shalt  }
0x80: {  	_ =	shalt  }
0x81: {  	_ =	shalt  }
0x82: {  	_ =	shalt  }
0x83: {  	_ =	shalt  }
0x84: {  	_ =	shalt  }
0x85: {  	_ =	shalt  }
0x86: {  	_ =	shalt  }
0x87: {  	_ =	shalt  }
.Lfunc_end0:
.L_simem_size_0:
called_computation_lowered:
.L_overlay_start_0:
0x88: {  	s2 =	sld [smem:$0x3FD9]  }
0x89: {  	s3 =	sld [smem:$0x3FFE];
	_ =	sdelay $0x1  }
0x8a: {  	s1 =	srdreg.scid  }
0x8b: {  	s0 =	sand.u32 $0x1, s1  }
0x8c: {  	s17 =	sshll.u32 s0, $0xA;
	s2 =	sadd.s32 s3, s2  }
0x8d: {  	s2 =	sadd.s32 s2, s17  }
0x8e: {  	[smem:$0x3FC2] =	sst s2  }
0x8f: {  	_ = 	snop  }
0x90: {  	s2 =	sld [smem:$0x3FD0];
	(tm) =	ssettm $0x1  }
0x91: {  	s18 =	sld [smem:$0x3FFB];
	_ =	sdelay $0x3  }
0x92: {  	_ =	strace s18  }
0x93: {  	s3 =	sld [smem:$0x3FFC];
	_ =	sdelay $0x3  }
0x94: {  	_ =	strace s3  }
0x95: {  	s3 =	sld [smem:$0x3FFD];
	_ =	sdelay $0x3  }
0x96: {  	_ =	strace s3  }
0x97: {  	_ =	strace $0x8FFFFFFF  }
0x98: {  	s19 =	sld [smem:$0x3FDB];
	_ =	sdelay $0x1  }
0x99: {  	s4 =	simm.s32 $_scs_section_size  }
0x9a: {  	s5 =	simm.s32 $_size__tile_overlayer_lowered;
	s6 =	simm.s32 $_tile_overlayer_lowered  }
0x9b: {  	s22 =	simm.s32 $0x1BFF;
	s21 =	sshll.u32 s6, $0x1;
	s3 =	sadd.s32 s4, s19  }
0x9c: {  	s7 =	simm.s32 $0x0;
	s20 =	sshll.u32 s5, $0x1;
	s5 =	sadd.s32 s21, s3  }
0x9d: {  	[timem:s7], [sflag:s22] =	dma.local [hbm:s5], s20  }
0x9e: {  	_ =	swait.ge [sflag:s22], s20  }
0x9f: {  	s4 =	ssub.s32 $0x0, s20;
	[sflag:s22] =	ssyncset.done $0x0  }
0xa0: {  	[sflag:s22] =	ssyncadd.s32 s4;
	_ =	sdelay $0x1  }
0xa1: {  	s23 =	simm.s32 $0x1B8B  }
0xa2: {  	_ =	swait.ge [sflag:s23], $0x1  }
0xa3: {  	[sflag:s23] =	ssyncset.done $0x0  }
0xa4: {  	s25 =	simm.s32 $0x1B8E;
	s24 =	sld [smem:$0x3FFE];
	[sflag:s23] =	ssyncadd.s32 $0xFFFFFFFF  }
0xa5: {  	s26 =	simm.s32 $execute0_lowered;
	[smem:$0x3FD2] =	sst s25  }
0xa6: {  	s5 =	sshll.u32 s26, $0x1;
	_ =	strace $0x80000046;
	[dreg:$0x1] =	wrdreg $0xFFFFFFFF  }
0xa7: {  	s28 =	simm.s32 $_size_execute0_lowered;
	s3 =	sadd.s32 s3, s5;
	[dreg:$0x0] =	wrdreg $0x0  }
0xa8: {  	s5 =	sshll.u32 s28, $0x1;
	[dreg:$0x2] =	wrdreg s3  }
0xa9: {  	[dreg:$0x3] =	wrdreg s5  }
0xaa: {  	[dreg:$0x4] =	wrdreg $0xC0  }
0xab: {  	_ =	task [dreg:s7], $0x5FFFF  }
0xac: {  	[dreg:$0x1] =	wrdreg $0xFFFFFFFF  }
0xad: {  	[dreg:$0x0] =	wrdreg $0x60  }
0xae: {  	[dreg:$0x2] =	wrdreg s2  }
0xaf: {  	[dreg:$0x3] =	wrdreg s24  }
0xb0: {  	[dreg:$0x4] =	wrdreg $0x9  }
0xb1: {  	_ =	task.clear_ibuf [dreg:s7], $0x5FFFF;
	_ =	strace $0x90000046  }
0xb2: {  	s29 =	simm.s32 $0x9;
	_ =	strace $0x80000048  }
0xb3: {  	_ =	swait.ge [sflag:s29], $0x1  }
0xb4: {  	[sflag:s29] =	ssyncadd.s32 $0xFFFFFFFF  }
0xb5: {  	_ =	strace $0x90000048  }
0xb6: {  	_ =	sfence  }
0xb7: {  	s30 =	sld [smem:$0x0];
	_ =	sdelay $0x2  }
0xb8: {  	s31 =	sshll.u32 s1, $0xD;
	s1 =	sshrl.u32 s1, $0x2  }
0xb9: {  	s3 =	sand.u32 $0x4000, s31;
	s1 =	sadd.s32 s1, s30  }
0xba: {  	s0 =	sor.u32 s3, s0;
	s1 =	sshll.u32 s1, $0x11  }
0xbb: {  	s0 =	sor.u32 s1, s0  }
0xbc: {  	s0 =	sadd.s32 $0x8F2B, s0  }
0xbd: {  	[sflag:s0] =	ssyncadd.remote.s32 $0x1  }
0xbe: {  	_ =	sfence.sel $0xFFFF  }
0xbf: {  	[dreg:$0x0] =	wrdreg $0xFFFFFFFF;
	(pc) =	sbr.abs _section_cstart, $3  }
0xc0: {  	[dreg:$0x1] =	wrdreg $0xFFFFFFFF  }
0xc1: {  	_ =	task.clear_ibuf [dreg:s7], $0x2FFFF;
	_ =	strace $0x9FFFFFFF  }
0xc2: {  	(tm) =	ssettm $0x7FFFFFFF  }
0xc3: {  	_ =	shalt  }
tec
execute0_lowered:
.L_overlay_start_1:
0x0: {  	(tag) =	ssettag $0x1  }
0x1: {  	s1 =	srdreg.scid;
	s0 =	stileid.u32  }
0x2: {  	s30 =	sand.u32 $0x1, s1;
	s26 =	sshll.u32 s0, $0x1  }
0x3: {  	s15 =	sor.u32 s30, s26  }
0x4: {  	s9 =	rddreg [dreg:$0x1];
	s4 =	sshll.u32 s15, $0x8  }
0x5: {  	s2 =	rddreg [dreg:$0x0];
	s3 =	simm.s32 $0x0;
	s4 =	sadd.s32 s4, s9  }
0x6: {  	[smem:$0x7FF] =	sst s3;
	s4 =	sadd.s32 $0x2600, s4  }
0x7: {  	_ =	strace $0x80000047;
	[dreg:$0x3] =	wrdreg s4  }
0x8: {  	s4 =	simm.s32 $0x5;
	s5 =	rddreg [dreg:$0x3]  }
0x9: {  	[tilespmem:s3], [sflag:$0x5] =	stream.linear.gather [hbm4b:s5+s3], $0x500, $0x38;
	[tilespmem:$0x8800] =	vst v63  }
0xa: {  	_ =	swait.ge [sflag:s4], $0x500  }
0xb: {  	[sflag:s4] =	ssyncset.done $0x0  }
0xc: {  	s6 =	simm.s32 $0x800;
	s5 =	simm.s32 $0x80;
	[sflag:s4] =	ssyncadd.s32 $0xFFFFFB00  }
0xd: {  	[tilespmem:s6], [sflag:$0x1] =	stream.indirect.gather [hbm4b:s2+s5], $0x80, s3, s5, $0xb8;
	[tilespmem:$0x8800] =	vst v63  }
0xe: {  	s7 =	simm.s32 $0x4800;
	s8 =	simm.s32 $0x1  }
0xf: {  	[tilespmem:s7], [sflag:$0x2] =	stream.indirect.gather [hbm4b:s2+s5], $0x80, s5, s5, $0xb8;
	[tilespmem:$0x8800] =	vst v63  }
0x10: {  	s10 =	smul.u32 $0x5000, s15;
	_ =	swait.ge [sflag:s8], $0x4000  }
0x11: {  	s16 =	sadd.s32 $0x4600, s9;
	[sflag:s8] =	ssyncset.done $0x0  }
0x12: {  	s9 =	sadd.s32 s16, s10;
	s10 =	simm.s32 $0x3;
	[sflag:s8] =	ssyncadd.s32 $0xFFFFC000  }
0x13: {  	[hbm4b:s9+s3] =	stream.linear.scatter [tilespmem:s6], [sflag:$0x3], $0x4000, $0x38;
	[tilespmem:$0x8800] =	vst v63  }
0x14: {  	_ =	swait.ge [sflag:s10], $0x4000  }
0x15: {  	[sflag:s10] =	ssyncset.done $0x0  }
0x16: {  	s11 =	simm.s32 $0x100;
	s12 =	simm.s32 $0x2;
	[sflag:s10] =	ssyncadd.s32 $0xFFFFC000  }
0x17: {  	[tilespmem:s6], [sflag:$0x1] =	stream.indirect.gather [hbm4b:s2+s5], $0x80, s11, s5, $0xb8;
	[tilespmem:$0x8800] =	vst v63  }
0x18: {  	_ =	swait.ge [sflag:s12], $0x4000  }
0x19: {  	[sflag:s12] =	ssyncset.done $0x0  }
0x1a: {  	s13 =	simm.s32 $0x4;
	s14 =	sadd.s32 $0x800, s9;
	[sflag:s12] =	ssyncadd.s32 $0xFFFFC000  }
0x1b: {  	[hbm4b:s14+s3] =	stream.linear.scatter [tilespmem:s7], [sflag:$0x4], $0x4000, $0x38;
	[tilespmem:$0x8800] =	vst v63  }
0x1c: {  	_ =	swait.ge [sflag:s13], $0x4000  }
0x1d: {  	[sflag:s13] =	ssyncset.done $0x0  }
0x1e: {  	s17 =	smul.u32 $0x28000, s15;
	s15 =	simm.s32 $0x180;
	[sflag:s13] =	ssyncadd.s32 $0xFFFFC000  }
0x1f: {  	[tilespmem:s7], [sflag:$0x2] =	stream.indirect.gather [hbm4b:s2+s5], $0x80, s15, s5, $0xb8;
	[tilespmem:$0x8800] =	vst v63  }
0x20: {  	s17 =	sshrl.u32 s17, $0x3;
	_ =	swait.ge [sflag:s8], $0x4000  }
0x21: {  	s31 =	sadd.s32 s16, s17;
	[sflag:s8] =	ssyncset.done $0x0  }
0x22: {  	s16 =	sadd.s32 $0x1000, s31;
	[sflag:s8] =	ssyncadd.s32 $0xFFFFC000  }
0x23: {  	[hbm4b:s16+s3] =	stream.linear.scatter [tilespmem:s6], [sflag:$0x3], $0x4000, $0x38;
	[tilespmem:$0x8800] =	vst v63  }
0x24: {  	_ =	swait.ge [sflag:s10], $0x4000  }
0x25: {  	[sflag:s10] =	ssyncset.done $0x0  }
0x26: {  	s17 =	simm.s32 $0x200;
	[sflag:s10] =	ssyncadd.s32 $0xFFFFC000  }
0x27: {  	[tilespmem:s6], [sflag:$0x1] =	stream.indirect.gather [hbm4b:s2+s5], $0x80, s17, s5, $0xb8;
	[tilespmem:$0x8800] =	vst v63  }
0x28: {  	_ =	swait.ge [sflag:s12], $0x4000  }
0x29: {  	[sflag:s12] =	ssyncset.done $0x0  }
0x2a: {  	s18 =	sadd.s32 $0x1800, s31;
	[sflag:s12] =	ssyncadd.s32 $0xFFFFC000  }
0x2b: {  	[hbm4b:s18+s3] =	stream.linear.scatter [tilespmem:s7], [sflag:$0x4], $0x4000, $0x38;
	[tilespmem:$0x8800] =	vst v63  }
0x2c: {  	_ =	swait.ge [sflag:s13], $0x4000  }
0x2d: {  	[sflag:s13] =	ssyncset.done $0x0  }
0x2e: {  	s19 =	simm.s32 $0x280;
	[sflag:s13] =	ssyncadd.s32 $0xFFFFC000  }
0x2f: {  	[tilespmem:s7], [sflag:$0x2] =	stream.indirect.gather [hbm4b:s2+s5], $0x80, s19, s5, $0xb8;
	[tilespmem:$0x8800] =	vst v63  }
0x30: {  	_ =	swait.ge [sflag:s8], $0x4000  }
0x31: {  	[sflag:s8] =	ssyncset.done $0x0  }
0x32: {  	s20 =	sadd.s32 $0x2000, s31;
	[sflag:s8] =	ssyncadd.s32 $0xFFFFC000  }
0x33: {  	[hbm4b:s20+s3] =	stream.linear.scatter [tilespmem:s6], [sflag:$0x3], $0x4000, $0x38;
	[tilespmem:$0x8800] =	vst v63  }
0x34: {  	_ =	swait.ge [sflag:s10], $0x4000  }
0x35: {  	[sflag:s10] =	ssyncset.done $0x0  }
0x36: {  	s21 =	simm.s32 $0x300;
	[sflag:s10] =	ssyncadd.s32 $0xFFFFC000  }
0x37: {  	[tilespmem:s6], [sflag:$0x1] =	stream.indirect.gather [hbm4b:s2+s5], $0x80, s21, s5, $0xb8;
	[tilespmem:$0x8800] =	vst v63  }
0x38: {  	_ =	swait.ge [sflag:s12], $0x4000  }
0x39: {  	[sflag:s12] =	ssyncset.done $0x0  }
0x3a: {  	s22 =	sadd.s32 $0x2800, s31;
	[sflag:s12] =	ssyncadd.s32 $0xFFFFC000  }
0x3b: {  	[hbm4b:s22+s3] =	stream.linear.scatter [tilespmem:s7], [sflag:$0x4], $0x4000, $0x38;
	[tilespmem:$0x8800] =	vst v63  }
0x3c: {  	_ =	swait.ge [sflag:s13], $0x4000  }
0x3d: {  	[sflag:s13] =	ssyncset.done $0x0  }
0x3e: {  	s23 =	simm.s32 $0x380;
	[sflag:s13] =	ssyncadd.s32 $0xFFFFC000  }
0x3f: {  	[tilespmem:s7], [sflag:$0x2] =	stream.indirect.gather [hbm4b:s2+s5], $0x80, s23, s5, $0xb8;
	[tilespmem:$0x8800] =	vst v63  }
0x40: {  	_ =	swait.ge [sflag:s8], $0x4000  }
0x41: {  	[sflag:s8] =	ssyncset.done $0x0  }
0x42: {  	s24 =	sadd.s32 $0x3000, s31;
	[sflag:s8] =	ssyncadd.s32 $0xFFFFC000  }
0x43: {  	[hbm4b:s24+s3] =	stream.linear.scatter [tilespmem:s6], [sflag:$0x3], $0x4000, $0x38;
	[tilespmem:$0x8800] =	vst v63  }
0x44: {  	_ =	swait.ge [sflag:s10], $0x4000  }
0x45: {  	[sflag:s10] =	ssyncset.done $0x0  }
0x46: {  	s25 =	simm.s32 $0x400;
	[sflag:s10] =	ssyncadd.s32 $0xFFFFC000  }
0x47: {  	[tilespmem:s6], [sflag:$0x1] =	stream.indirect.gather [hbm4b:s2+s5], $0x80, s25, s5, $0xb8;
	[tilespmem:$0x8800] =	vst v63  }
0x48: {  	_ =	swait.ge [sflag:s12], $0x4000  }
0x49: {  	[sflag:s12] =	ssyncset.done $0x0  }
0x4a: {  	s26 =	sadd.s32 $0x3800, s31;
	[sflag:s12] =	ssyncadd.s32 $0xFFFFC000  }
0x4b: {  	[hbm4b:s26+s3] =	stream.linear.scatter [tilespmem:s7], [sflag:$0x4], $0x4000, $0x38;
	[tilespmem:$0x8800] =	vst v63  }
0x4c: {  	_ =	swait.ge [sflag:s13], $0x4000  }
0x4d: {  	[sflag:s13] =	ssyncset.done $0x0  }
0x4e: {  	s28 =	simm.s32 $0x480;
	[sflag:s13] =	ssyncadd.s32 $0xFFFFC000  }
0x4f: {  	[tilespmem:s7], [sflag:$0x2] =	stream.indirect.gather [hbm4b:s2+s5], $0x80, s28, s5, $0xb8;
	[tilespmem:$0x8800] =	vst v63  }
0x50: {  	_ =	swait.ge [sflag:s8], $0x4000  }
0x51: {  	s1 =	ssub.s32 $0x2, s30;
	s29 =	sadd.s32 $0x4000, s31;
	[sflag:s8] =	ssyncset.done $0x0  }
0x52: {  	s30 =	sadd.s32 $0x4800, s31;
	s31 =	sshrl.u32 s1, $0x1;
	[sflag:s8] =	ssyncadd.s32 $0xFFFFC000  }
0x53: {  	[hbm4b:s29+s3] =	stream.linear.scatter [tilespmem:s6], [sflag:$0x3], $0x4000, $0x38;
	[tilespmem:$0x8800] =	vst v63  }
0x54: {  	s1 =	ssub.s32 s1, s31;
	_ =	swait.ge [sflag:s12], $0x4000  }
0x55: {  	s1 =	smax.u32 s1, $0x1;
	[sflag:s12] =	ssyncset.done $0x0  }
0x56: {  	p0 =	sne.s32 s1, $0x1;
	[sflag:s12] =	ssyncadd.s32 $0xFFFFC000  }
0x57: {  	[hbm4b:s30+s3] =	stream.linear.scatter [tilespmem:s7], [sflag:$0x4], $0x4000, $0x38;
	[tilespmem:$0x8800] =	vst v63  }
.Ltmp0:
0x58: {  	_ =	swait.ge [sflag:s10], $0x4000;
	(pc) =	sbr.rel @!p0 .LBB2_2-.Ltmp0, $4  }
0x59: {  	[sflag:s10] =	ssyncset.done $0x0  }
0x5a: {  	[sflag:s10] =	ssyncadd.s32 $0xFFFFC000  }
0x5b: {  	_ =	swait.ge [sflag:s13], $0x4000  }
0x5c: {  	s31 =	sadd.s32 $0xFFFFFFFF, s1;
	[sflag:s13] =	ssyncset.done $0x0  }
.LBB2_1:
0x5d: {  	s1 =	rddreg [dreg:$0x3];
	[sflag:s13] =	ssyncadd.s32 $0xFFFFC000  }
0x5e: {  	[tilespmem:s3], [sflag:$0x5] =	stream.linear.gather [hbm4b:s1+s3], $0x500, $0x38;
	[tilespmem:$0x8800] =	vst v63  }
0x5f: {  	_ =	swait.ge [sflag:s4], $0x500  }
0x60: {  	[sflag:s4] =	ssyncset.done $0x0  }
0x61: {  	[sflag:s4] =	ssyncadd.s32 $0xFFFFFB00  }
0x62: {  	[tilespmem:s6], [sflag:$0x1] =	stream.indirect.gather [hbm4b:s2+s5], $0x80, s3, s5, $0xb8;
	[tilespmem:$0x8800] =	vst v63  }
0x63: {  	_ = 	snop  }
0x64: {  	[tilespmem:s7], [sflag:$0x2] =	stream.indirect.gather [hbm4b:s2+s5], $0x80, s5, s5, $0xb8;
	[tilespmem:$0x8800] =	vst v63  }
0x65: {  	_ =	swait.ge [sflag:s8], $0x4000  }
0x66: {  	[sflag:s8] =	ssyncset.done $0x0  }
0x67: {  	[sflag:s8] =	ssyncadd.s32 $0xFFFFC000  }
0x68: {  	[hbm4b:s9+s3] =	stream.linear.scatter [tilespmem:s6], [sflag:$0x3], $0x4000, $0x38;
	[tilespmem:$0x8800] =	vst v63  }
0x69: {  	_ =	swait.ge [sflag:s10], $0x4000  }
0x6a: {  	[sflag:s10] =	ssyncset.done $0x0  }
0x6b: {  	[sflag:s10] =	ssyncadd.s32 $0xFFFFC000  }
0x6c: {  	[tilespmem:s6], [sflag:$0x1] =	stream.indirect.gather [hbm4b:s2+s5], $0x80, s11, s5, $0xb8;
	[tilespmem:$0x8800] =	vst v63  }
0x6d: {  	_ =	swait.ge [sflag:s12], $0x4000  }
0x6e: {  	[sflag:s12] =	ssyncset.done $0x0  }
0x6f: {  	[sflag:s12] =	ssyncadd.s32 $0xFFFFC000  }
0x70: {  	[hbm4b:s14+s3] =	stream.linear.scatter [tilespmem:s7], [sflag:$0x4], $0x4000, $0x38;
	[tilespmem:$0x8800] =	vst v63  }
0x71: {  	_ =	swait.ge [sflag:s13], $0x4000  }
0x72: {  	[sflag:s13] =	ssyncset.done $0x0  }
0x73: {  	[sflag:s13] =	ssyncadd.s32 $0xFFFFC000  }
0x74: {  	[tilespmem:s7], [sflag:$0x2] =	stream.indirect.gather [hbm4b:s2+s5], $0x80, s15, s5, $0xb8;
	[tilespmem:$0x8800] =	vst v63  }
0x75: {  	_ =	swait.ge [sflag:s8], $0x4000  }
0x76: {  	[sflag:s8] =	ssyncset.done $0x0  }
0x77: {  	[sflag:s8] =	ssyncadd.s32 $0xFFFFC000  }
0x78: {  	[hbm4b:s16+s3] =	stream.linear.scatter [tilespmem:s6], [sflag:$0x3], $0x4000, $0x38;
	[tilespmem:$0x8800] =	vst v63  }
0x79: {  	_ =	swait.ge [sflag:s10], $0x4000  }
0x7a: {  	[sflag:s10] =	ssyncset.done $0x0  }
0x7b: {  	[sflag:s10] =	ssyncadd.s32 $0xFFFFC000  }
0x7c: {  	[tilespmem:s6], [sflag:$0x1] =	stream.indirect.gather [hbm4b:s2+s5], $0x80, s17, s5, $0xb8;
	[tilespmem:$0x8800] =	vst v63  }
0x7d: {  	_ =	swait.ge [sflag:s12], $0x4000  }
0x7e: {  	[sflag:s12] =	ssyncset.done $0x0  }
0x7f: {  	[sflag:s12] =	ssyncadd.s32 $0xFFFFC000  }
0x80: {  	[hbm4b:s18+s3] =	stream.linear.scatter [tilespmem:s7], [sflag:$0x4], $0x4000, $0x38;
	[tilespmem:$0x8800] =	vst v63  }
0x81: {  	_ =	swait.ge [sflag:s13], $0x4000  }
0x82: {  	[sflag:s13] =	ssyncset.done $0x0  }
0x83: {  	[sflag:s13] =	ssyncadd.s32 $0xFFFFC000  }
0x84: {  	[tilespmem:s7], [sflag:$0x2] =	stream.indirect.gather [hbm4b:s2+s5], $0x80, s19, s5, $0xb8;
	[tilespmem:$0x8800] =	vst v63  }
0x85: {  	_ =	swait.ge [sflag:s8], $0x4000  }
0x86: {  	[sflag:s8] =	ssyncset.done $0x0  }
0x87: {  	[sflag:s8] =	ssyncadd.s32 $0xFFFFC000  }
0x88: {  	[hbm4b:s20+s3] =	stream.linear.scatter [tilespmem:s6], [sflag:$0x3], $0x4000, $0x38;
	[tilespmem:$0x8800] =	vst v63  }
0x89: {  	_ =	swait.ge [sflag:s10], $0x4000  }
0x8a: {  	[sflag:s10] =	ssyncset.done $0x0  }
0x8b: {  	[sflag:s10] =	ssyncadd.s32 $0xFFFFC000  }
0x8c: {  	[tilespmem:s6], [sflag:$0x1] =	stream.indirect.gather [hbm4b:s2+s5], $0x80, s21, s5, $0xb8;
	[tilespmem:$0x8800] =	vst v63  }
0x8d: {  	_ =	swait.ge [sflag:s12], $0x4000  }
0x8e: {  	[sflag:s12] =	ssyncset.done $0x0  }
0x8f: {  	[sflag:s12] =	ssyncadd.s32 $0xFFFFC000  }
0x90: {  	[hbm4b:s22+s3] =	stream.linear.scatter [tilespmem:s7], [sflag:$0x4], $0x4000, $0x38;
	[tilespmem:$0x8800] =	vst v63  }
0x91: {  	_ =	swait.ge [sflag:s13], $0x4000  }
0x92: {  	[sflag:s13] =	ssyncset.done $0x0  }
0x93: {  	[sflag:s13] =	ssyncadd.s32 $0xFFFFC000  }
0x94: {  	[tilespmem:s7], [sflag:$0x2] =	stream.indirect.gather [hbm4b:s2+s5], $0x80, s23, s5, $0xb8;
	[tilespmem:$0x8800] =	vst v63  }
0x95: {  	_ =	swait.ge [sflag:s8], $0x4000  }
0x96: {  	[sflag:s8] =	ssyncset.done $0x0  }
0x97: {  	[sflag:s8] =	ssyncadd.s32 $0xFFFFC000  }
0x98: {  	[hbm4b:s24+s3] =	stream.linear.scatter [tilespmem:s6], [sflag:$0x3], $0x4000, $0x38;
	[tilespmem:$0x8800] =	vst v63  }
0x99: {  	_ =	swait.ge [sflag:s10], $0x4000  }
0x9a: {  	[sflag:s10] =	ssyncset.done $0x0  }
0x9b: {  	[sflag:s10] =	ssyncadd.s32 $0xFFFFC000  }
0x9c: {  	[tilespmem:s6], [sflag:$0x1] =	stream.indirect.gather [hbm4b:s2+s5], $0x80, s25, s5, $0xb8;
	[tilespmem:$0x8800] =	vst v63  }
0x9d: {  	_ =	swait.ge [sflag:s12], $0x4000  }
0x9e: {  	[sflag:s12] =	ssyncset.done $0x0  }
0x9f: {  	[sflag:s12] =	ssyncadd.s32 $0xFFFFC000  }
0xa0: {  	[hbm4b:s26+s3] =	stream.linear.scatter [tilespmem:s7], [sflag:$0x4], $0x4000, $0x38;
	[tilespmem:$0x8800] =	vst v63  }
0xa1: {  	_ =	swait.ge [sflag:s13], $0x4000  }
0xa2: {  	[sflag:s13] =	ssyncset.done $0x0  }
0xa3: {  	[sflag:s13] =	ssyncadd.s32 $0xFFFFC000  }
0xa4: {  	[tilespmem:s7], [sflag:$0x2] =	stream.indirect.gather [hbm4b:s2+s5], $0x80, s28, s5, $0xb8;
	[tilespmem:$0x8800] =	vst v63  }
0xa5: {  	_ =	swait.ge [sflag:s8], $0x4000  }
0xa6: {  	[sflag:s8] =	ssyncset.done $0x0  }
0xa7: {  	[sflag:s8] =	ssyncadd.s32 $0xFFFFC000  }
0xa8: {  	[hbm4b:s29+s3] =	stream.linear.scatter [tilespmem:s6], [sflag:$0x3], $0x4000, $0x38;
	[tilespmem:$0x8800] =	vst v63  }
0xa9: {  	_ =	swait.ge [sflag:s12], $0x4000  }
0xaa: {  	[sflag:s12] =	ssyncset.done $0x0  }
0xab: {  	p0 =	sne.s32 s31, $0x1;
	[sflag:s12] =	ssyncadd.s32 $0xFFFFC000  }
0xac: {  	[hbm4b:s30+s3] =	stream.linear.scatter [tilespmem:s7], [sflag:$0x4], $0x4000, $0x38;
	[tilespmem:$0x8800] =	vst v63  }
.Ltmp1:
0xad: {  	_ =	swait.ge [sflag:s10], $0x4000;
	(pc) =	sbr.rel @p0 .LBB2_1-.Ltmp1, $4  }
0xae: {  	[sflag:s10] =	ssyncset.done $0x0  }
0xaf: {  	[sflag:s10] =	ssyncadd.s32 $0xFFFFC000  }
0xb0: {  	_ =	swait.ge [sflag:s13], $0x4000  }
0xb1: {  	s31 =	sadd.s32 $0xFFFFFFFF, s31;
	[sflag:s13] =	ssyncset.done $0x0  }
.LBB2_2:
0xb2: {  	[sflag:s13] =	ssyncadd.s32 $0xFFFFC000  }
0xb3: {  	_ =	sfence.sel $0x180000  }
0xb4: {  	[bflag:$0x0] =	sbarrier.arrive $0xFFFF  }
0xb5: {  	_ =	strace $0x90000047  }
0xb6: {  	[bflag:$0x2] =	sbarrier.arrive $0xFFFF  }
0xb7: {  	p0 =	sne.s32 s0, $0x0;
	s0 =	rddreg [dreg:$0x2]  }
0xb8: {  	s0 =	sadd.s32 @!p0 $0x100000, s0  }
0xb9: {  	[sflag:s0] =	ssyncadd.tile.s32 @!p0 $0x1;
	_ =	shalt  }
.Lfunc_end2:
_tile_overlayer_lowered:
.L_overlay_start_2:
0xba: {  	(tag) =	ssettag $0x2  }
0xbb: {  	s0 =	rddreg [dreg:$0x0];
	s2 =	stileid.u32  }
0xbc: {  	s1 =	rddreg [dreg:$0x1];
	p0 =	sne.s32 s2, $0x0  }
0xbd: {  	s3 =	rddreg [dreg:$0x2];
	[bflag:$0x3] =	sbarrier.arrive $0xFFFF;
	s2 =	simm.s32 @!p0 $0x1C05  }
0xbe: {  	[timem:s3], [sflag:s2] =	dma.local @!p0 [hbm:s0], s1  }
0xbf: {  	s0 =	simm.s32 @!p0 $0x5  }
0xc0: {  	_ =	swait.ge @!p0 [sflag:s0], s1  }
0xc1: {  	s1 =	ssub.s32 @!p0 $0x0, s1;
	[sflag:s0] =	ssyncset.done @!p0 $0x0  }
0xc2: {  	[sflag:s0] =	ssyncadd.s32 @!p0 s1  }
0xc3: {  	[bflag:$0x3] =	sbarrier.arrive $0xFFFF  }
0xc4: {  	_ =	shalt  }

</sc_bundles>
